<compile_context>
chip_gen: v7x
topology: tpu7x:2x2x1
jax: 0.10.2.dev20260603
libtpu: 0.0.44.dev20260713+nightly
codegen_flags: <defaults>
</compile_context>

<pallas_src>
import functools

import jax
import jax.numpy as jnp
from jax import lax
from jax.experimental import pallas as pl
from jax.experimental.pallas import tpu as pltpu
from jax.experimental.pallas import tpu_sc as plsc

B = 16384
K = 20
V = 100000
D = 64

NC = 2
NS = 16
NW = NC * NS
CB = 16
NSEG = D // 16
ND = K + 1

_B_PER_W = B // NW
_CHUNKS_PER_W = _B_PER_W // CB
_NEG_PER_W = _B_PER_W * K
_NPC = CB * K
_G = B // CB
_NDOT = CB * ND
_NGRP = _NDOT // 16


def _sc_logits(center, context, negs, wi, wo):
    mesh = plsc.VectorSubcoreMesh(
        core_axis_name="c", subcore_axis_name="s", num_cores=NC, num_subcores=NS
    )

    @functools.partial(
        pl.kernel,
        mesh=mesh,
        out_type=jax.ShapeDtypeStruct((_G, ND, CB), jnp.float32),
        scratch_types=[
            pltpu.VMEM((_B_PER_W,), jnp.int32),
            pltpu.VMEM((_B_PER_W,), jnp.int32),
            pltpu.VMEM((_NEG_PER_W,), jnp.int32),
            pltpu.VMEM((CB, D), jnp.float32),
            pltpu.VMEM((CB, D), jnp.float32),
            pltpu.VMEM((_NPC, D), jnp.float32),
            pltpu.VMEM((CB, D), jnp.float32),
            pltpu.VMEM((CB, D), jnp.float32),
            pltpu.VMEM((_NPC, D), jnp.float32),
            pltpu.VMEM((_NDOT, 17), jnp.float32),
            pltpu.VMEM((ND, CB), jnp.float32),
            pltpu.VMEM((ND, CB), jnp.float32),
            pltpu.SemaphoreType.DMA,
            pltpu.SemaphoreType.DMA,
            pltpu.SemaphoreType.DMA,
            pltpu.SemaphoreType.DMA,
        ],
        compiler_params=pltpu.CompilerParams(
            use_tc_tiling_on_sc=False, needs_layout_passes=False),
    )
    def k(center_h, context_h, negs_h, wi_h, wo_h, out_h,
          cidx_v, xidx_v, nidx_v,
          wi_a, wop_a, won_a, wi_b, wop_b, won_b,
          part_v, log_a, log_b, sem_a, sem_b, sem_la, sem_lb):
        wid = lax.axis_index("s") * NC + lax.axis_index("c")
        lane = jnp.arange(16, dtype=jnp.int32)

        pltpu.sync_copy(center_h.at[pl.ds(wid * _B_PER_W, _B_PER_W)], cidx_v)
        pltpu.sync_copy(context_h.at[pl.ds(wid * _B_PER_W, _B_PER_W)], xidx_v)
        pltpu.sync_copy(negs_h.at[pl.ds(wid * _NEG_PER_W, _NEG_PER_W)], nidx_v)

        def gathers(c, wi_v, wop_v, won_v, sem):
            return [
                pltpu.async_copy(
                    wi_h.at[cidx_v.at[pl.ds(c * CB, CB)]], wi_v, sem),
                pltpu.async_copy(
                    wo_h.at[xidx_v.at[pl.ds(c * CB, CB)]], wop_v, sem),
                pltpu.async_copy(
                    wo_h.at[nidx_v.at[pl.ds(c * _NPC, 128)]],
                    won_v.at[pl.ds(0, 128)], sem),
                pltpu.async_copy(
                    wo_h.at[nidx_v.at[pl.ds(c * _NPC + 128, 128)]],
                    won_v.at[pl.ds(128, 128)], sem),
                pltpu.async_copy(
                    wo_h.at[nidx_v.at[pl.ds(c * _NPC + 256, 64)]],
                    won_v.at[pl.ds(256, 64)], sem),
            ]

        def drain(c, wi_v, wop_v, won_v, sem):
            pltpu.make_async_copy(
                wi_h.at[cidx_v.at[pl.ds(c * CB, CB)]], wi_v, sem).wait()
            pltpu.make_async_copy(
                wo_h.at[xidx_v.at[pl.ds(c * CB, CB)]], wop_v, sem).wait()
            pltpu.make_async_copy(
                wo_h.at[nidx_v.at[pl.ds(c * _NPC, 128)]],
                won_v.at[pl.ds(0, 128)], sem).wait()
            pltpu.make_async_copy(
                wo_h.at[nidx_v.at[pl.ds(c * _NPC + 128, 128)]],
                won_v.at[pl.ds(128, 128)], sem).wait()
            pltpu.make_async_copy(
                wo_h.at[nidx_v.at[pl.ds(c * _NPC + 256, 64)]],
                won_v.at[pl.ds(256, 64)], sem).wait()

        def compute(wi_v, wop_v, won_v, log_v):
            def dot_body(b, carry):
                wi_s = [wi_v[b, pl.ds(s * 16, 16)] for s in range(NSEG)]
                for j in range(ND):
                    if j == 0:
                        r = wop_v
                        row = b
                    else:
                        r = won_v
                        row = b * K + (j - 1)
                    acc = wi_s[0] * r[row, pl.ds(0, 16)]
                    for s in range(1, NSEG):
                        acc = acc + wi_s[s] * r[row, pl.ds(s * 16, 16)]
                    part_v[b * ND + j, pl.ds(0, 16)] = acc
                return carry

            lax.fori_loop(0, CB, dot_body, 0)

            def red_body(g, carry):
                rows = g * 16 + lane
                tot = plsc.load_gather(
                    part_v, [rows, jnp.zeros((16,), jnp.int32)])
                for l in range(1, 16):
                    tot = tot + plsc.load_gather(
                        part_v, [rows, jnp.full((16,), l, jnp.int32)])
                log_v[g, pl.ds(0, 16)] = tot
                return carry

            lax.fori_loop(0, _NGRP, red_body, 0)

        gathers(0, wi_a, wop_a, won_a, sem_a)
        gathers(1, wi_b, wop_b, won_b, sem_b)

        def body(t, carry):
            ca = 2 * t
            drain(ca, wi_a, wop_a, won_a, sem_a)

            @pl.when(t > 0)
            def _():
                pltpu.make_async_copy(log_a, out_h.at[0], sem_la).wait()

            compute(wi_a, wop_a, won_a, log_a)
            pltpu.async_copy(log_a, out_h.at[wid * _CHUNKS_PER_W + ca], sem_la)

            @pl.when(t < _CHUNKS_PER_W // 2 - 1)
            def _():
                gathers(ca + 2, wi_a, wop_a, won_a, sem_a)

            cb_ = ca + 1
            drain(cb_, wi_b, wop_b, won_b, sem_b)

            @pl.when(t > 0)
            def _():
                pltpu.make_async_copy(log_b, out_h.at[0], sem_lb).wait()

            compute(wi_b, wop_b, won_b, log_b)
            pltpu.async_copy(log_b, out_h.at[wid * _CHUNKS_PER_W + cb_], sem_lb)

            @pl.when(t < _CHUNKS_PER_W // 2 - 1)
            def _():
                gathers(cb_ + 2, wi_b, wop_b, won_b, sem_b)

            return carry

        lax.fori_loop(0, _CHUNKS_PER_W // 2, body, 0)
        pltpu.make_async_copy(log_a, out_h.at[0], sem_la).wait()
        pltpu.make_async_copy(log_b, out_h.at[0], sem_lb).wait()

    return k(center, context, negs, wi, wo)


def _softplus(x):
    return jnp.maximum(x, 0.0) + jnp.log1p(jnp.exp(-jnp.abs(x)))


_ROWS = 256


def _tc_loss(logits2d):
    inv_n = 1.0 / float(B * ND)
    width = ND * CB

    def body(l_ref, out_ref):
        i = pl.program_id(0)
        t = lax.broadcasted_iota(jnp.int32, (_ROWS, width), 1)
        sign = jnp.where(t % ND == 0, -1.0, 1.0).astype(jnp.float32)
        acc = jnp.sum(_softplus(sign * l_ref[...]))

        @pl.when(i == 0)
        def _init():
            out_ref[0, 0] = 0.0

        out_ref[0, 0] += acc * inv_n

    out = pl.pallas_call(
        body,
        grid=(_G // _ROWS,),
        in_specs=[pl.BlockSpec((_ROWS, width), lambda i: (i, 0))],
        out_specs=pl.BlockSpec(memory_space=pltpu.MemorySpace.SMEM),
        out_shape=jax.ShapeDtypeStruct((1, 1), jnp.float32),
    )(logits2d)
    return out[0, 0]


def kernel(center, context, negative_samples, wi_weight, wo_weight):
    center = center.astype(jnp.int32)
    context = context.astype(jnp.int32)
    negs = negative_samples.astype(jnp.int32).reshape(B * K)
    logits = _sc_logits(center, context, negs, wi_weight, wo_weight)
    return _tc_loss(logits.reshape(_G, ND * CB))

# --- scband reference (transcript-rebuilt; emitter-appended) ---
"""Pipeline reference for scband-p2-v-64235530879052 (READ-ONLY COPY).

The authoritative reference and input builder live on the scoring server;
editing this copy changes nothing except your own understanding.
"""

import jax, jax.numpy as jnp
import numpy as np

B = 16384
K = 20
V = 100000
D = 64


def setup_inputs(seed: int = 0) -> dict:
    key = jax.random.key(seed)
    k1, k2, k3, k4, k5 = jax.random.split(key, 5)
    center = jax.random.randint(k1, (B,), 0, V, dtype=jnp.int64 if jax.config.read('jax_enable_x64') else jnp.int32)
    context = jax.random.randint(k2, (B,), 0, V, dtype=center.dtype)
    negative_samples = jax.random.randint(k3, (B, K), 0, V, dtype=center.dtype)
    wi_weight = jax.random.uniform(k4, (V, D), minval=-0.025, maxval=0.025, dtype=jnp.float32)
    wo_weight = jax.random.uniform(k5, (V, D), minval=-0.025, maxval=0.025, dtype=jnp.float32)
    return {
        'center': center,
        'context': context,
        'negative_samples': negative_samples,
        'wi_weight': wi_weight,
        'wo_weight': wo_weight,
    }


def _softplus(x):
    # numerically stable softplus = log(1 + exp(x))
    return jnp.logaddexp(0.0, x)


def reference(center, context, negative_samples, wi_weight, wo_weight):
    # embedding gathers
    wi_center = jnp.take(wi_weight, center, axis=0)                 # [B, D]
    wo_positive = jnp.take(wo_weight, context, axis=0)              # [B, D]
    wo_negative = jnp.take(wo_weight, negative_samples, axis=0)     # [B, K, D]

    logits_positive = jnp.einsum('ij,ij->i', wi_center, wo_positive)      # [B]
    logits_negative = jnp.einsum('ik,ijk->ij', wi_center, wo_negative)    # [B, K]

    # BCE-with-logits, target=1 -> softplus(-z); target=0 -> softplus(z); reduction='sum'
    loss_positive = jnp.sum(_softplus(-logits_positive))
    loss_negative = jnp.sum(_softplus(logits_negative))

    n_samples = logits_positive.shape[0] * (logits_negative.shape[1] + 1)
    return (loss_positive + loss_negative) / n_samples

if __name__ == "__main__":
    import jax
    _d = setup_inputs()
    print(jax.jit(kernel)(*tuple(_d.values())))

</pallas_src>

<mosaic_0001>
#map = affine_map<(d0, d1) -> (0)>
#map1 = affine_map<(d0, d1) -> (0, 0)>
#map2 = affine_map<(d0, d1) -> (0, 0, 0)>
module attributes {stable_mosaic.version = 14 : i64} {
  func.func @k(%arg0: i32, %arg1: i32, %arg2: memref<16384xi32, #tpu.memory_space<hbm>>, %arg3: memref<16384xi32, #tpu.memory_space<hbm>>, %arg4: memref<327680xi32, #tpu.memory_space<hbm>>, %arg5: memref<100000x64xf32, #tpu.memory_space<hbm>>, %arg6: memref<100000x64xf32, #tpu.memory_space<hbm>>, %arg7: memref<1024x21x16xf32, #tpu.memory_space<hbm>>, %arg8: memref<512xi32, #tpu.memory_space<vmem>>, %arg9: memref<512xi32, #tpu.memory_space<vmem>>, %arg10: memref<10240xi32, #tpu.memory_space<vmem>>, %arg11: memref<16x64xf32, #tpu.memory_space<vmem>>, %arg12: memref<16x64xf32, #tpu.memory_space<vmem>>, %arg13: memref<320x64xf32, #tpu.memory_space<vmem>>, %arg14: memref<16x64xf32, #tpu.memory_space<vmem>>, %arg15: memref<16x64xf32, #tpu.memory_space<vmem>>, %arg16: memref<320x64xf32, #tpu.memory_space<vmem>>, %arg17: memref<336x17xf32, #tpu.memory_space<vmem>>, %arg18: memref<21x16xf32, #tpu.memory_space<vmem>>, %arg19: memref<21x16xf32, #tpu.memory_space<vmem>>, %arg20: memref<!tpu.dma_semaphore, #tpu.memory_space<semaphore_mem>>, %arg21: memref<!tpu.dma_semaphore, #tpu.memory_space<semaphore_mem>>, %arg22: memref<!tpu.dma_semaphore, #tpu.memory_space<semaphore_mem>>, %arg23: memref<!tpu.dma_semaphore, #tpu.memory_space<semaphore_mem>>) attributes {dimension_semantics = [#tpu.dimension_semantics<core_parallel>, #tpu.dimension_semantics<subcore_parallel>], iteration_bounds = array<i64: 2, 16>, scalar_prefetch = 0 : i64, scratch_operands = 16 : i64, tpu.core_type = #tpu.core_type<sc_vector_subcore>, window_params = [{transform_indices = #map}, {transform_indices = #map}, {transform_indices = #map}, {transform_indices = #map1}, {transform_indices = #map1}, {transform_indices = #map2}]} {
    %mul3A = arith.constant 2 : i32
    %mul3A_0 = arith.muli %arg1, %mul3A : i32
    %add3A = arith.addi %mul3A_0, %arg0 : i32
    %iota3A = tpu.iota {dimensions = array<i32: 0>} : vector<16xi32>
    %mul3A_1 = arith.constant 512 : i32
    %mul3A_2 = arith.muli %add3A, %mul3A_1 : i32
    "tpu.region"() ({
      %run_scoped3A = tpu.sem_alloc : memref<!tpu.dma_semaphore, #tpu.memory_space<semaphore_mem>>
      %dma_start3A_96 = tpu.memref_slice %arg2[%mul3A_2] : memref<16384xi32, #tpu.memory_space<hbm>> -> memref<512xi32, #tpu.memory_space<hbm>>
      %dma_start3A_97 = tpu.memref_slice %arg2[%mul3A_2] : memref<16384xi32, #tpu.memory_space<hbm>> -> memref<512xi32, #tpu.memory_space<hbm>>
      tpu.enqueue_dma source(%dma_start3A_97 : memref<512xi32, #tpu.memory_space<hbm>>) target(%arg8 : memref<512xi32, #tpu.memory_space<vmem>>) target_semaphore(%run_scoped3A : memref<!tpu.dma_semaphore, #tpu.memory_space<semaphore_mem>>)
      %dma_wait3A_98 = tpu.memref_slice %arg2[%mul3A_2] : memref<16384xi32, #tpu.memory_space<hbm>> -> memref<512xi32, #tpu.memory_space<hbm>>
      %dma_wait3A_99 = tpu.memref_slice %arg2[%mul3A_2] : memref<16384xi32, #tpu.memory_space<hbm>> -> memref<512xi32, #tpu.memory_space<hbm>>
      tpu.wait_dma2 semaphore(%run_scoped3A : memref<!tpu.dma_semaphore, #tpu.memory_space<semaphore_mem>>) src(%dma_wait3A_99 : memref<512xi32, #tpu.memory_space<hbm>>) dst(%arg8 : memref<512xi32, #tpu.memory_space<vmem>>)
      tpu.yield
    }) : () -> ()
    %mul3A_3 = arith.constant 512 : i32
    %mul3A_4 = arith.muli %add3A, %mul3A_3 : i32
    "tpu.region"() ({
      %run_scoped3A = tpu.sem_alloc : memref<!tpu.dma_semaphore, #tpu.memory_space<semaphore_mem>>
      %dma_start3A_96 = tpu.memref_slice %arg3[%mul3A_4] : memref<16384xi32, #tpu.memory_space<hbm>> -> memref<512xi32, #tpu.memory_space<hbm>>
      %dma_start3A_97 = tpu.memref_slice %arg3[%mul3A_4] : memref<16384xi32, #tpu.memory_space<hbm>> -> memref<512xi32, #tpu.memory_space<hbm>>
      tpu.enqueue_dma source(%dma_start3A_97 : memref<512xi32, #tpu.memory_space<hbm>>) target(%arg9 : memref<512xi32, #tpu.memory_space<vmem>>) target_semaphore(%run_scoped3A : memref<!tpu.dma_semaphore, #tpu.memory_space<semaphore_mem>>)
      %dma_wait3A_98 = tpu.memref_slice %arg3[%mul3A_4] : memref<16384xi32, #tpu.memory_space<hbm>> -> memref<512xi32, #tpu.memory_space<hbm>>
      %dma_wait3A_99 = tpu.memref_slice %arg3[%mul3A_4] : memref<16384xi32, #tpu.memory_space<hbm>> -> memref<512xi32, #tpu.memory_space<hbm>>
      tpu.wait_dma2 semaphore(%run_scoped3A : memref<!tpu.dma_semaphore, #tpu.memory_space<semaphore_mem>>) src(%dma_wait3A_99 : memref<512xi32, #tpu.memory_space<hbm>>) dst(%arg9 : memref<512xi32, #tpu.memory_space<vmem>>)
      tpu.yield
    }) : () -> ()
    %mul3A_5 = arith.constant 10240 : i32
    %mul3A_6 = arith.muli %add3A, %mul3A_5 : i32
    "tpu.region"() ({
      %run_scoped3A = tpu.sem_alloc : memref<!tpu.dma_semaphore, #tpu.memory_space<semaphore_mem>>
      %dma_start3A_96 = tpu.memref_slice %arg4[%mul3A_6] : memref<327680xi32, #tpu.memory_space<hbm>> -> memref<10240xi32, #tpu.memory_space<hbm>>
      %dma_start3A_97 = tpu.memref_slice %arg4[%mul3A_6] : memref<327680xi32, #tpu.memory_space<hbm>> -> memref<10240xi32, #tpu.memory_space<hbm>>
      tpu.enqueue_dma source(%dma_start3A_97 : memref<10240xi32, #tpu.memory_space<hbm>>) target(%arg10 : memref<10240xi32, #tpu.memory_space<vmem>>) target_semaphore(%run_scoped3A : memref<!tpu.dma_semaphore, #tpu.memory_space<semaphore_mem>>)
      %dma_wait3A_98 = tpu.memref_slice %arg4[%mul3A_6] : memref<327680xi32, #tpu.memory_space<hbm>> -> memref<10240xi32, #tpu.memory_space<hbm>>
      %dma_wait3A_99 = tpu.memref_slice %arg4[%mul3A_6] : memref<327680xi32, #tpu.memory_space<hbm>> -> memref<10240xi32, #tpu.memory_space<hbm>>
      tpu.wait_dma2 semaphore(%run_scoped3A : memref<!tpu.dma_semaphore, #tpu.memory_space<semaphore_mem>>) src(%dma_wait3A_99 : memref<10240xi32, #tpu.memory_space<hbm>>) dst(%arg10 : memref<10240xi32, #tpu.memory_space<vmem>>)
      tpu.yield
    }) : () -> ()
    %dma_start3A = arith.constant 0 : i32
    %dma_start3A_7 = tpu.memref_slice %arg8[%dma_start3A] : memref<512xi32, #tpu.memory_space<vmem>> -> memref<16xi32, #tpu.memory_space<vmem>>
    %dma_start3A_8 = arith.constant 0 : i32
    %dma_start3A_9 = arith.constant 0 : i32
    %dma_start3A_10 = tpu.memref_slice %arg5[%dma_start3A_8, %dma_start3A_9] : memref<100000x64xf32, #tpu.memory_space<hbm>> -> memref<100000x64xf32, #tpu.memory_space<hbm>>
    tpu.enqueue_indirect_dma source(%dma_start3A_10 : memref<100000x64xf32, #tpu.memory_space<hbm>>) target(%arg11 : memref<16x64xf32, #tpu.memory_space<vmem>>) offsets(%dma_start3A_7 : memref<16xi32, #tpu.memory_space<vmem>>) semaphore(%arg20 : memref<!tpu.dma_semaphore, #tpu.memory_space<semaphore_mem>>)
    %dma_start3A_11 = arith.constant 0 : i32
    %dma_start3A_12 = tpu.memref_slice %arg9[%dma_start3A_11] : memref<512xi32, #tpu.memory_space<vmem>> -> memref<16xi32, #tpu.memory_space<vmem>>
    %dma_start3A_13 = arith.constant 0 : i32
    %dma_start3A_14 = arith.constant 0 : i32
    %dma_start3A_15 = tpu.memref_slice %arg6[%dma_start3A_13, %dma_start3A_14] : memref<100000x64xf32, #tpu.memory_space<hbm>> -> memref<100000x64xf32, #tpu.memory_space<hbm>>
    tpu.enqueue_indirect_dma source(%dma_start3A_15 : memref<100000x64xf32, #tpu.memory_space<hbm>>) target(%arg12 : memref<16x64xf32, #tpu.memory_space<vmem>>) offsets(%dma_start3A_12 : memref<16xi32, #tpu.memory_space<vmem>>) semaphore(%arg20 : memref<!tpu.dma_semaphore, #tpu.memory_space<semaphore_mem>>)
    %dma_start3A_16 = arith.constant 0 : i32
    %dma_start3A_17 = arith.constant 0 : i32
    %dma_start3A_18 = tpu.memref_slice %arg13[%dma_start3A_16, %dma_start3A_17] : memref<320x64xf32, #tpu.memory_space<vmem>> -> memref<128x64xf32, #tpu.memory_space<vmem>>
    %dma_start3A_19 = arith.constant 0 : i32
    %dma_start3A_20 = tpu.memref_slice %arg10[%dma_start3A_19] : memref<10240xi32, #tpu.memory_space<vmem>> -> memref<128xi32, #tpu.memory_space<vmem>>
    %dma_start3A_21 = arith.constant 0 : i32
    %dma_start3A_22 = arith.constant 0 : i32
    %dma_start3A_23 = tpu.memref_slice %arg6[%dma_start3A_21, %dma_start3A_22] : memref<100000x64xf32, #tpu.memory_space<hbm>> -> memref<100000x64xf32, #tpu.memory_space<hbm>>
    tpu.enqueue_indirect_dma source(%dma_start3A_23 : memref<100000x64xf32, #tpu.memory_space<hbm>>) target(%dma_start3A_18 : memref<128x64xf32, #tpu.memory_space<vmem>>) offsets(%dma_start3A_20 : memref<128xi32, #tpu.memory_space<vmem>>) semaphore(%arg20 : memref<!tpu.dma_semaphore, #tpu.memory_space<semaphore_mem>>)
    %dma_start3A_24 = arith.constant 128 : i32
    %dma_start3A_25 = arith.constant 0 : i32
    %dma_start3A_26 = tpu.memref_slice %arg13[%dma_start3A_24, %dma_start3A_25] : memref<320x64xf32, #tpu.memory_space<vmem>> -> memref<128x64xf32, #tpu.memory_space<vmem>>
    %dma_start3A_27 = arith.constant 128 : i32
    %dma_start3A_28 = tpu.memref_slice %arg10[%dma_start3A_27] : memref<10240xi32, #tpu.memory_space<vmem>> -> memref<128xi32, #tpu.memory_space<vmem>>
    %dma_start3A_29 = arith.constant 0 : i32
    %dma_start3A_30 = arith.constant 0 : i32
    %dma_start3A_31 = tpu.memref_slice %arg6[%dma_start3A_29, %dma_start3A_30] : memref<100000x64xf32, #tpu.memory_space<hbm>> -> memref<100000x64xf32, #tpu.memory_space<hbm>>
    tpu.enqueue_indirect_dma source(%dma_start3A_31 : memref<100000x64xf32, #tpu.memory_space<hbm>>) target(%dma_start3A_26 : memref<128x64xf32, #tpu.memory_space<vmem>>) offsets(%dma_start3A_28 : memref<128xi32, #tpu.memory_space<vmem>>) semaphore(%arg20 : memref<!tpu.dma_semaphore, #tpu.memory_space<semaphore_mem>>)
    %dma_start3A_32 = arith.constant 256 : i32
    %dma_start3A_33 = arith.constant 0 : i32
    %dma_start3A_34 = tpu.memref_slice %arg13[%dma_start3A_32, %dma_start3A_33] : memref<320x64xf32, #tpu.memory_space<vmem>> -> memref<64x64xf32, #tpu.memory_space<vmem>>
    %dma_start3A_35 = arith.constant 256 : i32
    %dma_start3A_36 = tpu.memref_slice %arg10[%dma_start3A_35] : memref<10240xi32, #tpu.memory_space<vmem>> -> memref<64xi32, #tpu.memory_space<vmem>>
    %dma_start3A_37 = arith.constant 0 : i32
    %dma_start3A_38 = arith.constant 0 : i32
    %dma_start3A_39 = tpu.memref_slice %arg6[%dma_start3A_37, %dma_start3A_38] : memref<100000x64xf32, #tpu.memory_space<hbm>> -> memref<100000x64xf32, #tpu.memory_space<hbm>>
    tpu.enqueue_indirect_dma source(%dma_start3A_39 : memref<100000x64xf32, #tpu.memory_space<hbm>>) target(%dma_start3A_34 : memref<64x64xf32, #tpu.memory_space<vmem>>) offsets(%dma_start3A_36 : memref<64xi32, #tpu.memory_space<vmem>>) semaphore(%arg20 : memref<!tpu.dma_semaphore, #tpu.memory_space<semaphore_mem>>)
    %dma_start3A_40 = arith.constant 16 : i32
    %dma_start3A_41 = tpu.memref_slice %arg8[%dma_start3A_40] : memref<512xi32, #tpu.memory_space<vmem>> -> memref<16xi32, #tpu.memory_space<vmem>>
    %dma_start3A_42 = arith.constant 0 : i32
    %dma_start3A_43 = arith.constant 0 : i32
    %dma_start3A_44 = tpu.memref_slice %arg5[%dma_start3A_42, %dma_start3A_43] : memref<100000x64xf32, #tpu.memory_space<hbm>> -> memref<100000x64xf32, #tpu.memory_space<hbm>>
    tpu.enqueue_indirect_dma source(%dma_start3A_44 : memref<100000x64xf32, #tpu.memory_space<hbm>>) target(%arg14 : memref<16x64xf32, #tpu.memory_space<vmem>>) offsets(%dma_start3A_41 : memref<16xi32, #tpu.memory_space<vmem>>) semaphore(%arg21 : memref<!tpu.dma_semaphore, #tpu.memory_space<semaphore_mem>>)
    %dma_start3A_45 = arith.constant 16 : i32
    %dma_start3A_46 = tpu.memref_slice %arg9[%dma_start3A_45] : memref<512xi32, #tpu.memory_space<vmem>> -> memref<16xi32, #tpu.memory_space<vmem>>
    %dma_start3A_47 = arith.constant 0 : i32
    %dma_start3A_48 = arith.constant 0 : i32
    %dma_start3A_49 = tpu.memref_slice %arg6[%dma_start3A_47, %dma_start3A_48] : memref<100000x64xf32, #tpu.memory_space<hbm>> -> memref<100000x64xf32, #tpu.memory_space<hbm>>
    tpu.enqueue_indirect_dma source(%dma_start3A_49 : memref<100000x64xf32, #tpu.memory_space<hbm>>) target(%arg15 : memref<16x64xf32, #tpu.memory_space<vmem>>) offsets(%dma_start3A_46 : memref<16xi32, #tpu.memory_space<vmem>>) semaphore(%arg21 : memref<!tpu.dma_semaphore, #tpu.memory_space<semaphore_mem>>)
    %dma_start3A_50 = arith.constant 0 : i32
    %dma_start3A_51 = arith.constant 0 : i32
    %dma_start3A_52 = tpu.memref_slice %arg16[%dma_start3A_50, %dma_start3A_51] : memref<320x64xf32, #tpu.memory_space<vmem>> -> memref<128x64xf32, #tpu.memory_space<vmem>>
    %dma_start3A_53 = arith.constant 320 : i32
    %dma_start3A_54 = tpu.memref_slice %arg10[%dma_start3A_53] : memref<10240xi32, #tpu.memory_space<vmem>> -> memref<128xi32, #tpu.memory_space<vmem>>
    %dma_start3A_55 = arith.constant 0 : i32
    %dma_start3A_56 = arith.constant 0 : i32
    %dma_start3A_57 = tpu.memref_slice %arg6[%dma_start3A_55, %dma_start3A_56] : memref<100000x64xf32, #tpu.memory_space<hbm>> -> memref<100000x64xf32, #tpu.memory_space<hbm>>
    tpu.enqueue_indirect_dma source(%dma_start3A_57 : memref<100000x64xf32, #tpu.memory_space<hbm>>) target(%dma_start3A_52 : memref<128x64xf32, #tpu.memory_space<vmem>>) offsets(%dma_start3A_54 : memref<128xi32, #tpu.memory_space<vmem>>) semaphore(%arg21 : memref<!tpu.dma_semaphore, #tpu.memory_space<semaphore_mem>>)
    %dma_start3A_58 = arith.constant 128 : i32
    %dma_start3A_59 = arith.constant 0 : i32
    %dma_start3A_60 = tpu.memref_slice %arg16[%dma_start3A_58, %dma_start3A_59] : memref<320x64xf32, #tpu.memory_space<vmem>> -> memref<128x64xf32, #tpu.memory_space<vmem>>
    %dma_start3A_61 = arith.constant 448 : i32
    %dma_start3A_62 = tpu.memref_slice %arg10[%dma_start3A_61] : memref<10240xi32, #tpu.memory_space<vmem>> -> memref<128xi32, #tpu.memory_space<vmem>>
    %dma_start3A_63 = arith.constant 0 : i32
    %dma_start3A_64 = arith.constant 0 : i32
    %dma_start3A_65 = tpu.memref_slice %arg6[%dma_start3A_63, %dma_start3A_64] : memref<100000x64xf32, #tpu.memory_space<hbm>> -> memref<100000x64xf32, #tpu.memory_space<hbm>>
    tpu.enqueue_indirect_dma source(%dma_start3A_65 : memref<100000x64xf32, #tpu.memory_space<hbm>>) target(%dma_start3A_60 : memref<128x64xf32, #tpu.memory_space<vmem>>) offsets(%dma_start3A_62 : memref<128xi32, #tpu.memory_space<vmem>>) semaphore(%arg21 : memref<!tpu.dma_semaphore, #tpu.memory_space<semaphore_mem>>)
    %dma_start3A_66 = arith.constant 256 : i32
    %dma_start3A_67 = arith.constant 0 : i32
    %dma_start3A_68 = tpu.memref_slice %arg16[%dma_start3A_66, %dma_start3A_67] : memref<320x64xf32, #tpu.memory_space<vmem>> -> memref<64x64xf32, #tpu.memory_space<vmem>>
    %dma_start3A_69 = arith.constant 576 : i32
    %dma_start3A_70 = tpu.memref_slice %arg10[%dma_start3A_69] : memref<10240xi32, #tpu.memory_space<vmem>> -> memref<64xi32, #tpu.memory_space<vmem>>
    %dma_start3A_71 = arith.constant 0 : i32
    %dma_start3A_72 = arith.constant 0 : i32
    %dma_start3A_73 = tpu.memref_slice %arg6[%dma_start3A_71, %dma_start3A_72] : memref<100000x64xf32, #tpu.memory_space<hbm>> -> memref<100000x64xf32, #tpu.memory_space<hbm>>
    tpu.enqueue_indirect_dma source(%dma_start3A_73 : memref<100000x64xf32, #tpu.memory_space<hbm>>) target(%dma_start3A_68 : memref<64x64xf32, #tpu.memory_space<vmem>>) offsets(%dma_start3A_70 : memref<64xi32, #tpu.memory_space<vmem>>) semaphore(%arg21 : memref<!tpu.dma_semaphore, #tpu.memory_space<semaphore_mem>>)
    %scan3A = arith.constant 0 : i32
    %scan3A_74 = arith.constant 0 : i32
    %scan3A_75 = arith.constant 16 : i32
    %scan3A_76 = arith.addi %scan3A_74, %scan3A_75 : i32
    %scan3A_77 = arith.constant 1 : i32
    scf.for %scan3A_96 = %scan3A_74 to %scan3A_76 step %scan3A_77  : i32 {
      %mul3A_97 = arith.constant 2 : i32
      %mul3A_98 = arith.muli %mul3A_97, %scan3A_96 : i32
      %mul3A_99 = arith.constant 16 : i32
      %mul3A_100 = arith.muli %mul3A_98, %mul3A_99 : i32
      %dma_wait3A_101 = tpu.memref_slice %arg8[%mul3A_100] : memref<512xi32, #tpu.memory_space<vmem>> -> memref<16xi32, #tpu.memory_space<vmem>>
      %dma_wait3A_102 = arith.constant 0 : i32
      %dma_wait3A_103 = arith.constant 0 : i32
      %dma_wait3A_104 = tpu.memref_slice %arg5[%dma_wait3A_102, %dma_wait3A_103] : memref<100000x64xf32, #tpu.memory_space<hbm>> -> memref<100000x64xf32, #tpu.memory_space<hbm>>
      tpu.wait_indirect_dma semaphore(%arg20 : memref<!tpu.dma_semaphore, #tpu.memory_space<semaphore_mem>>) src(%dma_wait3A_104 : memref<100000x64xf32, #tpu.memory_space<hbm>>) dst(%arg11 : memref<16x64xf32, #tpu.memory_space<vmem>>)
      %mul3A_105 = arith.constant 16 : i32
      %mul3A_106 = arith.muli %mul3A_98, %mul3A_105 : i32
      %dma_wait3A_107 = tpu.memref_slice %arg9[%mul3A_106] : memref<512xi32, #tpu.memory_space<vmem>> -> memref<16xi32, #tpu.memory_space<vmem>>
      %dma_wait3A_108 = arith.constant 0 : i32
      %dma_wait3A_109 = arith.constant 0 : i32
      %dma_wait3A_110 = tpu.memref_slice %arg6[%dma_wait3A_108, %dma_wait3A_109] : memref<100000x64xf32, #tpu.memory_space<hbm>> -> memref<100000x64xf32, #tpu.memory_space<hbm>>
      tpu.wait_indirect_dma semaphore(%arg20 : memref<!tpu.dma_semaphore, #tpu.memory_space<semaphore_mem>>) src(%dma_wait3A_110 : memref<100000x64xf32, #tpu.memory_space<hbm>>) dst(%arg12 : memref<16x64xf32, #tpu.memory_space<vmem>>)
      %mul3A_111 = arith.constant 320 : i32
      %mul3A_112 = arith.muli %mul3A_98, %mul3A_111 : i32
      %dma_wait3A_113 = arith.constant 0 : i32
      %dma_wait3A_114 = arith.constant 0 : i32
      %dma_wait3A_115 = tpu.memref_slice %arg13[%dma_wait3A_113, %dma_wait3A_114] : memref<320x64xf32, #tpu.memory_space<vmem>> -> memref<128x64xf32, #tpu.memory_space<vmem>>
      %dma_wait3A_116 = tpu.memref_slice %arg10[%mul3A_112] : memref<10240xi32, #tpu.memory_space<vmem>> -> memref<128xi32, #tpu.memory_space<vmem>>
      %dma_wait3A_117 = arith.constant 0 : i32
      %dma_wait3A_118 = arith.constant 0 : i32
      %dma_wait3A_119 = tpu.memref_slice %arg6[%dma_wait3A_117, %dma_wait3A_118] : memref<100000x64xf32, #tpu.memory_space<hbm>> -> memref<100000x64xf32, #tpu.memory_space<hbm>>
      tpu.wait_indirect_dma semaphore(%arg20 : memref<!tpu.dma_semaphore, #tpu.memory_space<semaphore_mem>>) src(%dma_wait3A_119 : memref<100000x64xf32, #tpu.memory_space<hbm>>) dst(%dma_wait3A_115 : memref<128x64xf32, #tpu.memory_space<vmem>>)
      %mul3A_120 = arith.constant 320 : i32
      %mul3A_121 = arith.muli %mul3A_98, %mul3A_120 : i32
      %add3A_122 = arith.constant 128 : i32
      %add3A_123 = arith.addi %mul3A_121, %add3A_122 : i32
      %dma_wait3A_124 = arith.constant 128 : i32
      %dma_wait3A_125 = arith.constant 0 : i32
      %dma_wait3A_126 = tpu.memref_slice %arg13[%dma_wait3A_124, %dma_wait3A_125] : memref<320x64xf32, #tpu.memory_space<vmem>> -> memref<128x64xf32, #tpu.memory_space<vmem>>
      %dma_wait3A_127 = tpu.memref_slice %arg10[%add3A_123] : memref<10240xi32, #tpu.memory_space<vmem>> -> memref<128xi32, #tpu.memory_space<vmem>>
      %dma_wait3A_128 = arith.constant 0 : i32
      %dma_wait3A_129 = arith.constant 0 : i32
      %dma_wait3A_130 = tpu.memref_slice %arg6[%dma_wait3A_128, %dma_wait3A_129] : memref<100000x64xf32, #tpu.memory_space<hbm>> -> memref<100000x64xf32, #tpu.memory_space<hbm>>
      tpu.wait_indirect_dma semaphore(%arg20 : memref<!tpu.dma_semaphore, #tpu.memory_space<semaphore_mem>>) src(%dma_wait3A_130 : memref<100000x64xf32, #tpu.memory_space<hbm>>) dst(%dma_wait3A_126 : memref<128x64xf32, #tpu.memory_space<vmem>>)
      %mul3A_131 = arith.constant 320 : i32
      %mul3A_132 = arith.muli %mul3A_98, %mul3A_131 : i32
      %add3A_133 = arith.constant 256 : i32
      %add3A_134 = arith.addi %mul3A_132, %add3A_133 : i32
      %dma_wait3A_135 = arith.constant 256 : i32
      %dma_wait3A_136 = arith.constant 0 : i32
      %dma_wait3A_137 = tpu.memref_slice %arg13[%dma_wait3A_135, %dma_wait3A_136] : memref<320x64xf32, #tpu.memory_space<vmem>> -> memref<64x64xf32, #tpu.memory_space<vmem>>
      %dma_wait3A_138 = tpu.memref_slice %arg10[%add3A_134] : memref<10240xi32, #tpu.memory_space<vmem>> -> memref<64xi32, #tpu.memory_space<vmem>>
      %dma_wait3A_139 = arith.constant 0 : i32
      %dma_wait3A_140 = arith.constant 0 : i32
      %dma_wait3A_141 = tpu.memref_slice %arg6[%dma_wait3A_139, %dma_wait3A_140] : memref<100000x64xf32, #tpu.memory_space<hbm>> -> memref<100000x64xf32, #tpu.memory_space<hbm>>
      tpu.wait_indirect_dma semaphore(%arg20 : memref<!tpu.dma_semaphore, #tpu.memory_space<semaphore_mem>>) src(%dma_wait3A_141 : memref<100000x64xf32, #tpu.memory_space<hbm>>) dst(%dma_wait3A_137 : memref<64x64xf32, #tpu.memory_space<vmem>>)
      %gt3A = arith.constant 0 : i32
      %gt3A_142 = arith.cmpi sgt, %scan3A_96, %gt3A : i32
      %convert_element_type3A = arith.extui %gt3A_142 : i1 to i32
      %cond3A = arith.constant 0 : i32
      %cond3A_143 = arith.cmpi ne, %convert_element_type3A, %cond3A : i32
      scf.if %cond3A_143 {
        %dma_wait3A_249 = arith.constant 0 : i32
        %dma_wait3A_250 = arith.constant 0 : i32
        %dma_wait3A_251 = arith.constant 0 : i32
        %dma_wait3A_252 = tpu.memref_slice %arg7[%dma_wait3A_249, %dma_wait3A_250, %dma_wait3A_251] : memref<1024x21x16xf32, #tpu.memory_space<hbm>> -> memref<1x21x16xf32, #tpu.memory_space<hbm>>
        %dma_wait3A_253 = tpu.memref_squeeze %dma_wait3A_252 : memref<1x21x16xf32, #tpu.memory_space<hbm>> -> memref<21x16xf32, #tpu.memory_space<hbm>>
        %dma_wait3A_254 = arith.constant 0 : i32
        %dma_wait3A_255 = arith.constant 0 : i32
        %dma_wait3A_256 = tpu.memref_slice %arg7[%dma_wait3A_249, %dma_wait3A_254, %dma_wait3A_255] : memref<1024x21x16xf32, #tpu.memory_space<hbm>> -> memref<1x21x16xf32, #tpu.memory_space<hbm>>
        %dma_wait3A_257 = tpu.memref_squeeze %dma_wait3A_256 : memref<1x21x16xf32, #tpu.memory_space<hbm>> -> memref<21x16xf32, #tpu.memory_space<hbm>>
        tpu.wait_dma2 semaphore(%arg22 : memref<!tpu.dma_semaphore, #tpu.memory_space<semaphore_mem>>) src(%arg18 : memref<21x16xf32, #tpu.memory_space<vmem>>) dst(%dma_wait3A_257 : memref<21x16xf32, #tpu.memory_space<hbm>>)
      } else {
      }
      %scan3A_144 = arith.constant 0 : i32
      %scan3A_145 = arith.constant 0 : i32
      %scan3A_146 = arith.constant 16 : i32
      %scan3A_147 = arith.addi %scan3A_145, %scan3A_146 : i32
      %scan3A_148 = arith.constant 1 : i32
      scf.for %scan3A_249 = %scan3A_145 to %scan3A_147 step %scan3A_148  : i32 {
        %get3A = arith.index_cast %scan3A_249 : i32 to index
        %get3A_250 = arith.constant 0 : index
        %get3A_251 = tpu.vector_load %arg11[%get3A, %get3A_250] {strides = array<i32>} : memref<16x64xf32, #tpu.memory_space<vmem>>, vector<16xf32>,
        %get3A_252 = arith.index_cast %scan3A_249 : i32 to index
        %get3A_253 = arith.constant 16 : index
        %get3A_254 = tpu.vector_load %arg11[%get3A_252, %get3A_253] {strides = array<i32>} : memref<16x64xf32, #tpu.memory_space<vmem>>, vector<16xf32>,
        %get3A_255 = arith.index_cast %scan3A_249 : i32 to index
        %get3A_256 = arith.constant 32 : index
        %get3A_257 = tpu.vector_load %arg11[%get3A_255, %get3A_256] {strides = array<i32>} : memref<16x64xf32, #tpu.memory_space<vmem>>, vector<16xf32>,
        %get3A_258 = arith.index_cast %scan3A_249 : i32 to index
        %get3A_259 = arith.constant 48 : index
        %get3A_260 = tpu.vector_load %arg11[%get3A_258, %get3A_259] {strides = array<i32>} : memref<16x64xf32, #tpu.memory_space<vmem>>, vector<16xf32>,
        %get3A_261 = arith.index_cast %scan3A_249 : i32 to index
        %get3A_262 = arith.constant 0 : index
        %get3A_263 = tpu.vector_load %arg12[%get3A_261, %get3A_262] {strides = array<i32>} : memref<16x64xf32, #tpu.memory_space<vmem>>, vector<16xf32>,
        %mul3A_264 = arith.mulf %get3A_251, %get3A_263 : vector<16xf32>
        %get3A_265 = arith.index_cast %scan3A_249 : i32 to index
        %get3A_266 = arith.constant 16 : index
        %get3A_267 = tpu.vector_load %arg12[%get3A_265, %get3A_266] {strides = array<i32>} : memref<16x64xf32, #tpu.memory_space<vmem>>, vector<16xf32>,
        %mul3A_268 = arith.mulf %get3A_254, %get3A_267 : vector<16xf32>
        %add3A_269 = arith.addf %mul3A_264, %mul3A_268 : vector<16xf32>
        %get3A_270 = arith.index_cast %scan3A_249 : i32 to index
        %get3A_271 = arith.constant 32 : index
        %get3A_272 = tpu.vector_load %arg12[%get3A_270, %get3A_271] {strides = array<i32>} : memref<16x64xf32, #tpu.memory_space<vmem>>, vector<16xf32>,
        %mul3A_273 = arith.mulf %get3A_257, %get3A_272 : vector<16xf32>
        %add3A_274 = arith.addf %add3A_269, %mul3A_273 : vector<16xf32>
        %get3A_275 = arith.index_cast %scan3A_249 : i32 to index
        %get3A_276 = arith.constant 48 : index
        %get3A_277 = tpu.vector_load %arg12[%get3A_275, %get3A_276] {strides = array<i32>} : memref<16x64xf32, #tpu.memory_space<vmem>>, vector<16xf32>,
        %mul3A_278 = arith.mulf %get3A_260, %get3A_277 : vector<16xf32>
        %add3A_279 = arith.addf %add3A_274, %mul3A_278 : vector<16xf32>
        %mul3A_280 = arith.constant 21 : i32
        %mul3A_281 = arith.muli %scan3A_249, %mul3A_280 : i32
        %add3A_282 = arith.constant 0 : i32
        %add3A_283 = arith.addi %mul3A_281, %add3A_282 : i32
        %swap3A = arith.index_cast %add3A_283 : i32 to index
        %swap3A_284 = arith.constant 0 : index
        %swap3A_285 = tpu.vector_load %arg17[%swap3A, %swap3A_284] {strides = array<i32>} : memref<336x17xf32, #tpu.memory_space<vmem>>, vector<16xf32>,
        tpu.vector_store %arg17[%swap3A, %swap3A_284], %add3A_279 {strides = array<i32>} : memref<336x17xf32, #tpu.memory_space<vmem>>, vector<16xf32>,
        %mul3A_286 = arith.constant 20 : i32
        %mul3A_287 = arith.muli %scan3A_249, %mul3A_286 : i32
        %add3A_288 = arith.constant 0 : i32
        %add3A_289 = arith.addi %mul3A_287, %add3A_288 : i32
        %get3A_290 = arith.index_cast %add3A_289 : i32 to index
        %get3A_291 = arith.constant 0 : index
        %get3A_292 = tpu.vector_load %arg13[%get3A_290, %get3A_291] {strides = array<i32>} : memref<320x64xf32, #tpu.memory_space<vmem>>, vector<16xf32>,
        %mul3A_293 = arith.mulf %get3A_251, %get3A_292 : vector<16xf32>
        %get3A_294 = arith.index_cast %add3A_289 : i32 to index
        %get3A_295 = arith.constant 16 : index
        %get3A_296 = tpu.vector_load %arg13[%get3A_294, %get3A_295] {strides = array<i32>} : memref<320x64xf32, #tpu.memory_space<vmem>>, vector<16xf32>,
        %mul3A_297 = arith.mulf %get3A_254, %get3A_296 : vector<16xf32>
        %add3A_298 = arith.addf %mul3A_293, %mul3A_297 : vector<16xf32>
        %get3A_299 = arith.index_cast %add3A_289 : i32 to index
        %get3A_300 = arith.constant 32 : index
        %get3A_301 = tpu.vector_load %arg13[%get3A_299, %get3A_300] {strides = array<i32>} : memref<320x64xf32, #tpu.memory_space<vmem>>, vector<16xf32>,
        %mul3A_302 = arith.mulf %get3A_257, %get3A_301 : vector<16xf32>
        %add3A_303 = arith.addf %add3A_298, %mul3A_302 : vector<16xf32>
        %get3A_304 = arith.index_cast %add3A_289 : i32 to index
        %get3A_305 = arith.constant 48 : index
        %get3A_306 = tpu.vector_load %arg13[%get3A_304, %get3A_305] {strides = array<i32>} : memref<320x64xf32, #tpu.memory_space<vmem>>, vector<16xf32>,
        %mul3A_307 = arith.mulf %get3A_260, %get3A_306 : vector<16xf32>
        %add3A_308 = arith.addf %add3A_303, %mul3A_307 : vector<16xf32>
        %mul3A_309 = arith.constant 21 : i32
        %mul3A_310 = arith.muli %scan3A_249, %mul3A_309 : i32
        %add3A_311 = arith.constant 1 : i32
        %add3A_312 = arith.addi %mul3A_310, %add3A_311 : i32
        %swap3A_313 = arith.index_cast %add3A_312 : i32 to index
        %swap3A_314 = arith.constant 0 : index
        %swap3A_315 = tpu.vector_load %arg17[%swap3A_313, %swap3A_314] {strides = array<i32>} : memref<336x17xf32, #tpu.memory_space<vmem>>, vector<16xf32>,
        tpu.vector_store %arg17[%swap3A_313, %swap3A_314], %add3A_308 {strides = array<i32>} : memref<336x17xf32, #tpu.memory_space<vmem>>, vector<16xf32>,
        %mul3A_316 = arith.constant 20 : i32
        %mul3A_317 = arith.muli %scan3A_249, %mul3A_316 : i32
        %add3A_318 = arith.constant 1 : i32
        %add3A_319 = arith.addi %mul3A_317, %add3A_318 : i32
        %get3A_320 = arith.index_cast %add3A_319 : i32 to index
        %get3A_321 = arith.constant 0 : index
        %get3A_322 = tpu.vector_load %arg13[%get3A_320, %get3A_321] {strides = array<i32>} : memref<320x64xf32, #tpu.memory_space<vmem>>, vector<16xf32>,
        %mul3A_323 = arith.mulf %get3A_251, %get3A_322 : vector<16xf32>
        %get3A_324 = arith.index_cast %add3A_319 : i32 to index
        %get3A_325 = arith.constant 16 : index
        %get3A_326 = tpu.vector_load %arg13[%get3A_324, %get3A_325] {strides = array<i32>} : memref<320x64xf32, #tpu.memory_space<vmem>>, vector<16xf32>,
        %mul3A_327 = arith.mulf %get3A_254, %get3A_326 : vector<16xf32>
        %add3A_328 = arith.addf %mul3A_323, %mul3A_327 : vector<16xf32>
        %get3A_329 = arith.index_cast %add3A_319 : i32 to index
        %get3A_330 = arith.constant 32 : index
        %get3A_331 = tpu.vector_load %arg13[%get3A_329, %get3A_330] {strides = array<i32>} : memref<320x64xf32, #tpu.memory_space<vmem>>, vector<16xf32>,
        %mul3A_332 = arith.mulf %get3A_257, %get3A_331 : vector<16xf32>
        %add3A_333 = arith.addf %add3A_328, %mul3A_332 : vector<16xf32>
        %get3A_334 = arith.index_cast %add3A_319 : i32 to index
        %get3A_335 = arith.constant 48 : index
        %get3A_336 = tpu.vector_load %arg13[%get3A_334, %get3A_335] {strides = array<i32>} : memref<320x64xf32, #tpu.memory_space<vmem>>, vector<16xf32>,
        %mul3A_337 = arith.mulf %get3A_260, %get3A_336 : vector<16xf32>
        %add3A_338 = arith.addf %add3A_333, %mul3A_337 : vector<16xf32>
        %mul3A_339 = arith.constant 21 : i32
        %mul3A_340 = arith.muli %scan3A_249, %mul3A_339 : i32
        %add3A_341 = arith.constant 2 : i32
        %add3A_342 = arith.addi %mul3A_340, %add3A_341 : i32
        %swap3A_343 = arith.index_cast %add3A_342 : i32 to index
        %swap3A_344 = arith.constant 0 : index
        %swap3A_345 = tpu.vector_load %arg17[%swap3A_343, %swap3A_344] {strides = array<i32>} : memref<336x17xf32, #tpu.memory_space<vmem>>, vector<16xf32>,
        tpu.vector_store %arg17[%swap3A_343, %swap3A_344], %add3A_338 {strides = array<i32>} : memref<336x17xf32, #tpu.memory_space<vmem>>, vector<16xf32>,
        %mul3A_346 = arith.constant 20 : i32
        %mul3A_347 = arith.muli %scan3A_249, %mul3A_346 : i32
        %add3A_348 = arith.constant 2 : i32
        %add3A_349 = arith.addi %mul3A_347, %add3A_348 : i32
        %get3A_350 = arith.index_cast %add3A_349 : i32 to index
        %get3A_351 = arith.constant 0 : index
        %get3A_352 = tpu.vector_load %arg13[%get3A_350, %get3A_351] {strides = array<i32>} : memref<320x64xf32, #tpu.memory_space<vmem>>, vector<16xf32>,
        %mul3A_353 = arith.mulf %get3A_251, %get3A_352 : vector<16xf32>
        %get3A_354 = arith.index_cast %add3A_349 : i32 to index
        %get3A_355 = arith.constant 16 : index
        %get3A_356 = tpu.vector_load %arg13[%get3A_354, %get3A_355] {strides = array<i32>} : memref<320x64xf32, #tpu.memory_space<vmem>>, vector<16xf32>,
        %mul3A_357 = arith.mulf %get3A_254, %get3A_356 : vector<16xf32>
        %add3A_358 = arith.addf %mul3A_353, %mul3A_357 : vector<16xf32>
        %get3A_359 = arith.index_cast %add3A_349 : i32 to index
        %get3A_360 = arith.constant 32 : index
        %get3A_361 = tpu.vector_load %arg13[%get3A_359, %get3A_360] {strides = array<i32>} : memref<320x64xf32, #tpu.memory_space<vmem>>, vector<16xf32>,
        %mul3A_362 = arith.mulf %get3A_257, %get3A_361 : vector<16xf32>
        %add3A_363 = arith.addf %add3A_358, %mul3A_362 : vector<16xf32>
        %get3A_364 = arith.index_cast %add3A_349 : i32 to index
        %get3A_365 = arith.constant 48 : index
        %get3A_366 = tpu.vector_load %arg13[%get3A_364, %get3A_365] {strides = array<i32>} : memref<320x64xf32, #tpu.memory_space<vmem>>, vector<16xf32>,
        %mul3A_367 = arith.mulf %get3A_260, %get3A_366 : vector<16xf32>
        %add3A_368 = arith.addf %add3A_363, %mul3A_367 : vector<16xf32>
        %mul3A_369 = arith.constant 21 : i32
        %mul3A_370 = arith.muli %scan3A_249, %mul3A_369 : i32
        %add3A_371 = arith.constant 3 : i32
        %add3A_372 = arith.addi %mul3A_370, %add3A_371 : i32
        %swap3A_373 = arith.index_cast %add3A_372 : i32 to index
        %swap3A_374 = arith.constant 0 : index
        %swap3A_375 = tpu.vector_load %arg17[%swap3A_373, %swap3A_374] {strides = array<i32>} : memref<336x17xf32, #tpu.memory_space<vmem>>, vector<16xf32>,
        tpu.vector_store %arg17[%swap3A_373, %swap3A_374], %add3A_368 {strides = array<i32>} : memref<336x17xf32, #tpu.memory_space<vmem>>, vector<16xf32>,
        %mul3A_376 = arith.constant 20 : i32
        %mul3A_377 = arith.muli %scan3A_249, %mul3A_376 : i32
        %add3A_378 = arith.constant 3 : i32
        %add3A_379 = arith.addi %mul3A_377, %add3A_378 : i32
        %get3A_380 = arith.index_cast %add3A_379 : i32 to index
        %get3A_381 = arith.constant 0 : index
        %get3A_382 = tpu.vector_load %arg13[%get3A_380, %get3A_381] {strides = array<i32>} : memref<320x64xf32, #tpu.memory_space<vmem>>, vector<16xf32>,
        %mul3A_383 = arith.mulf %get3A_251, %get3A_382 : vector<16xf32>
        %get3A_384 = arith.index_cast %add3A_379 : i32 to index
        %get3A_385 = arith.constant 16 : index
        %get3A_386 = tpu.vector_load %arg13[%get3A_384, %get3A_385] {strides = array<i32>} : memref<320x64xf32, #tpu.memory_space<vmem>>, vector<16xf32>,
        %mul3A_387 = arith.mulf %get3A_254, %get3A_386 : vector<16xf32>
        %add3A_388 = arith.addf %mul3A_383, %mul3A_387 : vector<16xf32>
        %get3A_389 = arith.index_cast %add3A_379 : i32 to index
        %get3A_390 = arith.constant 32 : index
        %get3A_391 = tpu.vector_load %arg13[%get3A_389, %get3A_390] {strides = array<i32>} : memref<320x64xf32, #tpu.memory_space<vmem>>, vector<16xf32>,
        %mul3A_392 = arith.mulf %get3A_257, %get3A_391 : vector<16xf32>
        %add3A_393 = arith.addf %add3A_388, %mul3A_392 : vector<16xf32>
        %get3A_394 = arith.index_cast %add3A_379 : i32 to index
        %get3A_395 = arith.constant 48 : index
        %get3A_396 = tpu.vector_load %arg13[%get3A_394, %get3A_395] {strides = array<i32>} : memref<320x64xf32, #tpu.memory_space<vmem>>, vector<16xf32>,
        %mul3A_397 = arith.mulf %get3A_260, %get3A_396 : vector<16xf32>
        %add3A_398 = arith.addf %add3A_393, %mul3A_397 : vector<16xf32>
        %mul3A_399 = arith.constant 21 : i32
        %mul3A_400 = arith.muli %scan3A_249, %mul3A_399 : i32
        %add3A_401 = arith.constant 4 : i32
        %add3A_402 = arith.addi %mul3A_400, %add3A_401 : i32
        %swap3A_403 = arith.index_cast %add3A_402 : i32 to index
        %swap3A_404 = arith.constant 0 : index
        %swap3A_405 = tpu.vector_load %arg17[%swap3A_403, %swap3A_404] {strides = array<i32>} : memref<336x17xf32, #tpu.memory_space<vmem>>, vector<16xf32>,
        tpu.vector_store %arg17[%swap3A_403, %swap3A_404], %add3A_398 {strides = array<i32>} : memref<336x17xf32, #tpu.memory_space<vmem>>, vector<16xf32>,
        %mul3A_406 = arith.constant 20 : i32
        %mul3A_407 = arith.muli %scan3A_249, %mul3A_406 : i32
        %add3A_408 = arith.constant 4 : i32
        %add3A_409 = arith.addi %mul3A_407, %add3A_408 : i32
        %get3A_410 = arith.index_cast %add3A_409 : i32 to index
        %get3A_411 = arith.constant 0 : index
        %get3A_412 = tpu.vector_load %arg13[%get3A_410, %get3A_411] {strides = array<i32>} : memref<320x64xf32, #tpu.memory_space<vmem>>, vector<16xf32>,
        %mul3A_413 = arith.mulf %get3A_251, %get3A_412 : vector<16xf32>
        %get3A_414 = arith.index_cast %add3A_409 : i32 to index
        %get3A_415 = arith.constant 16 : index
        %get3A_416 = tpu.vector_load %arg13[%get3A_414, %get3A_415] {strides = array<i32>} : memref<320x64xf32, #tpu.memory_space<vmem>>, vector<16xf32>,
        %mul3A_417 = arith.mulf %get3A_254, %get3A_416 : vector<16xf32>
        %add3A_418 = arith.addf %mul3A_413, %mul3A_417 : vector<16xf32>
        %get3A_419 = arith.index_cast %add3A_409 : i32 to index
        %get3A_420 = arith.constant 32 : index
        %get3A_421 = tpu.vector_load %arg13[%get3A_419, %get3A_420] {strides = array<i32>} : memref<320x64xf32, #tpu.memory_space<vmem>>, vector<16xf32>,
        %mul3A_422 = arith.mulf %get3A_257, %get3A_421 : vector<16xf32>
        %add3A_423 = arith.addf %add3A_418, %mul3A_422 : vector<16xf32>
        %get3A_424 = arith.index_cast %add3A_409 : i32 to index
        %get3A_425 = arith.constant 48 : index
        %get3A_426 = tpu.vector_load %arg13[%get3A_424, %get3A_425] {strides = array<i32>} : memref<320x64xf32, #tpu.memory_space<vmem>>, vector<16xf32>,
        %mul3A_427 = arith.mulf %get3A_260, %get3A_426 : vector<16xf32>
        %add3A_428 = arith.addf %add3A_423, %mul3A_427 : vector<16xf32>
        %mul3A_429 = arith.constant 21 : i32
        %mul3A_430 = arith.muli %scan3A_249, %mul3A_429 : i32
        %add3A_431 = arith.constant 5 : i32
        %add3A_432 = arith.addi %mul3A_430, %add3A_431 : i32
        %swap3A_433 = arith.index_cast %add3A_432 : i32 to index
        %swap3A_434 = arith.constant 0 : index
        %swap3A_435 = tpu.vector_load %arg17[%swap3A_433, %swap3A_434] {strides = array<i32>} : memref<336x17xf32, #tpu.memory_space<vmem>>, vector<16xf32>,
        tpu.vector_store %arg17[%swap3A_433, %swap3A_434], %add3A_428 {strides = array<i32>} : memref<336x17xf32, #tpu.memory_space<vmem>>, vector<16xf32>,
        %mul3A_436 = arith.constant 20 : i32
        %mul3A_437 = arith.muli %scan3A_249, %mul3A_436 : i32
        %add3A_438 = arith.constant 5 : i32
        %add3A_439 = arith.addi %mul3A_437, %add3A_438 : i32
        %get3A_440 = arith.index_cast %add3A_439 : i32 to index
        %get3A_441 = arith.constant 0 : index
        %get3A_442 = tpu.vector_load %arg13[%get3A_440, %get3A_441] {strides = array<i32>} : memref<320x64xf32, #tpu.memory_space<vmem>>, vector<16xf32>,
        %mul3A_443 = arith.mulf %get3A_251, %get3A_442 : vector<16xf32>
        %get3A_444 = arith.index_cast %add3A_439 : i32 to index
        %get3A_445 = arith.constant 16 : index
        %get3A_446 = tpu.vector_load %arg13[%get3A_444, %get3A_445] {strides = array<i32>} : memref<320x64xf32, #tpu.memory_space<vmem>>, vector<16xf32>,
        %mul3A_447 = arith.mulf %get3A_254, %get3A_446 : vector<16xf32>
        %add3A_448 = arith.addf %mul3A_443, %mul3A_447 : vector<16xf32>
        %get3A_449 = arith.index_cast %add3A_439 : i32 to index
        %get3A_450 = arith.constant 32 : index
        %get3A_451 = tpu.vector_load %arg13[%get3A_449, %get3A_450] {strides = array<i32>} : memref<320x64xf32, #tpu.memory_space<vmem>>, vector<16xf32>,
        %mul3A_452 = arith.mulf %get3A_257, %get3A_451 : vector<16xf32>
        %add3A_453 = arith.addf %add3A_448, %mul3A_452 : vector<16xf32>
        %get3A_454 = arith.index_cast %add3A_439 : i32 to index
        %get3A_455 = arith.constant 48 : index
        %get3A_456 = tpu.vector_load %arg13[%get3A_454, %get3A_455] {strides = array<i32>} : memref<320x64xf32, #tpu.memory_space<vmem>>, vector<16xf32>,
        %mul3A_457 = arith.mulf %get3A_260, %get3A_456 : vector<16xf32>
        %add3A_458 = arith.addf %add3A_453, %mul3A_457 : vector<16xf32>
        %mul3A_459 = arith.constant 21 : i32
        %mul3A_460 = arith.muli %scan3A_249, %mul3A_459 : i32
        %add3A_461 = arith.constant 6 : i32
        %add3A_462 = arith.addi %mul3A_460, %add3A_461 : i32
        %swap3A_463 = arith.index_cast %add3A_462 : i32 to index
        %swap3A_464 = arith.constant 0 : index
        %swap3A_465 = tpu.vector_load %arg17[%swap3A_463, %swap3A_464] {strides = array<i32>} : memref<336x17xf32, #tpu.memory_space<vmem>>, vector<16xf32>,
        tpu.vector_store %arg17[%swap3A_463, %swap3A_464], %add3A_458 {strides = array<i32>} : memref<336x17xf32, #tpu.memory_space<vmem>>, vector<16xf32>,
        %mul3A_466 = arith.constant 20 : i32
        %mul3A_467 = arith.muli %scan3A_249, %mul3A_466 : i32
        %add3A_468 = arith.constant 6 : i32
        %add3A_469 = arith.addi %mul3A_467, %add3A_468 : i32
        %get3A_470 = arith.index_cast %add3A_469 : i32 to index
        %get3A_471 = arith.constant 0 : index
        %get3A_472 = tpu.vector_load %arg13[%get3A_470, %get3A_471] {strides = array<i32>} : memref<320x64xf32, #tpu.memory_space<vmem>>, vector<16xf32>,
        %mul3A_473 = arith.mulf %get3A_251, %get3A_472 : vector<16xf32>
        %get3A_474 = arith.index_cast %add3A_469 : i32 to index
        %get3A_475 = arith.constant 16 : index
        %get3A_476 = tpu.vector_load %arg13[%get3A_474, %get3A_475] {strides = array<i32>} : memref<320x64xf32, #tpu.memory_space<vmem>>, vector<16xf32>,
        %mul3A_477 = arith.mulf %get3A_254, %get3A_476 : vector<16xf32>
        %add3A_478 = arith.addf %mul3A_473, %mul3A_477 : vector<16xf32>
        %get3A_479 = arith.index_cast %add3A_469 : i32 to index
        %get3A_480 = arith.constant 32 : index
        %get3A_481 = tpu.vector_load %arg13[%get3A_479, %get3A_480] {strides = array<i32>} : memref<320x64xf32, #tpu.memory_space<vmem>>, vector<16xf32>,
        %mul3A_482 = arith.mulf %get3A_257, %get3A_481 : vector<16xf32>
        %add3A_483 = arith.addf %add3A_478, %mul3A_482 : vector<16xf32>
        %get3A_484 = arith.index_cast %add3A_469 : i32 to index
        %get3A_485 = arith.constant 48 : index
        %get3A_486 = tpu.vector_load %arg13[%get3A_484, %get3A_485] {strides = array<i32>} : memref<320x64xf32, #tpu.memory_space<vmem>>, vector<16xf32>,
        %mul3A_487 = arith.mulf %get3A_260, %get3A_486 : vector<16xf32>
        %add3A_488 = arith.addf %add3A_483, %mul3A_487 : vector<16xf32>
        %mul3A_489 = arith.constant 21 : i32
        %mul3A_490 = arith.muli %scan3A_249, %mul3A_489 : i32
        %add3A_491 = arith.constant 7 : i32
        %add3A_492 = arith.addi %mul3A_490, %add3A_491 : i32
        %swap3A_493 = arith.index_cast %add3A_492 : i32 to index
        %swap3A_494 = arith.constant 0 : index
        %swap3A_495 = tpu.vector_load %arg17[%swap3A_493, %swap3A_494] {strides = array<i32>} : memref<336x17xf32, #tpu.memory_space<vmem>>, vector<16xf32>,
        tpu.vector_store %arg17[%swap3A_493, %swap3A_494], %add3A_488 {strides = array<i32>} : memref<336x17xf32, #tpu.memory_space<vmem>>, vector<16xf32>,
        %mul3A_496 = arith.constant 20 : i32
        %mul3A_497 = arith.muli %scan3A_249, %mul3A_496 : i32
        %add3A_498 = arith.constant 7 : i32
        %add3A_499 = arith.addi %mul3A_497, %add3A_498 : i32
        %get3A_500 = arith.index_cast %add3A_499 : i32 to index
        %get3A_501 = arith.constant 0 : index
        %get3A_502 = tpu.vector_load %arg13[%get3A_500, %get3A_501] {strides = array<i32>} : memref<320x64xf32, #tpu.memory_space<vmem>>, vector<16xf32>,
        %mul3A_503 = arith.mulf %get3A_251, %get3A_502 : vector<16xf32>
        %get3A_504 = arith.index_cast %add3A_499 : i32 to index
        %get3A_505 = arith.constant 16 : index
        %get3A_506 = tpu.vector_load %arg13[%get3A_504, %get3A_505] {strides = array<i32>} : memref<320x64xf32, #tpu.memory_space<vmem>>, vector<16xf32>,
        %mul3A_507 = arith.mulf %get3A_254, %get3A_506 : vector<16xf32>
        %add3A_508 = arith.addf %mul3A_503, %mul3A_507 : vector<16xf32>
        %get3A_509 = arith.index_cast %add3A_499 : i32 to index
        %get3A_510 = arith.constant 32 : index
        %get3A_511 = tpu.vector_load %arg13[%get3A_509, %get3A_510] {strides = array<i32>} : memref<320x64xf32, #tpu.memory_space<vmem>>, vector<16xf32>,
        %mul3A_512 = arith.mulf %get3A_257, %get3A_511 : vector<16xf32>
        %add3A_513 = arith.addf %add3A_508, %mul3A_512 : vector<16xf32>
        %get3A_514 = arith.index_cast %add3A_499 : i32 to index
        %get3A_515 = arith.constant 48 : index
        %get3A_516 = tpu.vector_load %arg13[%get3A_514, %get3A_515] {strides = array<i32>} : memref<320x64xf32, #tpu.memory_space<vmem>>, vector<16xf32>,
        %mul3A_517 = arith.mulf %get3A_260, %get3A_516 : vector<16xf32>
        %add3A_518 = arith.addf %add3A_513, %mul3A_517 : vector<16xf32>
        %mul3A_519 = arith.constant 21 : i32
        %mul3A_520 = arith.muli %scan3A_249, %mul3A_519 : i32
        %add3A_521 = arith.constant 8 : i32
        %add3A_522 = arith.addi %mul3A_520, %add3A_521 : i32
        %swap3A_523 = arith.index_cast %add3A_522 : i32 to index
        %swap3A_524 = arith.constant 0 : index
        %swap3A_525 = tpu.vector_load %arg17[%swap3A_523, %swap3A_524] {strides = array<i32>} : memref<336x17xf32, #tpu.memory_space<vmem>>, vector<16xf32>,
        tpu.vector_store %arg17[%swap3A_523, %swap3A_524], %add3A_518 {strides = array<i32>} : memref<336x17xf32, #tpu.memory_space<vmem>>, vector<16xf32>,
        %mul3A_526 = arith.constant 20 : i32
        %mul3A_527 = arith.muli %scan3A_249, %mul3A_526 : i32
        %add3A_528 = arith.constant 8 : i32
        %add3A_529 = arith.addi %mul3A_527, %add3A_528 : i32
        %get3A_530 = arith.index_cast %add3A_529 : i32 to index
        %get3A_531 = arith.constant 0 : index
        %get3A_532 = tpu.vector_load %arg13[%get3A_530, %get3A_531] {strides = array<i32>} : memref<320x64xf32, #tpu.memory_space<vmem>>, vector<16xf32>,
        %mul3A_533 = arith.mulf %get3A_251, %get3A_532 : vector<16xf32>
        %get3A_534 = arith.index_cast %add3A_529 : i32 to index
        %get3A_535 = arith.constant 16 : index
        %get3A_536 = tpu.vector_load %arg13[%get3A_534, %get3A_535] {strides = array<i32>} : memref<320x64xf32, #tpu.memory_space<vmem>>, vector<16xf32>,
        %mul3A_537 = arith.mulf %get3A_254, %get3A_536 : vector<16xf32>
        %add3A_538 = arith.addf %mul3A_533, %mul3A_537 : vector<16xf32>
        %get3A_539 = arith.index_cast %add3A_529 : i32 to index
        %get3A_540 = arith.constant 32 : index
        %get3A_541 = tpu.vector_load %arg13[%get3A_539, %get3A_540] {strides = array<i32>} : memref<320x64xf32, #tpu.memory_space<vmem>>, vector<16xf32>,
        %mul3A_542 = arith.mulf %get3A_257, %get3A_541 : vector<16xf32>
        %add3A_543 = arith.addf %add3A_538, %mul3A_542 : vector<16xf32>
        %get3A_544 = arith.index_cast %add3A_529 : i32 to index
        %get3A_545 = arith.constant 48 : index
        %get3A_546 = tpu.vector_load %arg13[%get3A_544, %get3A_545] {strides = array<i32>} : memref<320x64xf32, #tpu.memory_space<vmem>>, vector<16xf32>,
        %mul3A_547 = arith.mulf %get3A_260, %get3A_546 : vector<16xf32>
        %add3A_548 = arith.addf %add3A_543, %mul3A_547 : vector<16xf32>
        %mul3A_549 = arith.constant 21 : i32
        %mul3A_550 = arith.muli %scan3A_249, %mul3A_549 : i32
        %add3A_551 = arith.constant 9 : i32
        %add3A_552 = arith.addi %mul3A_550, %add3A_551 : i32
        %swap3A_553 = arith.index_cast %add3A_552 : i32 to index
        %swap3A_554 = arith.constant 0 : index
        %swap3A_555 = tpu.vector_load %arg17[%swap3A_553, %swap3A_554] {strides = array<i32>} : memref<336x17xf32, #tpu.memory_space<vmem>>, vector<16xf32>,
        tpu.vector_store %arg17[%swap3A_553, %swap3A_554], %add3A_548 {strides = array<i32>} : memref<336x17xf32, #tpu.memory_space<vmem>>, vector<16xf32>,
        %mul3A_556 = arith.constant 20 : i32
        %mul3A_557 = arith.muli %scan3A_249, %mul3A_556 : i32
        %add3A_558 = arith.constant 9 : i32
        %add3A_559 = arith.addi %mul3A_557, %add3A_558 : i32
        %get3A_560 = arith.index_cast %add3A_559 : i32 to index
        %get3A_561 = arith.constant 0 : index
        %get3A_562 = tpu.vector_load %arg13[%get3A_560, %get3A_561] {strides = array<i32>} : memref<320x64xf32, #tpu.memory_space<vmem>>, vector<16xf32>,
        %mul3A_563 = arith.mulf %get3A_251, %get3A_562 : vector<16xf32>
        %get3A_564 = arith.index_cast %add3A_559 : i32 to index
        %get3A_565 = arith.constant 16 : index
        %get3A_566 = tpu.vector_load %arg13[%get3A_564, %get3A_565] {strides = array<i32>} : memref<320x64xf32, #tpu.memory_space<vmem>>, vector<16xf32>,
        %mul3A_567 = arith.mulf %get3A_254, %get3A_566 : vector<16xf32>
        %add3A_568 = arith.addf %mul3A_563, %mul3A_567 : vector<16xf32>
        %get3A_569 = arith.index_cast %add3A_559 : i32 to index
        %get3A_570 = arith.constant 32 : index
        %get3A_571 = tpu.vector_load %arg13[%get3A_569, %get3A_570] {strides = array<i32>} : memref<320x64xf32, #tpu.memory_space<vmem>>, vector<16xf32>,
        %mul3A_572 = arith.mulf %get3A_257, %get3A_571 : vector<16xf32>
        %add3A_573 = arith.addf %add3A_568, %mul3A_572 : vector<16xf32>
        %get3A_574 = arith.index_cast %add3A_559 : i32 to index
        %get3A_575 = arith.constant 48 : index
        %get3A_576 = tpu.vector_load %arg13[%get3A_574, %get3A_575] {strides = array<i32>} : memref<320x64xf32, #tpu.memory_space<vmem>>, vector<16xf32>,
        %mul3A_577 = arith.mulf %get3A_260, %get3A_576 : vector<16xf32>
        %add3A_578 = arith.addf %add3A_573, %mul3A_577 : vector<16xf32>
        %mul3A_579 = arith.constant 21 : i32
        %mul3A_580 = arith.muli %scan3A_249, %mul3A_579 : i32
        %add3A_581 = arith.constant 10 : i32
        %add3A_582 = arith.addi %mul3A_580, %add3A_581 : i32
        %swap3A_583 = arith.index_cast %add3A_582 : i32 to index
        %swap3A_584 = arith.constant 0 : index
        %swap3A_585 = tpu.vector_load %arg17[%swap3A_583, %swap3A_584] {strides = array<i32>} : memref<336x17xf32, #tpu.memory_space<vmem>>, vector<16xf32>,
        tpu.vector_store %arg17[%swap3A_583, %swap3A_584], %add3A_578 {strides = array<i32>} : memref<336x17xf32, #tpu.memory_space<vmem>>, vector<16xf32>,
        %mul3A_586 = arith.constant 20 : i32
        %mul3A_587 = arith.muli %scan3A_249, %mul3A_586 : i32
        %add3A_588 = arith.constant 10 : i32
        %add3A_589 = arith.addi %mul3A_587, %add3A_588 : i32
        %get3A_590 = arith.index_cast %add3A_589 : i32 to index
        %get3A_591 = arith.constant 0 : index
        %get3A_592 = tpu.vector_load %arg13[%get3A_590, %get3A_591] {strides = array<i32>} : memref<320x64xf32, #tpu.memory_space<vmem>>, vector<16xf32>,
        %mul3A_593 = arith.mulf %get3A_251, %get3A_592 : vector<16xf32>
        %get3A_594 = arith.index_cast %add3A_589 : i32 to index
        %get3A_595 = arith.constant 16 : index
        %get3A_596 = tpu.vector_load %arg13[%get3A_594, %get3A_595] {strides = array<i32>} : memref<320x64xf32, #tpu.memory_space<vmem>>, vector<16xf32>,
        %mul3A_597 = arith.mulf %get3A_254, %get3A_596 : vector<16xf32>
        %add3A_598 = arith.addf %mul3A_593, %mul3A_597 : vector<16xf32>
        %get3A_599 = arith.index_cast %add3A_589 : i32 to index
        %get3A_600 = arith.constant 32 : index
        %get3A_601 = tpu.vector_load %arg13[%get3A_599, %get3A_600] {strides = array<i32>} : memref<320x64xf32, #tpu.memory_space<vmem>>, vector<16xf32>,
        %mul3A_602 = arith.mulf %get3A_257, %get3A_601 : vector<16xf32>
        %add3A_603 = arith.addf %add3A_598, %mul3A_602 : vector<16xf32>
        %get3A_604 = arith.index_cast %add3A_589 : i32 to index
        %get3A_605 = arith.constant 48 : index
        %get3A_606 = tpu.vector_load %arg13[%get3A_604, %get3A_605] {strides = array<i32>} : memref<320x64xf32, #tpu.memory_space<vmem>>, vector<16xf32>,
        %mul3A_607 = arith.mulf %get3A_260, %get3A_606 : vector<16xf32>
        %add3A_608 = arith.addf %add3A_603, %mul3A_607 : vector<16xf32>
        %mul3A_609 = arith.constant 21 : i32
        %mul3A_610 = arith.muli %scan3A_249, %mul3A_609 : i32
        %add3A_611 = arith.constant 11 : i32
        %add3A_612 = arith.addi %mul3A_610, %add3A_611 : i32
        %swap3A_613 = arith.index_cast %add3A_612 : i32 to index
        %swap3A_614 = arith.constant 0 : index
        %swap3A_615 = tpu.vector_load %arg17[%swap3A_613, %swap3A_614] {strides = array<i32>} : memref<336x17xf32, #tpu.memory_space<vmem>>, vector<16xf32>,
        tpu.vector_store %arg17[%swap3A_613, %swap3A_614], %add3A_608 {strides = array<i32>} : memref<336x17xf32, #tpu.memory_space<vmem>>, vector<16xf32>,
        %mul3A_616 = arith.constant 20 : i32
        %mul3A_617 = arith.muli %scan3A_249, %mul3A_616 : i32
        %add3A_618 = arith.constant 11 : i32
        %add3A_619 = arith.addi %mul3A_617, %add3A_618 : i32
        %get3A_620 = arith.index_cast %add3A_619 : i32 to index
        %get3A_621 = arith.constant 0 : index
        %get3A_622 = tpu.vector_load %arg13[%get3A_620, %get3A_621] {strides = array<i32>} : memref<320x64xf32, #tpu.memory_space<vmem>>, vector<16xf32>,
        %mul3A_623 = arith.mulf %get3A_251, %get3A_622 : vector<16xf32>
        %get3A_624 = arith.index_cast %add3A_619 : i32 to index
        %get3A_625 = arith.constant 16 : index
        %get3A_626 = tpu.vector_load %arg13[%get3A_624, %get3A_625] {strides = array<i32>} : memref<320x64xf32, #tpu.memory_space<vmem>>, vector<16xf32>,
        %mul3A_627 = arith.mulf %get3A_254, %get3A_626 : vector<16xf32>
        %add3A_628 = arith.addf %mul3A_623, %mul3A_627 : vector<16xf32>
        %get3A_629 = arith.index_cast %add3A_619 : i32 to index
        %get3A_630 = arith.constant 32 : index
        %get3A_631 = tpu.vector_load %arg13[%get3A_629, %get3A_630] {strides = array<i32>} : memref<320x64xf32, #tpu.memory_space<vmem>>, vector<16xf32>,
        %mul3A_632 = arith.mulf %get3A_257, %get3A_631 : vector<16xf32>
        %add3A_633 = arith.addf %add3A_628, %mul3A_632 : vector<16xf32>
        %get3A_634 = arith.index_cast %add3A_619 : i32 to index
        %get3A_635 = arith.constant 48 : index
        %get3A_636 = tpu.vector_load %arg13[%get3A_634, %get3A_635] {strides = array<i32>} : memref<320x64xf32, #tpu.memory_space<vmem>>, vector<16xf32>,
        %mul3A_637 = arith.mulf %get3A_260, %get3A_636 : vector<16xf32>
        %add3A_638 = arith.addf %add3A_633, %mul3A_637 : vector<16xf32>
        %mul3A_639 = arith.constant 21 : i32
        %mul3A_640 = arith.muli %scan3A_249, %mul3A_639 : i32
        %add3A_641 = arith.constant 12 : i32
        %add3A_642 = arith.addi %mul3A_640, %add3A_641 : i32
        %swap3A_643 = arith.index_cast %add3A_642 : i32 to index
        %swap3A_644 = arith.constant 0 : index
        %swap3A_645 = tpu.vector_load %arg17[%swap3A_643, %swap3A_644] {strides = array<i32>} : memref<336x17xf32, #tpu.memory_space<vmem>>, vector<16xf32>,
        tpu.vector_store %arg17[%swap3A_643, %swap3A_644], %add3A_638 {strides = array<i32>} : memref<336x17xf32, #tpu.memory_space<vmem>>, vector<16xf32>,
        %mul3A_646 = arith.constant 20 : i32
        %mul3A_647 = arith.muli %scan3A_249, %mul3A_646 : i32
        %add3A_648 = arith.constant 12 : i32
        %add3A_649 = arith.addi %mul3A_647, %add3A_648 : i32
        %get3A_650 = arith.index_cast %add3A_649 : i32 to index
        %get3A_651 = arith.constant 0 : index
        %get3A_652 = tpu.vector_load %arg13[%get3A_650, %get3A_651] {strides = array<i32>} : memref<320x64xf32, #tpu.memory_space<vmem>>, vector<16xf32>,
        %mul3A_653 = arith.mulf %get3A_251, %get3A_652 : vector<16xf32>
        %get3A_654 = arith.index_cast %add3A_649 : i32 to index
        %get3A_655 = arith.constant 16 : index
        %get3A_656 = tpu.vector_load %arg13[%get3A_654, %get3A_655] {strides = array<i32>} : memref<320x64xf32, #tpu.memory_space<vmem>>, vector<16xf32>,
        %mul3A_657 = arith.mulf %get3A_254, %get3A_656 : vector<16xf32>
        %add3A_658 = arith.addf %mul3A_653, %mul3A_657 : vector<16xf32>
        %get3A_659 = arith.index_cast %add3A_649 : i32 to index
        %get3A_660 = arith.constant 32 : index
        %get3A_661 = tpu.vector_load %arg13[%get3A_659, %get3A_660] {strides = array<i32>} : memref<320x64xf32, #tpu.memory_space<vmem>>, vector<16xf32>,
        %mul3A_662 = arith.mulf %get3A_257, %get3A_661 : vector<16xf32>
        %add3A_663 = arith.addf %add3A_658, %mul3A_662 : vector<16xf32>
        %get3A_664 = arith.index_cast %add3A_649 : i32 to index
        %get3A_665 = arith.constant 48 : index
        %get3A_666 = tpu.vector_load %arg13[%get3A_664, %get3A_665] {strides = array<i32>} : memref<320x64xf32, #tpu.memory_space<vmem>>, vector<16xf32>,
        %mul3A_667 = arith.mulf %get3A_260, %get3A_666 : vector<16xf32>
        %add3A_668 = arith.addf %add3A_663, %mul3A_667 : vector<16xf32>
        %mul3A_669 = arith.constant 21 : i32
        %mul3A_670 = arith.muli %scan3A_249, %mul3A_669 : i32
        %add3A_671 = arith.constant 13 : i32
        %add3A_672 = arith.addi %mul3A_670, %add3A_671 : i32
        %swap3A_673 = arith.index_cast %add3A_672 : i32 to index
        %swap3A_674 = arith.constant 0 : index
        %swap3A_675 = tpu.vector_load %arg17[%swap3A_673, %swap3A_674] {strides = array<i32>} : memref<336x17xf32, #tpu.memory_space<vmem>>, vector<16xf32>,
        tpu.vector_store %arg17[%swap3A_673, %swap3A_674], %add3A_668 {strides = array<i32>} : memref<336x17xf32, #tpu.memory_space<vmem>>, vector<16xf32>,
        %mul3A_676 = arith.constant 20 : i32
        %mul3A_677 = arith.muli %scan3A_249, %mul3A_676 : i32
        %add3A_678 = arith.constant 13 : i32
        %add3A_679 = arith.addi %mul3A_677, %add3A_678 : i32
        %get3A_680 = arith.index_cast %add3A_679 : i32 to index
        %get3A_681 = arith.constant 0 : index
        %get3A_682 = tpu.vector_load %arg13[%get3A_680, %get3A_681] {strides = array<i32>} : memref<320x64xf32, #tpu.memory_space<vmem>>, vector<16xf32>,
        %mul3A_683 = arith.mulf %get3A_251, %get3A_682 : vector<16xf32>
        %get3A_684 = arith.index_cast %add3A_679 : i32 to index
        %get3A_685 = arith.constant 16 : index
        %get3A_686 = tpu.vector_load %arg13[%get3A_684, %get3A_685] {strides = array<i32>} : memref<320x64xf32, #tpu.memory_space<vmem>>, vector<16xf32>,
        %mul3A_687 = arith.mulf %get3A_254, %get3A_686 : vector<16xf32>
        %add3A_688 = arith.addf %mul3A_683, %mul3A_687 : vector<16xf32>
        %get3A_689 = arith.index_cast %add3A_679 : i32 to index
        %get3A_690 = arith.constant 32 : index
        %get3A_691 = tpu.vector_load %arg13[%get3A_689, %get3A_690] {strides = array<i32>} : memref<320x64xf32, #tpu.memory_space<vmem>>, vector<16xf32>,
        %mul3A_692 = arith.mulf %get3A_257, %get3A_691 : vector<16xf32>
        %add3A_693 = arith.addf %add3A_688, %mul3A_692 : vector<16xf32>
        %get3A_694 = arith.index_cast %add3A_679 : i32 to index
        %get3A_695 = arith.constant 48 : index
        %get3A_696 = tpu.vector_load %arg13[%get3A_694, %get3A_695] {strides = array<i32>} : memref<320x64xf32, #tpu.memory_space<vmem>>, vector<16xf32>,
        %mul3A_697 = arith.mulf %get3A_260, %get3A_696 : vector<16xf32>
        %add3A_698 = arith.addf %add3A_693, %mul3A_697 : vector<16xf32>
        %mul3A_699 = arith.constant 21 : i32
        %mul3A_700 = arith.muli %scan3A_249, %mul3A_699 : i32
        %add3A_701 = arith.constant 14 : i32
        %add3A_702 = arith.addi %mul3A_700, %add3A_701 : i32
        %swap3A_703 = arith.index_cast %add3A_702 : i32 to index
        %swap3A_704 = arith.constant 0 : index
        %swap3A_705 = tpu.vector_load %arg17[%swap3A_703, %swap3A_704] {strides = array<i32>} : memref<336x17xf32, #tpu.memory_space<vmem>>, vector<16xf32>,
        tpu.vector_store %arg17[%swap3A_703, %swap3A_704], %add3A_698 {strides = array<i32>} : memref<336x17xf32, #tpu.memory_space<vmem>>, vector<16xf32>,
        %mul3A_706 = arith.constant 20 : i32
        %mul3A_707 = arith.muli %scan3A_249, %mul3A_706 : i32
        %add3A_708 = arith.constant 14 : i32
        %add3A_709 = arith.addi %mul3A_707, %add3A_708 : i32
        %get3A_710 = arith.index_cast %add3A_709 : i32 to index
        %get3A_711 = arith.constant 0 : index
        %get3A_712 = tpu.vector_load %arg13[%get3A_710, %get3A_711] {strides = array<i32>} : memref<320x64xf32, #tpu.memory_space<vmem>>, vector<16xf32>,
        %mul3A_713 = arith.mulf %get3A_251, %get3A_712 : vector<16xf32>
        %get3A_714 = arith.index_cast %add3A_709 : i32 to index
        %get3A_715 = arith.constant 16 : index
        %get3A_716 = tpu.vector_load %arg13[%get3A_714, %get3A_715] {strides = array<i32>} : memref<320x64xf32, #tpu.memory_space<vmem>>, vector<16xf32>,
        %mul3A_717 = arith.mulf %get3A_254, %get3A_716 : vector<16xf32>
        %add3A_718 = arith.addf %mul3A_713, %mul3A_717 : vector<16xf32>
        %get3A_719 = arith.index_cast %add3A_709 : i32 to index
        %get3A_720 = arith.constant 32 : index
        %get3A_721 = tpu.vector_load %arg13[%get3A_719, %get3A_720] {strides = array<i32>} : memref<320x64xf32, #tpu.memory_space<vmem>>, vector<16xf32>,
        %mul3A_722 = arith.mulf %get3A_257, %get3A_721 : vector<16xf32>
        %add3A_723 = arith.addf %add3A_718, %mul3A_722 : vector<16xf32>
        %get3A_724 = arith.index_cast %add3A_709 : i32 to index
        %get3A_725 = arith.constant 48 : index
        %get3A_726 = tpu.vector_load %arg13[%get3A_724, %get3A_725] {strides = array<i32>} : memref<320x64xf32, #tpu.memory_space<vmem>>, vector<16xf32>,
        %mul3A_727 = arith.mulf %get3A_260, %get3A_726 : vector<16xf32>
        %add3A_728 = arith.addf %add3A_723, %mul3A_727 : vector<16xf32>
        %mul3A_729 = arith.constant 21 : i32
        %mul3A_730 = arith.muli %scan3A_249, %mul3A_729 : i32
        %add3A_731 = arith.constant 15 : i32
        %add3A_732 = arith.addi %mul3A_730, %add3A_731 : i32
        %swap3A_733 = arith.index_cast %add3A_732 : i32 to index
        %swap3A_734 = arith.constant 0 : index
        %swap3A_735 = tpu.vector_load %arg17[%swap3A_733, %swap3A_734] {strides = array<i32>} : memref<336x17xf32, #tpu.memory_space<vmem>>, vector<16xf32>,
        tpu.vector_store %arg17[%swap3A_733, %swap3A_734], %add3A_728 {strides = array<i32>} : memref<336x17xf32, #tpu.memory_space<vmem>>, vector<16xf32>,
        %mul3A_736 = arith.constant 20 : i32
        %mul3A_737 = arith.muli %scan3A_249, %mul3A_736 : i32
        %add3A_738 = arith.constant 15 : i32
        %add3A_739 = arith.addi %mul3A_737, %add3A_738 : i32
        %get3A_740 = arith.index_cast %add3A_739 : i32 to index
        %get3A_741 = arith.constant 0 : index
        %get3A_742 = tpu.vector_load %arg13[%get3A_740, %get3A_741] {strides = array<i32>} : memref<320x64xf32, #tpu.memory_space<vmem>>, vector<16xf32>,
        %mul3A_743 = arith.mulf %get3A_251, %get3A_742 : vector<16xf32>
        %get3A_744 = arith.index_cast %add3A_739 : i32 to index
        %get3A_745 = arith.constant 16 : index
        %get3A_746 = tpu.vector_load %arg13[%get3A_744, %get3A_745] {strides = array<i32>} : memref<320x64xf32, #tpu.memory_space<vmem>>, vector<16xf32>,
        %mul3A_747 = arith.mulf %get3A_254, %get3A_746 : vector<16xf32>
        %add3A_748 = arith.addf %mul3A_743, %mul3A_747 : vector<16xf32>
        %get3A_749 = arith.index_cast %add3A_739 : i32 to index
        %get3A_750 = arith.constant 32 : index
        %get3A_751 = tpu.vector_load %arg13[%get3A_749, %get3A_750] {strides = array<i32>} : memref<320x64xf32, #tpu.memory_space<vmem>>, vector<16xf32>,
        %mul3A_752 = arith.mulf %get3A_257, %get3A_751 : vector<16xf32>
        %add3A_753 = arith.addf %add3A_748, %mul3A_752 : vector<16xf32>
        %get3A_754 = arith.index_cast %add3A_739 : i32 to index
        %get3A_755 = arith.constant 48 : index
        %get3A_756 = tpu.vector_load %arg13[%get3A_754, %get3A_755] {strides = array<i32>} : memref<320x64xf32, #tpu.memory_space<vmem>>, vector<16xf32>,
        %mul3A_757 = arith.mulf %get3A_260, %get3A_756 : vector<16xf32>
        %add3A_758 = arith.addf %add3A_753, %mul3A_757 : vector<16xf32>
        %mul3A_759 = arith.constant 21 : i32
        %mul3A_760 = arith.muli %scan3A_249, %mul3A_759 : i32
        %add3A_761 = arith.constant 16 : i32
        %add3A_762 = arith.addi %mul3A_760, %add3A_761 : i32
        %swap3A_763 = arith.index_cast %add3A_762 : i32 to index
        %swap3A_764 = arith.constant 0 : index
        %swap3A_765 = tpu.vector_load %arg17[%swap3A_763, %swap3A_764] {strides = array<i32>} : memref<336x17xf32, #tpu.memory_space<vmem>>, vector<16xf32>,
        tpu.vector_store %arg17[%swap3A_763, %swap3A_764], %add3A_758 {strides = array<i32>} : memref<336x17xf32, #tpu.memory_space<vmem>>, vector<16xf32>,
        %mul3A_766 = arith.constant 20 : i32
        %mul3A_767 = arith.muli %scan3A_249, %mul3A_766 : i32
        %add3A_768 = arith.constant 16 : i32
        %add3A_769 = arith.addi %mul3A_767, %add3A_768 : i32
        %get3A_770 = arith.index_cast %add3A_769 : i32 to index
        %get3A_771 = arith.constant 0 : index
        %get3A_772 = tpu.vector_load %arg13[%get3A_770, %get3A_771] {strides = array<i32>} : memref<320x64xf32, #tpu.memory_space<vmem>>, vector<16xf32>,
        %mul3A_773 = arith.mulf %get3A_251, %get3A_772 : vector<16xf32>
        %get3A_774 = arith.index_cast %add3A_769 : i32 to index
        %get3A_775 = arith.constant 16 : index
        %get3A_776 = tpu.vector_load %arg13[%get3A_774, %get3A_775] {strides = array<i32>} : memref<320x64xf32, #tpu.memory_space<vmem>>, vector<16xf32>,
        %mul3A_777 = arith.mulf %get3A_254, %get3A_776 : vector<16xf32>
        %add3A_778 = arith.addf %mul3A_773, %mul3A_777 : vector<16xf32>
        %get3A_779 = arith.index_cast %add3A_769 : i32 to index
        %get3A_780 = arith.constant 32 : index
        %get3A_781 = tpu.vector_load %arg13[%get3A_779, %get3A_780] {strides = array<i32>} : memref<320x64xf32, #tpu.memory_space<vmem>>, vector<16xf32>,
        %mul3A_782 = arith.mulf %get3A_257, %get3A_781 : vector<16xf32>
        %add3A_783 = arith.addf %add3A_778, %mul3A_782 : vector<16xf32>
        %get3A_784 = arith.index_cast %add3A_769 : i32 to index
        %get3A_785 = arith.constant 48 : index
        %get3A_786 = tpu.vector_load %arg13[%get3A_784, %get3A_785] {strides = array<i32>} : memref<320x64xf32, #tpu.memory_space<vmem>>, vector<16xf32>,
        %mul3A_787 = arith.mulf %get3A_260, %get3A_786 : vector<16xf32>
        %add3A_788 = arith.addf %add3A_783, %mul3A_787 : vector<16xf32>
        %mul3A_789 = arith.constant 21 : i32
        %mul3A_790 = arith.muli %scan3A_249, %mul3A_789 : i32
        %add3A_791 = arith.constant 17 : i32
        %add3A_792 = arith.addi %mul3A_790, %add3A_791 : i32
        %swap3A_793 = arith.index_cast %add3A_792 : i32 to index
        %swap3A_794 = arith.constant 0 : index
        %swap3A_795 = tpu.vector_load %arg17[%swap3A_793, %swap3A_794] {strides = array<i32>} : memref<336x17xf32, #tpu.memory_space<vmem>>, vector<16xf32>,
        tpu.vector_store %arg17[%swap3A_793, %swap3A_794], %add3A_788 {strides = array<i32>} : memref<336x17xf32, #tpu.memory_space<vmem>>, vector<16xf32>,
        %mul3A_796 = arith.constant 20 : i32
        %mul3A_797 = arith.muli %scan3A_249, %mul3A_796 : i32
        %add3A_798 = arith.constant 17 : i32
        %add3A_799 = arith.addi %mul3A_797, %add3A_798 : i32
        %get3A_800 = arith.index_cast %add3A_799 : i32 to index
        %get3A_801 = arith.constant 0 : index
        %get3A_802 = tpu.vector_load %arg13[%get3A_800, %get3A_801] {strides = array<i32>} : memref<320x64xf32, #tpu.memory_space<vmem>>, vector<16xf32>,
        %mul3A_803 = arith.mulf %get3A_251, %get3A_802 : vector<16xf32>
        %get3A_804 = arith.index_cast %add3A_799 : i32 to index
        %get3A_805 = arith.constant 16 : index
        %get3A_806 = tpu.vector_load %arg13[%get3A_804, %get3A_805] {strides = array<i32>} : memref<320x64xf32, #tpu.memory_space<vmem>>, vector<16xf32>,
        %mul3A_807 = arith.mulf %get3A_254, %get3A_806 : vector<16xf32>
        %add3A_808 = arith.addf %mul3A_803, %mul3A_807 : vector<16xf32>
        %get3A_809 = arith.index_cast %add3A_799 : i32 to index
        %get3A_810 = arith.constant 32 : index
        %get3A_811 = tpu.vector_load %arg13[%get3A_809, %get3A_810] {strides = array<i32>} : memref<320x64xf32, #tpu.memory_space<vmem>>, vector<16xf32>,
        %mul3A_812 = arith.mulf %get3A_257, %get3A_811 : vector<16xf32>
        %add3A_813 = arith.addf %add3A_808, %mul3A_812 : vector<16xf32>
        %get3A_814 = arith.index_cast %add3A_799 : i32 to index
        %get3A_815 = arith.constant 48 : index
        %get3A_816 = tpu.vector_load %arg13[%get3A_814, %get3A_815] {strides = array<i32>} : memref<320x64xf32, #tpu.memory_space<vmem>>, vector<16xf32>,
        %mul3A_817 = arith.mulf %get3A_260, %get3A_816 : vector<16xf32>
        %add3A_818 = arith.addf %add3A_813, %mul3A_817 : vector<16xf32>
        %mul3A_819 = arith.constant 21 : i32
        %mul3A_820 = arith.muli %scan3A_249, %mul3A_819 : i32
        %add3A_821 = arith.constant 18 : i32
        %add3A_822 = arith.addi %mul3A_820, %add3A_821 : i32
        %swap3A_823 = arith.index_cast %add3A_822 : i32 to index
        %swap3A_824 = arith.constant 0 : index
        %swap3A_825 = tpu.vector_load %arg17[%swap3A_823, %swap3A_824] {strides = array<i32>} : memref<336x17xf32, #tpu.memory_space<vmem>>, vector<16xf32>,
        tpu.vector_store %arg17[%swap3A_823, %swap3A_824], %add3A_818 {strides = array<i32>} : memref<336x17xf32, #tpu.memory_space<vmem>>, vector<16xf32>,
        %mul3A_826 = arith.constant 20 : i32
        %mul3A_827 = arith.muli %scan3A_249, %mul3A_826 : i32
        %add3A_828 = arith.constant 18 : i32
        %add3A_829 = arith.addi %mul3A_827, %add3A_828 : i32
        %get3A_830 = arith.index_cast %add3A_829 : i32 to index
        %get3A_831 = arith.constant 0 : index
        %get3A_832 = tpu.vector_load %arg13[%get3A_830, %get3A_831] {strides = array<i32>} : memref<320x64xf32, #tpu.memory_space<vmem>>, vector<16xf32>,
        %mul3A_833 = arith.mulf %get3A_251, %get3A_832 : vector<16xf32>
        %get3A_834 = arith.index_cast %add3A_829 : i32 to index
        %get3A_835 = arith.constant 16 : index
        %get3A_836 = tpu.vector_load %arg13[%get3A_834, %get3A_835] {strides = array<i32>} : memref<320x64xf32, #tpu.memory_space<vmem>>, vector<16xf32>,
        %mul3A_837 = arith.mulf %get3A_254, %get3A_836 : vector<16xf32>
        %add3A_838 = arith.addf %mul3A_833, %mul3A_837 : vector<16xf32>
        %get3A_839 = arith.index_cast %add3A_829 : i32 to index
        %get3A_840 = arith.constant 32 : index
        %get3A_841 = tpu.vector_load %arg13[%get3A_839, %get3A_840] {strides = array<i32>} : memref<320x64xf32, #tpu.memory_space<vmem>>, vector<16xf32>,
        %mul3A_842 = arith.mulf %get3A_257, %get3A_841 : vector<16xf32>
        %add3A_843 = arith.addf %add3A_838, %mul3A_842 : vector<16xf32>
        %get3A_844 = arith.index_cast %add3A_829 : i32 to index
        %get3A_845 = arith.constant 48 : index
        %get3A_846 = tpu.vector_load %arg13[%get3A_844, %get3A_845] {strides = array<i32>} : memref<320x64xf32, #tpu.memory_space<vmem>>, vector<16xf32>,
        %mul3A_847 = arith.mulf %get3A_260, %get3A_846 : vector<16xf32>
        %add3A_848 = arith.addf %add3A_843, %mul3A_847 : vector<16xf32>
        %mul3A_849 = arith.constant 21 : i32
        %mul3A_850 = arith.muli %scan3A_249, %mul3A_849 : i32
        %add3A_851 = arith.constant 19 : i32
        %add3A_852 = arith.addi %mul3A_850, %add3A_851 : i32
        %swap3A_853 = arith.index_cast %add3A_852 : i32 to index
        %swap3A_854 = arith.constant 0 : index
        %swap3A_855 = tpu.vector_load %arg17[%swap3A_853, %swap3A_854] {strides = array<i32>} : memref<336x17xf32, #tpu.memory_space<vmem>>, vector<16xf32>,
        tpu.vector_store %arg17[%swap3A_853, %swap3A_854], %add3A_848 {strides = array<i32>} : memref<336x17xf32, #tpu.memory_space<vmem>>, vector<16xf32>,
        %mul3A_856 = arith.constant 20 : i32
        %mul3A_857 = arith.muli %scan3A_249, %mul3A_856 : i32
        %add3A_858 = arith.constant 19 : i32
        %add3A_859 = arith.addi %mul3A_857, %add3A_858 : i32
        %get3A_860 = arith.index_cast %add3A_859 : i32 to index
        %get3A_861 = arith.constant 0 : index
        %get3A_862 = tpu.vector_load %arg13[%get3A_860, %get3A_861] {strides = array<i32>} : memref<320x64xf32, #tpu.memory_space<vmem>>, vector<16xf32>,
        %mul3A_863 = arith.mulf %get3A_251, %get3A_862 : vector<16xf32>
        %get3A_864 = arith.index_cast %add3A_859 : i32 to index
        %get3A_865 = arith.constant 16 : index
        %get3A_866 = tpu.vector_load %arg13[%get3A_864, %get3A_865] {strides = array<i32>} : memref<320x64xf32, #tpu.memory_space<vmem>>, vector<16xf32>,
        %mul3A_867 = arith.mulf %get3A_254, %get3A_866 : vector<16xf32>
        %add3A_868 = arith.addf %mul3A_863, %mul3A_867 : vector<16xf32>
        %get3A_869 = arith.index_cast %add3A_859 : i32 to index
        %get3A_870 = arith.constant 32 : index
        %get3A_871 = tpu.vector_load %arg13[%get3A_869, %get3A_870] {strides = array<i32>} : memref<320x64xf32, #tpu.memory_space<vmem>>, vector<16xf32>,
        %mul3A_872 = arith.mulf %get3A_257, %get3A_871 : vector<16xf32>
        %add3A_873 = arith.addf %add3A_868, %mul3A_872 : vector<16xf32>
        %get3A_874 = arith.index_cast %add3A_859 : i32 to index
        %get3A_875 = arith.constant 48 : index
        %get3A_876 = tpu.vector_load %arg13[%get3A_874, %get3A_875] {strides = array<i32>} : memref<320x64xf32, #tpu.memory_space<vmem>>, vector<16xf32>,
        %mul3A_877 = arith.mulf %get3A_260, %get3A_876 : vector<16xf32>
        %add3A_878 = arith.addf %add3A_873, %mul3A_877 : vector<16xf32>
        %mul3A_879 = arith.constant 21 : i32
        %mul3A_880 = arith.muli %scan3A_249, %mul3A_879 : i32
        %add3A_881 = arith.constant 20 : i32
        %add3A_882 = arith.addi %mul3A_880, %add3A_881 : i32
        %swap3A_883 = arith.index_cast %add3A_882 : i32 to index
        %swap3A_884 = arith.constant 0 : index
        %swap3A_885 = tpu.vector_load %arg17[%swap3A_883, %swap3A_884] {strides = array<i32>} : memref<336x17xf32, #tpu.memory_space<vmem>>, vector<16xf32>,
        tpu.vector_store %arg17[%swap3A_883, %swap3A_884], %add3A_878 {strides = array<i32>} : memref<336x17xf32, #tpu.memory_space<vmem>>, vector<16xf32>,
      }
      %scan3A_149 = arith.constant 16 : i32
      %scan3A_150 = arith.constant 0 : i32
      %scan3A_151 = arith.constant 0 : i32
      %scan3A_152 = arith.constant 21 : i32
      %scan3A_153 = arith.addi %scan3A_151, %scan3A_152 : i32
      %scan3A_154 = arith.constant 1 : i32
      scf.for %scan3A_249 = %scan3A_151 to %scan3A_153 step %scan3A_154  : i32 {
        %mul3A_250 = arith.constant 16 : i32
        %mul3A_251 = arith.muli %scan3A_249, %mul3A_250 : i32
        %add3A_252 = vector.broadcast %mul3A_251 : i32 to vector<16xi32>
        %add3A_253 = arith.addi %add3A_252, %iota3A : vector<16xi32>
        %broadcast_in_dim3A = arith.constant 0 : i32
        %broadcast_in_dim3A_254 = vector.broadcast %broadcast_in_dim3A : i32 to vector<16xi32>
        %gather3A = tpu.vector_load_idx %arg17[%add3A_253, %broadcast_in_dim3A_254] : memref<336x17xf32, #tpu.memory_space<vmem>>[vector<16xi32>, vector<16xi32>], vector<16xf32>,
        %broadcast_in_dim3A_255 = arith.constant 1 : i32
        %broadcast_in_dim3A_256 = vector.broadcast %broadcast_in_dim3A_255 : i32 to vector<16xi32>
        %gather3A_257 = tpu.vector_load_idx %arg17[%add3A_253, %broadcast_in_dim3A_256] : memref<336x17xf32, #tpu.memory_space<vmem>>[vector<16xi32>, vector<16xi32>], vector<16xf32>,
        %add3A_258 = arith.addf %gather3A, %gather3A_257 : vector<16xf32>
        %broadcast_in_dim3A_259 = arith.constant 2 : i32
        %broadcast_in_dim3A_260 = vector.broadcast %broadcast_in_dim3A_259 : i32 to vector<16xi32>
        %gather3A_261 = tpu.vector_load_idx %arg17[%add3A_253, %broadcast_in_dim3A_260] : memref<336x17xf32, #tpu.memory_space<vmem>>[vector<16xi32>, vector<16xi32>], vector<16xf32>,
        %add3A_262 = arith.addf %add3A_258, %gather3A_261 : vector<16xf32>
        %broadcast_in_dim3A_263 = arith.constant 3 : i32
        %broadcast_in_dim3A_264 = vector.broadcast %broadcast_in_dim3A_263 : i32 to vector<16xi32>
        %gather3A_265 = tpu.vector_load_idx %arg17[%add3A_253, %broadcast_in_dim3A_264] : memref<336x17xf32, #tpu.memory_space<vmem>>[vector<16xi32>, vector<16xi32>], vector<16xf32>,
        %add3A_266 = arith.addf %add3A_262, %gather3A_265 : vector<16xf32>
        %broadcast_in_dim3A_267 = arith.constant 4 : i32
        %broadcast_in_dim3A_268 = vector.broadcast %broadcast_in_dim3A_267 : i32 to vector<16xi32>
        %gather3A_269 = tpu.vector_load_idx %arg17[%add3A_253, %broadcast_in_dim3A_268] : memref<336x17xf32, #tpu.memory_space<vmem>>[vector<16xi32>, vector<16xi32>], vector<16xf32>,
        %add3A_270 = arith.addf %add3A_266, %gather3A_269 : vector<16xf32>
        %broadcast_in_dim3A_271 = arith.constant 5 : i32
        %broadcast_in_dim3A_272 = vector.broadcast %broadcast_in_dim3A_271 : i32 to vector<16xi32>
        %gather3A_273 = tpu.vector_load_idx %arg17[%add3A_253, %broadcast_in_dim3A_272] : memref<336x17xf32, #tpu.memory_space<vmem>>[vector<16xi32>, vector<16xi32>], vector<16xf32>,
        %add3A_274 = arith.addf %add3A_270, %gather3A_273 : vector<16xf32>
        %broadcast_in_dim3A_275 = arith.constant 6 : i32
        %broadcast_in_dim3A_276 = vector.broadcast %broadcast_in_dim3A_275 : i32 to vector<16xi32>
        %gather3A_277 = tpu.vector_load_idx %arg17[%add3A_253, %broadcast_in_dim3A_276] : memref<336x17xf32, #tpu.memory_space<vmem>>[vector<16xi32>, vector<16xi32>], vector<16xf32>,
        %add3A_278 = arith.addf %add3A_274, %gather3A_277 : vector<16xf32>
        %broadcast_in_dim3A_279 = arith.constant 7 : i32
        %broadcast_in_dim3A_280 = vector.broadcast %broadcast_in_dim3A_279 : i32 to vector<16xi32>
        %gather3A_281 = tpu.vector_load_idx %arg17[%add3A_253, %broadcast_in_dim3A_280] : memref<336x17xf32, #tpu.memory_space<vmem>>[vector<16xi32>, vector<16xi32>], vector<16xf32>,
        %add3A_282 = arith.addf %add3A_278, %gather3A_281 : vector<16xf32>
        %broadcast_in_dim3A_283 = arith.constant 8 : i32
        %broadcast_in_dim3A_284 = vector.broadcast %broadcast_in_dim3A_283 : i32 to vector<16xi32>
        %gather3A_285 = tpu.vector_load_idx %arg17[%add3A_253, %broadcast_in_dim3A_284] : memref<336x17xf32, #tpu.memory_space<vmem>>[vector<16xi32>, vector<16xi32>], vector<16xf32>,
        %add3A_286 = arith.addf %add3A_282, %gather3A_285 : vector<16xf32>
        %broadcast_in_dim3A_287 = arith.constant 9 : i32
        %broadcast_in_dim3A_288 = vector.broadcast %broadcast_in_dim3A_287 : i32 to vector<16xi32>
        %gather3A_289 = tpu.vector_load_idx %arg17[%add3A_253, %broadcast_in_dim3A_288] : memref<336x17xf32, #tpu.memory_space<vmem>>[vector<16xi32>, vector<16xi32>], vector<16xf32>,
        %add3A_290 = arith.addf %add3A_286, %gather3A_289 : vector<16xf32>
        %broadcast_in_dim3A_291 = arith.constant 10 : i32
        %broadcast_in_dim3A_292 = vector.broadcast %broadcast_in_dim3A_291 : i32 to vector<16xi32>
        %gather3A_293 = tpu.vector_load_idx %arg17[%add3A_253, %broadcast_in_dim3A_292] : memref<336x17xf32, #tpu.memory_space<vmem>>[vector<16xi32>, vector<16xi32>], vector<16xf32>,
        %add3A_294 = arith.addf %add3A_290, %gather3A_293 : vector<16xf32>
        %broadcast_in_dim3A_295 = arith.constant 11 : i32
        %broadcast_in_dim3A_296 = vector.broadcast %broadcast_in_dim3A_295 : i32 to vector<16xi32>
        %gather3A_297 = tpu.vector_load_idx %arg17[%add3A_253, %broadcast_in_dim3A_296] : memref<336x17xf32, #tpu.memory_space<vmem>>[vector<16xi32>, vector<16xi32>], vector<16xf32>,
        %add3A_298 = arith.addf %add3A_294, %gather3A_297 : vector<16xf32>
        %broadcast_in_dim3A_299 = arith.constant 12 : i32
        %broadcast_in_dim3A_300 = vector.broadcast %broadcast_in_dim3A_299 : i32 to vector<16xi32>
        %gather3A_301 = tpu.vector_load_idx %arg17[%add3A_253, %broadcast_in_dim3A_300] : memref<336x17xf32, #tpu.memory_space<vmem>>[vector<16xi32>, vector<16xi32>], vector<16xf32>,
        %add3A_302 = arith.addf %add3A_298, %gather3A_301 : vector<16xf32>
        %broadcast_in_dim3A_303 = arith.constant 13 : i32
        %broadcast_in_dim3A_304 = vector.broadcast %broadcast_in_dim3A_303 : i32 to vector<16xi32>
        %gather3A_305 = tpu.vector_load_idx %arg17[%add3A_253, %broadcast_in_dim3A_304] : memref<336x17xf32, #tpu.memory_space<vmem>>[vector<16xi32>, vector<16xi32>], vector<16xf32>,
        %add3A_306 = arith.addf %add3A_302, %gather3A_305 : vector<16xf32>
        %broadcast_in_dim3A_307 = arith.constant 14 : i32
        %broadcast_in_dim3A_308 = vector.broadcast %broadcast_in_dim3A_307 : i32 to vector<16xi32>
        %gather3A_309 = tpu.vector_load_idx %arg17[%add3A_253, %broadcast_in_dim3A_308] : memref<336x17xf32, #tpu.memory_space<vmem>>[vector<16xi32>, vector<16xi32>], vector<16xf32>,
        %add3A_310 = arith.addf %add3A_306, %gather3A_309 : vector<16xf32>
        %broadcast_in_dim3A_311 = arith.constant 15 : i32
        %broadcast_in_dim3A_312 = vector.broadcast %broadcast_in_dim3A_311 : i32 to vector<16xi32>
        %gather3A_313 = tpu.vector_load_idx %arg17[%add3A_253, %broadcast_in_dim3A_312] : memref<336x17xf32, #tpu.memory_space<vmem>>[vector<16xi32>, vector<16xi32>], vector<16xf32>,
        %add3A_314 = arith.addf %add3A_310, %gather3A_313 : vector<16xf32>
        %swap3A = arith.index_cast %scan3A_249 : i32 to index
        %swap3A_315 = arith.constant 0 : index
        %swap3A_316 = tpu.vector_load %arg18[%swap3A, %swap3A_315] {strides = array<i32>} : memref<21x16xf32, #tpu.memory_space<vmem>>, vector<16xf32>,
        tpu.vector_store %arg18[%swap3A, %swap3A_315], %add3A_314 {strides = array<i32>} : memref<21x16xf32, #tpu.memory_space<vmem>>, vector<16xf32>,
      }
      %scan3A_155 = arith.constant 21 : i32
      %mul3A_156 = arith.constant 32 : i32
      %mul3A_157 = arith.muli %add3A, %mul3A_156 : i32
      %add3A_158 = arith.addi %mul3A_157, %mul3A_98 : i32
      %dma_start3A_159 = arith.constant 0 : i32
      %dma_start3A_160 = arith.constant 0 : i32
      %dma_start3A_161 = tpu.memref_slice %arg7[%add3A_158, %dma_start3A_159, %dma_start3A_160] : memref<1024x21x16xf32, #tpu.memory_space<hbm>> -> memref<1x21x16xf32, #tpu.memory_space<hbm>>
      %dma_start3A_162 = tpu.memref_squeeze %dma_start3A_161 : memref<1x21x16xf32, #tpu.memory_space<hbm>> -> memref<21x16xf32, #tpu.memory_space<hbm>>
      %dma_start3A_163 = arith.constant 0 : i32
      %dma_start3A_164 = arith.constant 0 : i32
      %dma_start3A_165 = tpu.memref_slice %arg7[%add3A_158, %dma_start3A_163, %dma_start3A_164] : memref<1024x21x16xf32, #tpu.memory_space<hbm>> -> memref<1x21x16xf32, #tpu.memory_space<hbm>>
      %dma_start3A_166 = tpu.memref_squeeze %dma_start3A_165 : memref<1x21x16xf32, #tpu.memory_space<hbm>> -> memref<21x16xf32, #tpu.memory_space<hbm>>
      tpu.enqueue_dma source(%arg18 : memref<21x16xf32, #tpu.memory_space<vmem>>) target(%dma_start3A_166 : memref<21x16xf32, #tpu.memory_space<hbm>>) target_semaphore(%arg22 : memref<!tpu.dma_semaphore, #tpu.memory_space<semaphore_mem>>)
      %lt3A = arith.constant 15 : i32
      %lt3A_167 = arith.cmpi slt, %scan3A_96, %lt3A : i32
      %convert_element_type3A_168 = arith.extui %lt3A_167 : i1 to i32
      %cond3A_169 = arith.constant 0 : i32
      %cond3A_170 = arith.cmpi ne, %convert_element_type3A_168, %cond3A_169 : i32
      scf.if %cond3A_170 {
        %add3A_249 = arith.constant 2 : i32
        %add3A_250 = arith.addi %mul3A_98, %add3A_249 : i32
        %mul3A_251 = arith.constant 16 : i32
        %mul3A_252 = arith.muli %add3A_250, %mul3A_251 : i32
        %dma_start3A_253 = tpu.memref_slice %arg8[%mul3A_252] : memref<512xi32, #tpu.memory_space<vmem>> -> memref<16xi32, #tpu.memory_space<vmem>>
        %dma_start3A_254 = arith.constant 0 : i32
        %dma_start3A_255 = arith.constant 0 : i32
        %dma_start3A_256 = tpu.memref_slice %arg5[%dma_start3A_254, %dma_start3A_255] : memref<100000x64xf32, #tpu.memory_space<hbm>> -> memref<100000x64xf32, #tpu.memory_space<hbm>>
        tpu.enqueue_indirect_dma source(%dma_start3A_256 : memref<100000x64xf32, #tpu.memory_space<hbm>>) target(%arg11 : memref<16x64xf32, #tpu.memory_space<vmem>>) offsets(%dma_start3A_253 : memref<16xi32, #tpu.memory_space<vmem>>) semaphore(%arg20 : memref<!tpu.dma_semaphore, #tpu.memory_space<semaphore_mem>>)
        %mul3A_257 = arith.constant 16 : i32
        %mul3A_258 = arith.muli %add3A_250, %mul3A_257 : i32
        %dma_start3A_259 = tpu.memref_slice %arg9[%mul3A_258] : memref<512xi32, #tpu.memory_space<vmem>> -> memref<16xi32, #tpu.memory_space<vmem>>
        %dma_start3A_260 = arith.constant 0 : i32
        %dma_start3A_261 = arith.constant 0 : i32
        %dma_start3A_262 = tpu.memref_slice %arg6[%dma_start3A_260, %dma_start3A_261] : memref<100000x64xf32, #tpu.memory_space<hbm>> -> memref<100000x64xf32, #tpu.memory_space<hbm>>
        tpu.enqueue_indirect_dma source(%dma_start3A_262 : memref<100000x64xf32, #tpu.memory_space<hbm>>) target(%arg12 : memref<16x64xf32, #tpu.memory_space<vmem>>) offsets(%dma_start3A_259 : memref<16xi32, #tpu.memory_space<vmem>>) semaphore(%arg20 : memref<!tpu.dma_semaphore, #tpu.memory_space<semaphore_mem>>)
        %mul3A_263 = arith.constant 320 : i32
        %mul3A_264 = arith.muli %add3A_250, %mul3A_263 : i32
        %dma_start3A_265 = arith.constant 0 : i32
        %dma_start3A_266 = arith.constant 0 : i32
        %dma_start3A_267 = tpu.memref_slice %arg13[%dma_start3A_265, %dma_start3A_266] : memref<320x64xf32, #tpu.memory_space<vmem>> -> memref<128x64xf32, #tpu.memory_space<vmem>>
        %dma_start3A_268 = tpu.memref_slice %arg10[%mul3A_264] : memref<10240xi32, #tpu.memory_space<vmem>> -> memref<128xi32, #tpu.memory_space<vmem>>
        %dma_start3A_269 = arith.constant 0 : i32
        %dma_start3A_270 = arith.constant 0 : i32
        %dma_start3A_271 = tpu.memref_slice %arg6[%dma_start3A_269, %dma_start3A_270] : memref<100000x64xf32, #tpu.memory_space<hbm>> -> memref<100000x64xf32, #tpu.memory_space<hbm>>
        tpu.enqueue_indirect_dma source(%dma_start3A_271 : memref<100000x64xf32, #tpu.memory_space<hbm>>) target(%dma_start3A_267 : memref<128x64xf32, #tpu.memory_space<vmem>>) offsets(%dma_start3A_268 : memref<128xi32, #tpu.memory_space<vmem>>) semaphore(%arg20 : memref<!tpu.dma_semaphore, #tpu.memory_space<semaphore_mem>>)
        %mul3A_272 = arith.constant 320 : i32
        %mul3A_273 = arith.muli %add3A_250, %mul3A_272 : i32
        %add3A_274 = arith.constant 128 : i32
        %add3A_275 = arith.addi %mul3A_273, %add3A_274 : i32
        %dma_start3A_276 = arith.constant 128 : i32
        %dma_start3A_277 = arith.constant 0 : i32
        %dma_start3A_278 = tpu.memref_slice %arg13[%dma_start3A_276, %dma_start3A_277] : memref<320x64xf32, #tpu.memory_space<vmem>> -> memref<128x64xf32, #tpu.memory_space<vmem>>
        %dma_start3A_279 = tpu.memref_slice %arg10[%add3A_275] : memref<10240xi32, #tpu.memory_space<vmem>> -> memref<128xi32, #tpu.memory_space<vmem>>
        %dma_start3A_280 = arith.constant 0 : i32
        %dma_start3A_281 = arith.constant 0 : i32
        %dma_start3A_282 = tpu.memref_slice %arg6[%dma_start3A_280, %dma_start3A_281] : memref<100000x64xf32, #tpu.memory_space<hbm>> -> memref<100000x64xf32, #tpu.memory_space<hbm>>
        tpu.enqueue_indirect_dma source(%dma_start3A_282 : memref<100000x64xf32, #tpu.memory_space<hbm>>) target(%dma_start3A_278 : memref<128x64xf32, #tpu.memory_space<vmem>>) offsets(%dma_start3A_279 : memref<128xi32, #tpu.memory_space<vmem>>) semaphore(%arg20 : memref<!tpu.dma_semaphore, #tpu.memory_space<semaphore_mem>>)
        %mul3A_283 = arith.constant 320 : i32
        %mul3A_284 = arith.muli %add3A_250, %mul3A_283 : i32
        %add3A_285 = arith.constant 256 : i32
        %add3A_286 = arith.addi %mul3A_284, %add3A_285 : i32
        %dma_start3A_287 = arith.constant 256 : i32
        %dma_start3A_288 = arith.constant 0 : i32
        %dma_start3A_289 = tpu.memref_slice %arg13[%dma_start3A_287, %dma_start3A_288] : memref<320x64xf32, #tpu.memory_space<vmem>> -> memref<64x64xf32, #tpu.memory_space<vmem>>
        %dma_start3A_290 = tpu.memref_slice %arg10[%add3A_286] : memref<10240xi32, #tpu.memory_space<vmem>> -> memref<64xi32, #tpu.memory_space<vmem>>
        %dma_start3A_291 = arith.constant 0 : i32
        %dma_start3A_292 = arith.constant 0 : i32
        %dma_start3A_293 = tpu.memref_slice %arg6[%dma_start3A_291, %dma_start3A_292] : memref<100000x64xf32, #tpu.memory_space<hbm>> -> memref<100000x64xf32, #tpu.memory_space<hbm>>
        tpu.enqueue_indirect_dma source(%dma_start3A_293 : memref<100000x64xf32, #tpu.memory_space<hbm>>) target(%dma_start3A_289 : memref<64x64xf32, #tpu.memory_space<vmem>>) offsets(%dma_start3A_290 : memref<64xi32, #tpu.memory_space<vmem>>) semaphore(%arg20 : memref<!tpu.dma_semaphore, #tpu.memory_space<semaphore_mem>>)
      } else {
      }
      %add3A_171 = arith.constant 1 : i32
      %add3A_172 = arith.addi %mul3A_98, %add3A_171 : i32
      %mul3A_173 = arith.constant 16 : i32
      %mul3A_174 = arith.muli %add3A_172, %mul3A_173 : i32
      %dma_wait3A_175 = tpu.memref_slice %arg8[%mul3A_174] : memref<512xi32, #tpu.memory_space<vmem>> -> memref<16xi32, #tpu.memory_space<vmem>>
      %dma_wait3A_176 = arith.constant 0 : i32
      %dma_wait3A_177 = arith.constant 0 : i32
      %dma_wait3A_178 = tpu.memref_slice %arg5[%dma_wait3A_176, %dma_wait3A_177] : memref<100000x64xf32, #tpu.memory_space<hbm>> -> memref<100000x64xf32, #tpu.memory_space<hbm>>
      tpu.wait_indirect_dma semaphore(%arg21 : memref<!tpu.dma_semaphore, #tpu.memory_space<semaphore_mem>>) src(%dma_wait3A_178 : memref<100000x64xf32, #tpu.memory_space<hbm>>) dst(%arg14 : memref<16x64xf32, #tpu.memory_space<vmem>>)
      %mul3A_179 = arith.constant 16 : i32
      %mul3A_180 = arith.muli %add3A_172, %mul3A_179 : i32
      %dma_wait3A_181 = tpu.memref_slice %arg9[%mul3A_180] : memref<512xi32, #tpu.memory_space<vmem>> -> memref<16xi32, #tpu.memory_space<vmem>>
      %dma_wait3A_182 = arith.constant 0 : i32
      %dma_wait3A_183 = arith.constant 0 : i32
      %dma_wait3A_184 = tpu.memref_slice %arg6[%dma_wait3A_182, %dma_wait3A_183] : memref<100000x64xf32, #tpu.memory_space<hbm>> -> memref<100000x64xf32, #tpu.memory_space<hbm>>
      tpu.wait_indirect_dma semaphore(%arg21 : memref<!tpu.dma_semaphore, #tpu.memory_space<semaphore_mem>>) src(%dma_wait3A_184 : memref<100000x64xf32, #tpu.memory_space<hbm>>) dst(%arg15 : memref<16x64xf32, #tpu.memory_space<vmem>>)
      %mul3A_185 = arith.constant 320 : i32
      %mul3A_186 = arith.muli %add3A_172, %mul3A_185 : i32
      %dma_wait3A_187 = arith.constant 0 : i32
      %dma_wait3A_188 = arith.constant 0 : i32
      %dma_wait3A_189 = tpu.memref_slice %arg16[%dma_wait3A_187, %dma_wait3A_188] : memref<320x64xf32, #tpu.memory_space<vmem>> -> memref<128x64xf32, #tpu.memory_space<vmem>>
      %dma_wait3A_190 = tpu.memref_slice %arg10[%mul3A_186] : memref<10240xi32, #tpu.memory_space<vmem>> -> memref<128xi32, #tpu.memory_space<vmem>>
      %dma_wait3A_191 = arith.constant 0 : i32
      %dma_wait3A_192 = arith.constant 0 : i32
      %dma_wait3A_193 = tpu.memref_slice %arg6[%dma_wait3A_191, %dma_wait3A_192] : memref<100000x64xf32, #tpu.memory_space<hbm>> -> memref<100000x64xf32, #tpu.memory_space<hbm>>
      tpu.wait_indirect_dma semaphore(%arg21 : memref<!tpu.dma_semaphore, #tpu.memory_space<semaphore_mem>>) src(%dma_wait3A_193 : memref<100000x64xf32, #tpu.memory_space<hbm>>) dst(%dma_wait3A_189 : memref<128x64xf32, #tpu.memory_space<vmem>>)
      %mul3A_194 = arith.constant 320 : i32
      %mul3A_195 = arith.muli %add3A_172, %mul3A_194 : i32
      %add3A_196 = arith.constant 128 : i32
      %add3A_197 = arith.addi %mul3A_195, %add3A_196 : i32
      %dma_wait3A_198 = arith.constant 128 : i32
      %dma_wait3A_199 = arith.constant 0 : i32
      %dma_wait3A_200 = tpu.memref_slice %arg16[%dma_wait3A_198, %dma_wait3A_199] : memref<320x64xf32, #tpu.memory_space<vmem>> -> memref<128x64xf32, #tpu.memory_space<vmem>>
      %dma_wait3A_201 = tpu.memref_slice %arg10[%add3A_197] : memref<10240xi32, #tpu.memory_space<vmem>> -> memref<128xi32, #tpu.memory_space<vmem>>
      %dma_wait3A_202 = arith.constant 0 : i32
      %dma_wait3A_203 = arith.constant 0 : i32
      %dma_wait3A_204 = tpu.memref_slice %arg6[%dma_wait3A_202, %dma_wait3A_203] : memref<100000x64xf32, #tpu.memory_space<hbm>> -> memref<100000x64xf32, #tpu.memory_space<hbm>>
      tpu.wait_indirect_dma semaphore(%arg21 : memref<!tpu.dma_semaphore, #tpu.memory_space<semaphore_mem>>) src(%dma_wait3A_204 : memref<100000x64xf32, #tpu.memory_space<hbm>>) dst(%dma_wait3A_200 : memref<128x64xf32, #tpu.memory_space<vmem>>)
      %mul3A_205 = arith.constant 320 : i32
      %mul3A_206 = arith.muli %add3A_172, %mul3A_205 : i32
      %add3A_207 = arith.constant 256 : i32
      %add3A_208 = arith.addi %mul3A_206, %add3A_207 : i32
      %dma_wait3A_209 = arith.constant 256 : i32
      %dma_wait3A_210 = arith.constant 0 : i32
      %dma_wait3A_211 = tpu.memref_slice %arg16[%dma_wait3A_209, %dma_wait3A_210] : memref<320x64xf32, #tpu.memory_space<vmem>> -> memref<64x64xf32, #tpu.memory_space<vmem>>
      %dma_wait3A_212 = tpu.memref_slice %arg10[%add3A_208] : memref<10240xi32, #tpu.memory_space<vmem>> -> memref<64xi32, #tpu.memory_space<vmem>>
      %dma_wait3A_213 = arith.constant 0 : i32
      %dma_wait3A_214 = arith.constant 0 : i32
      %dma_wait3A_215 = tpu.memref_slice %arg6[%dma_wait3A_213, %dma_wait3A_214] : memref<100000x64xf32, #tpu.memory_space<hbm>> -> memref<100000x64xf32, #tpu.memory_space<hbm>>
      tpu.wait_indirect_dma semaphore(%arg21 : memref<!tpu.dma_semaphore, #tpu.memory_space<semaphore_mem>>) src(%dma_wait3A_215 : memref<100000x64xf32, #tpu.memory_space<hbm>>) dst(%dma_wait3A_211 : memref<64x64xf32, #tpu.memory_space<vmem>>)
      %gt3A_216 = arith.constant 0 : i32
      %gt3A_217 = arith.cmpi sgt, %scan3A_96, %gt3A_216 : i32
      %convert_element_type3A_218 = arith.extui %gt3A_217 : i1 to i32
      %cond3A_219 = arith.constant 0 : i32
      %cond3A_220 = arith.cmpi ne, %convert_element_type3A_218, %cond3A_219 : i32
      scf.if %cond3A_220 {
        %dma_wait3A_249 = arith.constant 0 : i32
        %dma_wait3A_250 = arith.constant 0 : i32
        %dma_wait3A_251 = arith.constant 0 : i32
        %dma_wait3A_252 = tpu.memref_slice %arg7[%dma_wait3A_249, %dma_wait3A_250, %dma_wait3A_251] : memref<1024x21x16xf32, #tpu.memory_space<hbm>> -> memref<1x21x16xf32, #tpu.memory_space<hbm>>
        %dma_wait3A_253 = tpu.memref_squeeze %dma_wait3A_252 : memref<1x21x16xf32, #tpu.memory_space<hbm>> -> memref<21x16xf32, #tpu.memory_space<hbm>>
        %dma_wait3A_254 = arith.constant 0 : i32
        %dma_wait3A_255 = arith.constant 0 : i32
        %dma_wait3A_256 = tpu.memref_slice %arg7[%dma_wait3A_249, %dma_wait3A_254, %dma_wait3A_255] : memref<1024x21x16xf32, #tpu.memory_space<hbm>> -> memref<1x21x16xf32, #tpu.memory_space<hbm>>
        %dma_wait3A_257 = tpu.memref_squeeze %dma_wait3A_256 : memref<1x21x16xf32, #tpu.memory_space<hbm>> -> memref<21x16xf32, #tpu.memory_space<hbm>>
        tpu.wait_dma2 semaphore(%arg23 : memref<!tpu.dma_semaphore, #tpu.memory_space<semaphore_mem>>) src(%arg19 : memref<21x16xf32, #tpu.memory_space<vmem>>) dst(%dma_wait3A_257 : memref<21x16xf32, #tpu.memory_space<hbm>>)
      } else {
      }
      %scan3A_221 = arith.constant 0 : i32
      %scan3A_222 = arith.constant 0 : i32
      %scan3A_223 = arith.constant 16 : i32
      %scan3A_224 = arith.addi %scan3A_222, %scan3A_223 : i32
      %scan3A_225 = arith.constant 1 : i32
      scf.for %scan3A_249 = %scan3A_222 to %scan3A_224 step %scan3A_225  : i32 {
        %get3A = arith.index_cast %scan3A_249 : i32 to index
        %get3A_250 = arith.constant 0 : index
        %get3A_251 = tpu.vector_load %arg14[%get3A, %get3A_250] {strides = array<i32>} : memref<16x64xf32, #tpu.memory_space<vmem>>, vector<16xf32>,
        %get3A_252 = arith.index_cast %scan3A_249 : i32 to index
        %get3A_253 = arith.constant 16 : index
        %get3A_254 = tpu.vector_load %arg14[%get3A_252, %get3A_253] {strides = array<i32>} : memref<16x64xf32, #tpu.memory_space<vmem>>, vector<16xf32>,
        %get3A_255 = arith.index_cast %scan3A_249 : i32 to index
        %get3A_256 = arith.constant 32 : index
        %get3A_257 = tpu.vector_load %arg14[%get3A_255, %get3A_256] {strides = array<i32>} : memref<16x64xf32, #tpu.memory_space<vmem>>, vector<16xf32>,
        %get3A_258 = arith.index_cast %scan3A_249 : i32 to index
        %get3A_259 = arith.constant 48 : index
        %get3A_260 = tpu.vector_load %arg14[%get3A_258, %get3A_259] {strides = array<i32>} : memref<16x64xf32, #tpu.memory_space<vmem>>, vector<16xf32>,
        %get3A_261 = arith.index_cast %scan3A_249 : i32 to index
        %get3A_262 = arith.constant 0 : index
        %get3A_263 = tpu.vector_load %arg15[%get3A_261, %get3A_262] {strides = array<i32>} : memref<16x64xf32, #tpu.memory_space<vmem>>, vector<16xf32>,
        %mul3A_264 = arith.mulf %get3A_251, %get3A_263 : vector<16xf32>
        %get3A_265 = arith.index_cast %scan3A_249 : i32 to index
        %get3A_266 = arith.constant 16 : index
        %get3A_267 = tpu.vector_load %arg15[%get3A_265, %get3A_266] {strides = array<i32>} : memref<16x64xf32, #tpu.memory_space<vmem>>, vector<16xf32>,
        %mul3A_268 = arith.mulf %get3A_254, %get3A_267 : vector<16xf32>
        %add3A_269 = arith.addf %mul3A_264, %mul3A_268 : vector<16xf32>
        %get3A_270 = arith.index_cast %scan3A_249 : i32 to index
        %get3A_271 = arith.constant 32 : index
        %get3A_272 = tpu.vector_load %arg15[%get3A_270, %get3A_271] {strides = array<i32>} : memref<16x64xf32, #tpu.memory_space<vmem>>, vector<16xf32>,
        %mul3A_273 = arith.mulf %get3A_257, %get3A_272 : vector<16xf32>
        %add3A_274 = arith.addf %add3A_269, %mul3A_273 : vector<16xf32>
        %get3A_275 = arith.index_cast %scan3A_249 : i32 to index
        %get3A_276 = arith.constant 48 : index
        %get3A_277 = tpu.vector_load %arg15[%get3A_275, %get3A_276] {strides = array<i32>} : memref<16x64xf32, #tpu.memory_space<vmem>>, vector<16xf32>,
        %mul3A_278 = arith.mulf %get3A_260, %get3A_277 : vector<16xf32>
        %add3A_279 = arith.addf %add3A_274, %mul3A_278 : vector<16xf32>
        %mul3A_280 = arith.constant 21 : i32
        %mul3A_281 = arith.muli %scan3A_249, %mul3A_280 : i32
        %add3A_282 = arith.constant 0 : i32
        %add3A_283 = arith.addi %mul3A_281, %add3A_282 : i32
        %swap3A = arith.index_cast %add3A_283 : i32 to index
        %swap3A_284 = arith.constant 0 : index
        %swap3A_285 = tpu.vector_load %arg17[%swap3A, %swap3A_284] {strides = array<i32>} : memref<336x17xf32, #tpu.memory_space<vmem>>, vector<16xf32>,
        tpu.vector_store %arg17[%swap3A, %swap3A_284], %add3A_279 {strides = array<i32>} : memref<336x17xf32, #tpu.memory_space<vmem>>, vector<16xf32>,
        %mul3A_286 = arith.constant 20 : i32
        %mul3A_287 = arith.muli %scan3A_249, %mul3A_286 : i32
        %add3A_288 = arith.constant 0 : i32
        %add3A_289 = arith.addi %mul3A_287, %add3A_288 : i32
        %get3A_290 = arith.index_cast %add3A_289 : i32 to index
        %get3A_291 = arith.constant 0 : index
        %get3A_292 = tpu.vector_load %arg16[%get3A_290, %get3A_291] {strides = array<i32>} : memref<320x64xf32, #tpu.memory_space<vmem>>, vector<16xf32>,
        %mul3A_293 = arith.mulf %get3A_251, %get3A_292 : vector<16xf32>
        %get3A_294 = arith.index_cast %add3A_289 : i32 to index
        %get3A_295 = arith.constant 16 : index
        %get3A_296 = tpu.vector_load %arg16[%get3A_294, %get3A_295] {strides = array<i32>} : memref<320x64xf32, #tpu.memory_space<vmem>>, vector<16xf32>,
        %mul3A_297 = arith.mulf %get3A_254, %get3A_296 : vector<16xf32>
        %add3A_298 = arith.addf %mul3A_293, %mul3A_297 : vector<16xf32>
        %get3A_299 = arith.index_cast %add3A_289 : i32 to index
        %get3A_300 = arith.constant 32 : index
        %get3A_301 = tpu.vector_load %arg16[%get3A_299, %get3A_300] {strides = array<i32>} : memref<320x64xf32, #tpu.memory_space<vmem>>, vector<16xf32>,
        %mul3A_302 = arith.mulf %get3A_257, %get3A_301 : vector<16xf32>
        %add3A_303 = arith.addf %add3A_298, %mul3A_302 : vector<16xf32>
        %get3A_304 = arith.index_cast %add3A_289 : i32 to index
        %get3A_305 = arith.constant 48 : index
        %get3A_306 = tpu.vector_load %arg16[%get3A_304, %get3A_305] {strides = array<i32>} : memref<320x64xf32, #tpu.memory_space<vmem>>, vector<16xf32>,
        %mul3A_307 = arith.mulf %get3A_260, %get3A_306 : vector<16xf32>
        %add3A_308 = arith.addf %add3A_303, %mul3A_307 : vector<16xf32>
        %mul3A_309 = arith.constant 21 : i32
        %mul3A_310 = arith.muli %scan3A_249, %mul3A_309 : i32
        %add3A_311 = arith.constant 1 : i32
        %add3A_312 = arith.addi %mul3A_310, %add3A_311 : i32
        %swap3A_313 = arith.index_cast %add3A_312 : i32 to index
        %swap3A_314 = arith.constant 0 : index
        %swap3A_315 = tpu.vector_load %arg17[%swap3A_313, %swap3A_314] {strides = array<i32>} : memref<336x17xf32, #tpu.memory_space<vmem>>, vector<16xf32>,
        tpu.vector_store %arg17[%swap3A_313, %swap3A_314], %add3A_308 {strides = array<i32>} : memref<336x17xf32, #tpu.memory_space<vmem>>, vector<16xf32>,
        %mul3A_316 = arith.constant 20 : i32
        %mul3A_317 = arith.muli %scan3A_249, %mul3A_316 : i32
        %add3A_318 = arith.constant 1 : i32
        %add3A_319 = arith.addi %mul3A_317, %add3A_318 : i32
        %get3A_320 = arith.index_cast %add3A_319 : i32 to index
        %get3A_321 = arith.constant 0 : index
        %get3A_322 = tpu.vector_load %arg16[%get3A_320, %get3A_321] {strides = array<i32>} : memref<320x64xf32, #tpu.memory_space<vmem>>, vector<16xf32>,
        %mul3A_323 = arith.mulf %get3A_251, %get3A_322 : vector<16xf32>
        %get3A_324 = arith.index_cast %add3A_319 : i32 to index
        %get3A_325 = arith.constant 16 : index
        %get3A_326 = tpu.vector_load %arg16[%get3A_324, %get3A_325] {strides = array<i32>} : memref<320x64xf32, #tpu.memory_space<vmem>>, vector<16xf32>,
        %mul3A_327 = arith.mulf %get3A_254, %get3A_326 : vector<16xf32>
        %add3A_328 = arith.addf %mul3A_323, %mul3A_327 : vector<16xf32>
        %get3A_329 = arith.index_cast %add3A_319 : i32 to index
        %get3A_330 = arith.constant 32 : index
        %get3A_331 = tpu.vector_load %arg16[%get3A_329, %get3A_330] {strides = array<i32>} : memref<320x64xf32, #tpu.memory_space<vmem>>, vector<16xf32>,
        %mul3A_332 = arith.mulf %get3A_257, %get3A_331 : vector<16xf32>
        %add3A_333 = arith.addf %add3A_328, %mul3A_332 : vector<16xf32>
        %get3A_334 = arith.index_cast %add3A_319 : i32 to index
        %get3A_335 = arith.constant 48 : index
        %get3A_336 = tpu.vector_load %arg16[%get3A_334, %get3A_335] {strides = array<i32>} : memref<320x64xf32, #tpu.memory_space<vmem>>, vector<16xf32>,
        %mul3A_337 = arith.mulf %get3A_260, %get3A_336 : vector<16xf32>
        %add3A_338 = arith.addf %add3A_333, %mul3A_337 : vector<16xf32>
        %mul3A_339 = arith.constant 21 : i32
        %mul3A_340 = arith.muli %scan3A_249, %mul3A_339 : i32
        %add3A_341 = arith.constant 2 : i32
        %add3A_342 = arith.addi %mul3A_340, %add3A_341 : i32
        %swap3A_343 = arith.index_cast %add3A_342 : i32 to index
        %swap3A_344 = arith.constant 0 : index
        %swap3A_345 = tpu.vector_load %arg17[%swap3A_343, %swap3A_344] {strides = array<i32>} : memref<336x17xf32, #tpu.memory_space<vmem>>, vector<16xf32>,
        tpu.vector_store %arg17[%swap3A_343, %swap3A_344], %add3A_338 {strides = array<i32>} : memref<336x17xf32, #tpu.memory_space<vmem>>, vector<16xf32>,
        %mul3A_346 = arith.constant 20 : i32
        %mul3A_347 = arith.muli %scan3A_249, %mul3A_346 : i32
        %add3A_348 = arith.constant 2 : i32
        %add3A_349 = arith.addi %mul3A_347, %add3A_348 : i32
        %get3A_350 = arith.index_cast %add3A_349 : i32 to index
        %get3A_351 = arith.constant 0 : index
        %get3A_352 = tpu.vector_load %arg16[%get3A_350, %get3A_351] {strides = array<i32>} : memref<320x64xf32, #tpu.memory_space<vmem>>, vector<16xf32>,
        %mul3A_353 = arith.mulf %get3A_251, %get3A_352 : vector<16xf32>
        %get3A_354 = arith.index_cast %add3A_349 : i32 to index
        %get3A_355 = arith.constant 16 : index
        %get3A_356 = tpu.vector_load %arg16[%get3A_354, %get3A_355] {strides = array<i32>} : memref<320x64xf32, #tpu.memory_space<vmem>>, vector<16xf32>,
        %mul3A_357 = arith.mulf %get3A_254, %get3A_356 : vector<16xf32>
        %add3A_358 = arith.addf %mul3A_353, %mul3A_357 : vector<16xf32>
        %get3A_359 = arith.index_cast %add3A_349 : i32 to index
        %get3A_360 = arith.constant 32 : index
        %get3A_361 = tpu.vector_load %arg16[%get3A_359, %get3A_360] {strides = array<i32>} : memref<320x64xf32, #tpu.memory_space<vmem>>, vector<16xf32>,
        %mul3A_362 = arith.mulf %get3A_257, %get3A_361 : vector<16xf32>
        %add3A_363 = arith.addf %add3A_358, %mul3A_362 : vector<16xf32>
        %get3A_364 = arith.index_cast %add3A_349 : i32 to index
        %get3A_365 = arith.constant 48 : index
        %get3A_366 = tpu.vector_load %arg16[%get3A_364, %get3A_365] {strides = array<i32>} : memref<320x64xf32, #tpu.memory_space<vmem>>, vector<16xf32>,
        %mul3A_367 = arith.mulf %get3A_260, %get3A_366 : vector<16xf32>
        %add3A_368 = arith.addf %add3A_363, %mul3A_367 : vector<16xf32>
        %mul3A_369 = arith.constant 21 : i32
        %mul3A_370 = arith.muli %scan3A_249, %mul3A_369 : i32
        %add3A_371 = arith.constant 3 : i32
        %add3A_372 = arith.addi %mul3A_370, %add3A_371 : i32
        %swap3A_373 = arith.index_cast %add3A_372 : i32 to index
        %swap3A_374 = arith.constant 0 : index
        %swap3A_375 = tpu.vector_load %arg17[%swap3A_373, %swap3A_374] {strides = array<i32>} : memref<336x17xf32, #tpu.memory_space<vmem>>, vector<16xf32>,
        tpu.vector_store %arg17[%swap3A_373, %swap3A_374], %add3A_368 {strides = array<i32>} : memref<336x17xf32, #tpu.memory_space<vmem>>, vector<16xf32>,
        %mul3A_376 = arith.constant 20 : i32
        %mul3A_377 = arith.muli %scan3A_249, %mul3A_376 : i32
        %add3A_378 = arith.constant 3 : i32
        %add3A_379 = arith.addi %mul3A_377, %add3A_378 : i32
        %get3A_380 = arith.index_cast %add3A_379 : i32 to index
        %get3A_381 = arith.constant 0 : index
        %get3A_382 = tpu.vector_load %arg16[%get3A_380, %get3A_381] {strides = array<i32>} : memref<320x64xf32, #tpu.memory_space<vmem>>, vector<16xf32>,
        %mul3A_383 = arith.mulf %get3A_251, %get3A_382 : vector<16xf32>
        %get3A_384 = arith.index_cast %add3A_379 : i32 to index
        %get3A_385 = arith.constant 16 : index
        %get3A_386 = tpu.vector_load %arg16[%get3A_384, %get3A_385] {strides = array<i32>} : memref<320x64xf32, #tpu.memory_space<vmem>>, vector<16xf32>,
        %mul3A_387 = arith.mulf %get3A_254, %get3A_386 : vector<16xf32>
        %add3A_388 = arith.addf %mul3A_383, %mul3A_387 : vector<16xf32>
        %get3A_389 = arith.index_cast %add3A_379 : i32 to index
        %get3A_390 = arith.constant 32 : index
        %get3A_391 = tpu.vector_load %arg16[%get3A_389, %get3A_390] {strides = array<i32>} : memref<320x64xf32, #tpu.memory_space<vmem>>, vector<16xf32>,
        %mul3A_392 = arith.mulf %get3A_257, %get3A_391 : vector<16xf32>
        %add3A_393 = arith.addf %add3A_388, %mul3A_392 : vector<16xf32>
        %get3A_394 = arith.index_cast %add3A_379 : i32 to index
        %get3A_395 = arith.constant 48 : index
        %get3A_396 = tpu.vector_load %arg16[%get3A_394, %get3A_395] {strides = array<i32>} : memref<320x64xf32, #tpu.memory_space<vmem>>, vector<16xf32>,
        %mul3A_397 = arith.mulf %get3A_260, %get3A_396 : vector<16xf32>
        %add3A_398 = arith.addf %add3A_393, %mul3A_397 : vector<16xf32>
        %mul3A_399 = arith.constant 21 : i32
        %mul3A_400 = arith.muli %scan3A_249, %mul3A_399 : i32
        %add3A_401 = arith.constant 4 : i32
        %add3A_402 = arith.addi %mul3A_400, %add3A_401 : i32
        %swap3A_403 = arith.index_cast %add3A_402 : i32 to index
        %swap3A_404 = arith.constant 0 : index
        %swap3A_405 = tpu.vector_load %arg17[%swap3A_403, %swap3A_404] {strides = array<i32>} : memref<336x17xf32, #tpu.memory_space<vmem>>, vector<16xf32>,
        tpu.vector_store %arg17[%swap3A_403, %swap3A_404], %add3A_398 {strides = array<i32>} : memref<336x17xf32, #tpu.memory_space<vmem>>, vector<16xf32>,
        %mul3A_406 = arith.constant 20 : i32
        %mul3A_407 = arith.muli %scan3A_249, %mul3A_406 : i32
        %add3A_408 = arith.constant 4 : i32
        %add3A_409 = arith.addi %mul3A_407, %add3A_408 : i32
        %get3A_410 = arith.index_cast %add3A_409 : i32 to index
        %get3A_411 = arith.constant 0 : index
        %get3A_412 = tpu.vector_load %arg16[%get3A_410, %get3A_411] {strides = array<i32>} : memref<320x64xf32, #tpu.memory_space<vmem>>, vector<16xf32>,
        %mul3A_413 = arith.mulf %get3A_251, %get3A_412 : vector<16xf32>
        %get3A_414 = arith.index_cast %add3A_409 : i32 to index
        %get3A_415 = arith.constant 16 : index
        %get3A_416 = tpu.vector_load %arg16[%get3A_414, %get3A_415] {strides = array<i32>} : memref<320x64xf32, #tpu.memory_space<vmem>>, vector<16xf32>,
        %mul3A_417 = arith.mulf %get3A_254, %get3A_416 : vector<16xf32>
        %add3A_418 = arith.addf %mul3A_413, %mul3A_417 : vector<16xf32>
        %get3A_419 = arith.index_cast %add3A_409 : i32 to index
        %get3A_420 = arith.constant 32 : index
        %get3A_421 = tpu.vector_load %arg16[%get3A_419, %get3A_420] {strides = array<i32>} : memref<320x64xf32, #tpu.memory_space<vmem>>, vector<16xf32>,
        %mul3A_422 = arith.mulf %get3A_257, %get3A_421 : vector<16xf32>
        %add3A_423 = arith.addf %add3A_418, %mul3A_422 : vector<16xf32>
        %get3A_424 = arith.index_cast %add3A_409 : i32 to index
        %get3A_425 = arith.constant 48 : index
        %get3A_426 = tpu.vector_load %arg16[%get3A_424, %get3A_425] {strides = array<i32>} : memref<320x64xf32, #tpu.memory_space<vmem>>, vector<16xf32>,
        %mul3A_427 = arith.mulf %get3A_260, %get3A_426 : vector<16xf32>
        %add3A_428 = arith.addf %add3A_423, %mul3A_427 : vector<16xf32>
        %mul3A_429 = arith.constant 21 : i32
        %mul3A_430 = arith.muli %scan3A_249, %mul3A_429 : i32
        %add3A_431 = arith.constant 5 : i32
        %add3A_432 = arith.addi %mul3A_430, %add3A_431 : i32
        %swap3A_433 = arith.index_cast %add3A_432 : i32 to index
        %swap3A_434 = arith.constant 0 : index
        %swap3A_435 = tpu.vector_load %arg17[%swap3A_433, %swap3A_434] {strides = array<i32>} : memref<336x17xf32, #tpu.memory_space<vmem>>, vector<16xf32>,
        tpu.vector_store %arg17[%swap3A_433, %swap3A_434], %add3A_428 {strides = array<i32>} : memref<336x17xf32, #tpu.memory_space<vmem>>, vector<16xf32>,
        %mul3A_436 = arith.constant 20 : i32
        %mul3A_437 = arith.muli %scan3A_249, %mul3A_436 : i32
        %add3A_438 = arith.constant 5 : i32
        %add3A_439 = arith.addi %mul3A_437, %add3A_438 : i32
        %get3A_440 = arith.index_cast %add3A_439 : i32 to index
        %get3A_441 = arith.constant 0 : index
        %get3A_442 = tpu.vector_load %arg16[%get3A_440, %get3A_441] {strides = array<i32>} : memref<320x64xf32, #tpu.memory_space<vmem>>, vector<16xf32>,
        %mul3A_443 = arith.mulf %get3A_251, %get3A_442 : vector<16xf32>
        %get3A_444 = arith.index_cast %add3A_439 : i32 to index
        %get3A_445 = arith.constant 16 : index
        %get3A_446 = tpu.vector_load %arg16[%get3A_444, %get3A_445] {strides = array<i32>} : memref<320x64xf32, #tpu.memory_space<vmem>>, vector<16xf32>,
        %mul3A_447 = arith.mulf %get3A_254, %get3A_446 : vector<16xf32>
        %add3A_448 = arith.addf %mul3A_443, %mul3A_447 : vector<16xf32>
        %get3A_449 = arith.index_cast %add3A_439 : i32 to index
        %get3A_450 = arith.constant 32 : index
        %get3A_451 = tpu.vector_load %arg16[%get3A_449, %get3A_450] {strides = array<i32>} : memref<320x64xf32, #tpu.memory_space<vmem>>, vector<16xf32>,
        %mul3A_452 = arith.mulf %get3A_257, %get3A_451 : vector<16xf32>
        %add3A_453 = arith.addf %add3A_448, %mul3A_452 : vector<16xf32>
        %get3A_454 = arith.index_cast %add3A_439 : i32 to index
        %get3A_455 = arith.constant 48 : index
        %get3A_456 = tpu.vector_load %arg16[%get3A_454, %get3A_455] {strides = array<i32>} : memref<320x64xf32, #tpu.memory_space<vmem>>, vector<16xf32>,
        %mul3A_457 = arith.mulf %get3A_260, %get3A_456 : vector<16xf32>
        %add3A_458 = arith.addf %add3A_453, %mul3A_457 : vector<16xf32>
        %mul3A_459 = arith.constant 21 : i32
        %mul3A_460 = arith.muli %scan3A_249, %mul3A_459 : i32
        %add3A_461 = arith.constant 6 : i32
        %add3A_462 = arith.addi %mul3A_460, %add3A_461 : i32
        %swap3A_463 = arith.index_cast %add3A_462 : i32 to index
        %swap3A_464 = arith.constant 0 : index
        %swap3A_465 = tpu.vector_load %arg17[%swap3A_463, %swap3A_464] {strides = array<i32>} : memref<336x17xf32, #tpu.memory_space<vmem>>, vector<16xf32>,
        tpu.vector_store %arg17[%swap3A_463, %swap3A_464], %add3A_458 {strides = array<i32>} : memref<336x17xf32, #tpu.memory_space<vmem>>, vector<16xf32>,
        %mul3A_466 = arith.constant 20 : i32
        %mul3A_467 = arith.muli %scan3A_249, %mul3A_466 : i32
        %add3A_468 = arith.constant 6 : i32
        %add3A_469 = arith.addi %mul3A_467, %add3A_468 : i32
        %get3A_470 = arith.index_cast %add3A_469 : i32 to index
        %get3A_471 = arith.constant 0 : index
        %get3A_472 = tpu.vector_load %arg16[%get3A_470, %get3A_471] {strides = array<i32>} : memref<320x64xf32, #tpu.memory_space<vmem>>, vector<16xf32>,
        %mul3A_473 = arith.mulf %get3A_251, %get3A_472 : vector<16xf32>
        %get3A_474 = arith.index_cast %add3A_469 : i32 to index
        %get3A_475 = arith.constant 16 : index
        %get3A_476 = tpu.vector_load %arg16[%get3A_474, %get3A_475] {strides = array<i32>} : memref<320x64xf32, #tpu.memory_space<vmem>>, vector<16xf32>,
        %mul3A_477 = arith.mulf %get3A_254, %get3A_476 : vector<16xf32>
        %add3A_478 = arith.addf %mul3A_473, %mul3A_477 : vector<16xf32>
        %get3A_479 = arith.index_cast %add3A_469 : i32 to index
        %get3A_480 = arith.constant 32 : index
        %get3A_481 = tpu.vector_load %arg16[%get3A_479, %get3A_480] {strides = array<i32>} : memref<320x64xf32, #tpu.memory_space<vmem>>, vector<16xf32>,
        %mul3A_482 = arith.mulf %get3A_257, %get3A_481 : vector<16xf32>
        %add3A_483 = arith.addf %add3A_478, %mul3A_482 : vector<16xf32>
        %get3A_484 = arith.index_cast %add3A_469 : i32 to index
        %get3A_485 = arith.constant 48 : index
        %get3A_486 = tpu.vector_load %arg16[%get3A_484, %get3A_485] {strides = array<i32>} : memref<320x64xf32, #tpu.memory_space<vmem>>, vector<16xf32>,
        %mul3A_487 = arith.mulf %get3A_260, %get3A_486 : vector<16xf32>
        %add3A_488 = arith.addf %add3A_483, %mul3A_487 : vector<16xf32>
        %mul3A_489 = arith.constant 21 : i32
        %mul3A_490 = arith.muli %scan3A_249, %mul3A_489 : i32
        %add3A_491 = arith.constant 7 : i32
        %add3A_492 = arith.addi %mul3A_490, %add3A_491 : i32
        %swap3A_493 = arith.index_cast %add3A_492 : i32 to index
        %swap3A_494 = arith.constant 0 : index
        %swap3A_495 = tpu.vector_load %arg17[%swap3A_493, %swap3A_494] {strides = array<i32>} : memref<336x17xf32, #tpu.memory_space<vmem>>, vector<16xf32>,
        tpu.vector_store %arg17[%swap3A_493, %swap3A_494], %add3A_488 {strides = array<i32>} : memref<336x17xf32, #tpu.memory_space<vmem>>, vector<16xf32>,
        %mul3A_496 = arith.constant 20 : i32
        %mul3A_497 = arith.muli %scan3A_249, %mul3A_496 : i32
        %add3A_498 = arith.constant 7 : i32
        %add3A_499 = arith.addi %mul3A_497, %add3A_498 : i32
        %get3A_500 = arith.index_cast %add3A_499 : i32 to index
        %get3A_501 = arith.constant 0 : index
        %get3A_502 = tpu.vector_load %arg16[%get3A_500, %get3A_501] {strides = array<i32>} : memref<320x64xf32, #tpu.memory_space<vmem>>, vector<16xf32>,
        %mul3A_503 = arith.mulf %get3A_251, %get3A_502 : vector<16xf32>
        %get3A_504 = arith.index_cast %add3A_499 : i32 to index
        %get3A_505 = arith.constant 16 : index
        %get3A_506 = tpu.vector_load %arg16[%get3A_504, %get3A_505] {strides = array<i32>} : memref<320x64xf32, #tpu.memory_space<vmem>>, vector<16xf32>,
        %mul3A_507 = arith.mulf %get3A_254, %get3A_506 : vector<16xf32>
        %add3A_508 = arith.addf %mul3A_503, %mul3A_507 : vector<16xf32>
        %get3A_509 = arith.index_cast %add3A_499 : i32 to index
        %get3A_510 = arith.constant 32 : index
        %get3A_511 = tpu.vector_load %arg16[%get3A_509, %get3A_510] {strides = array<i32>} : memref<320x64xf32, #tpu.memory_space<vmem>>, vector<16xf32>,
        %mul3A_512 = arith.mulf %get3A_257, %get3A_511 : vector<16xf32>
        %add3A_513 = arith.addf %add3A_508, %mul3A_512 : vector<16xf32>
        %get3A_514 = arith.index_cast %add3A_499 : i32 to index
        %get3A_515 = arith.constant 48 : index
        %get3A_516 = tpu.vector_load %arg16[%get3A_514, %get3A_515] {strides = array<i32>} : memref<320x64xf32, #tpu.memory_space<vmem>>, vector<16xf32>,
        %mul3A_517 = arith.mulf %get3A_260, %get3A_516 : vector<16xf32>
        %add3A_518 = arith.addf %add3A_513, %mul3A_517 : vector<16xf32>
        %mul3A_519 = arith.constant 21 : i32
        %mul3A_520 = arith.muli %scan3A_249, %mul3A_519 : i32
        %add3A_521 = arith.constant 8 : i32
        %add3A_522 = arith.addi %mul3A_520, %add3A_521 : i32
        %swap3A_523 = arith.index_cast %add3A_522 : i32 to index
        %swap3A_524 = arith.constant 0 : index
        %swap3A_525 = tpu.vector_load %arg17[%swap3A_523, %swap3A_524] {strides = array<i32>} : memref<336x17xf32, #tpu.memory_space<vmem>>, vector<16xf32>,
        tpu.vector_store %arg17[%swap3A_523, %swap3A_524], %add3A_518 {strides = array<i32>} : memref<336x17xf32, #tpu.memory_space<vmem>>, vector<16xf32>,
        %mul3A_526 = arith.constant 20 : i32
        %mul3A_527 = arith.muli %scan3A_249, %mul3A_526 : i32
        %add3A_528 = arith.constant 8 : i32
        %add3A_529 = arith.addi %mul3A_527, %add3A_528 : i32
        %get3A_530 = arith.index_cast %add3A_529 : i32 to index
        %get3A_531 = arith.constant 0 : index
        %get3A_532 = tpu.vector_load %arg16[%get3A_530, %get3A_531] {strides = array<i32>} : memref<320x64xf32, #tpu.memory_space<vmem>>, vector<16xf32>,
        %mul3A_533 = arith.mulf %get3A_251, %get3A_532 : vector<16xf32>
        %get3A_534 = arith.index_cast %add3A_529 : i32 to index
        %get3A_535 = arith.constant 16 : index
        %get3A_536 = tpu.vector_load %arg16[%get3A_534, %get3A_535] {strides = array<i32>} : memref<320x64xf32, #tpu.memory_space<vmem>>, vector<16xf32>,
        %mul3A_537 = arith.mulf %get3A_254, %get3A_536 : vector<16xf32>
        %add3A_538 = arith.addf %mul3A_533, %mul3A_537 : vector<16xf32>
        %get3A_539 = arith.index_cast %add3A_529 : i32 to index
        %get3A_540 = arith.constant 32 : index
        %get3A_541 = tpu.vector_load %arg16[%get3A_539, %get3A_540] {strides = array<i32>} : memref<320x64xf32, #tpu.memory_space<vmem>>, vector<16xf32>,
        %mul3A_542 = arith.mulf %get3A_257, %get3A_541 : vector<16xf32>
        %add3A_543 = arith.addf %add3A_538, %mul3A_542 : vector<16xf32>
        %get3A_544 = arith.index_cast %add3A_529 : i32 to index
        %get3A_545 = arith.constant 48 : index
        %get3A_546 = tpu.vector_load %arg16[%get3A_544, %get3A_545] {strides = array<i32>} : memref<320x64xf32, #tpu.memory_space<vmem>>, vector<16xf32>,
        %mul3A_547 = arith.mulf %get3A_260, %get3A_546 : vector<16xf32>
        %add3A_548 = arith.addf %add3A_543, %mul3A_547 : vector<16xf32>
        %mul3A_549 = arith.constant 21 : i32
        %mul3A_550 = arith.muli %scan3A_249, %mul3A_549 : i32
        %add3A_551 = arith.constant 9 : i32
        %add3A_552 = arith.addi %mul3A_550, %add3A_551 : i32
        %swap3A_553 = arith.index_cast %add3A_552 : i32 to index
        %swap3A_554 = arith.constant 0 : index
        %swap3A_555 = tpu.vector_load %arg17[%swap3A_553, %swap3A_554] {strides = array<i32>} : memref<336x17xf32, #tpu.memory_space<vmem>>, vector<16xf32>,
        tpu.vector_store %arg17[%swap3A_553, %swap3A_554], %add3A_548 {strides = array<i32>} : memref<336x17xf32, #tpu.memory_space<vmem>>, vector<16xf32>,
        %mul3A_556 = arith.constant 20 : i32
        %mul3A_557 = arith.muli %scan3A_249, %mul3A_556 : i32
        %add3A_558 = arith.constant 9 : i32
        %add3A_559 = arith.addi %mul3A_557, %add3A_558 : i32
        %get3A_560 = arith.index_cast %add3A_559 : i32 to index
        %get3A_561 = arith.constant 0 : index
        %get3A_562 = tpu.vector_load %arg16[%get3A_560, %get3A_561] {strides = array<i32>} : memref<320x64xf32, #tpu.memory_space<vmem>>, vector<16xf32>,
        %mul3A_563 = arith.mulf %get3A_251, %get3A_562 : vector<16xf32>
        %get3A_564 = arith.index_cast %add3A_559 : i32 to index
        %get3A_565 = arith.constant 16 : index
        %get3A_566 = tpu.vector_load %arg16[%get3A_564, %get3A_565] {strides = array<i32>} : memref<320x64xf32, #tpu.memory_space<vmem>>, vector<16xf32>,
        %mul3A_567 = arith.mulf %get3A_254, %get3A_566 : vector<16xf32>
        %add3A_568 = arith.addf %mul3A_563, %mul3A_567 : vector<16xf32>
        %get3A_569 = arith.index_cast %add3A_559 : i32 to index
        %get3A_570 = arith.constant 32 : index
        %get3A_571 = tpu.vector_load %arg16[%get3A_569, %get3A_570] {strides = array<i32>} : memref<320x64xf32, #tpu.memory_space<vmem>>, vector<16xf32>,
        %mul3A_572 = arith.mulf %get3A_257, %get3A_571 : vector<16xf32>
        %add3A_573 = arith.addf %add3A_568, %mul3A_572 : vector<16xf32>
        %get3A_574 = arith.index_cast %add3A_559 : i32 to index
        %get3A_575 = arith.constant 48 : index
        %get3A_576 = tpu.vector_load %arg16[%get3A_574, %get3A_575] {strides = array<i32>} : memref<320x64xf32, #tpu.memory_space<vmem>>, vector<16xf32>,
        %mul3A_577 = arith.mulf %get3A_260, %get3A_576 : vector<16xf32>
        %add3A_578 = arith.addf %add3A_573, %mul3A_577 : vector<16xf32>
        %mul3A_579 = arith.constant 21 : i32
        %mul3A_580 = arith.muli %scan3A_249, %mul3A_579 : i32
        %add3A_581 = arith.constant 10 : i32
        %add3A_582 = arith.addi %mul3A_580, %add3A_581 : i32
        %swap3A_583 = arith.index_cast %add3A_582 : i32 to index
        %swap3A_584 = arith.constant 0 : index
        %swap3A_585 = tpu.vector_load %arg17[%swap3A_583, %swap3A_584] {strides = array<i32>} : memref<336x17xf32, #tpu.memory_space<vmem>>, vector<16xf32>,
        tpu.vector_store %arg17[%swap3A_583, %swap3A_584], %add3A_578 {strides = array<i32>} : memref<336x17xf32, #tpu.memory_space<vmem>>, vector<16xf32>,
        %mul3A_586 = arith.constant 20 : i32
        %mul3A_587 = arith.muli %scan3A_249, %mul3A_586 : i32
        %add3A_588 = arith.constant 10 : i32
        %add3A_589 = arith.addi %mul3A_587, %add3A_588 : i32
        %get3A_590 = arith.index_cast %add3A_589 : i32 to index
        %get3A_591 = arith.constant 0 : index
        %get3A_592 = tpu.vector_load %arg16[%get3A_590, %get3A_591] {strides = array<i32>} : memref<320x64xf32, #tpu.memory_space<vmem>>, vector<16xf32>,
        %mul3A_593 = arith.mulf %get3A_251, %get3A_592 : vector<16xf32>
        %get3A_594 = arith.index_cast %add3A_589 : i32 to index
        %get3A_595 = arith.constant 16 : index
        %get3A_596 = tpu.vector_load %arg16[%get3A_594, %get3A_595] {strides = array<i32>} : memref<320x64xf32, #tpu.memory_space<vmem>>, vector<16xf32>,
        %mul3A_597 = arith.mulf %get3A_254, %get3A_596 : vector<16xf32>
        %add3A_598 = arith.addf %mul3A_593, %mul3A_597 : vector<16xf32>
        %get3A_599 = arith.index_cast %add3A_589 : i32 to index
        %get3A_600 = arith.constant 32 : index
        %get3A_601 = tpu.vector_load %arg16[%get3A_599, %get3A_600] {strides = array<i32>} : memref<320x64xf32, #tpu.memory_space<vmem>>, vector<16xf32>,
        %mul3A_602 = arith.mulf %get3A_257, %get3A_601 : vector<16xf32>
        %add3A_603 = arith.addf %add3A_598, %mul3A_602 : vector<16xf32>
        %get3A_604 = arith.index_cast %add3A_589 : i32 to index
        %get3A_605 = arith.constant 48 : index
        %get3A_606 = tpu.vector_load %arg16[%get3A_604, %get3A_605] {strides = array<i32>} : memref<320x64xf32, #tpu.memory_space<vmem>>, vector<16xf32>,
        %mul3A_607 = arith.mulf %get3A_260, %get3A_606 : vector<16xf32>
        %add3A_608 = arith.addf %add3A_603, %mul3A_607 : vector<16xf32>
        %mul3A_609 = arith.constant 21 : i32
        %mul3A_610 = arith.muli %scan3A_249, %mul3A_609 : i32
        %add3A_611 = arith.constant 11 : i32
        %add3A_612 = arith.addi %mul3A_610, %add3A_611 : i32
        %swap3A_613 = arith.index_cast %add3A_612 : i32 to index
        %swap3A_614 = arith.constant 0 : index
        %swap3A_615 = tpu.vector_load %arg17[%swap3A_613, %swap3A_614] {strides = array<i32>} : memref<336x17xf32, #tpu.memory_space<vmem>>, vector<16xf32>,
        tpu.vector_store %arg17[%swap3A_613, %swap3A_614], %add3A_608 {strides = array<i32>} : memref<336x17xf32, #tpu.memory_space<vmem>>, vector<16xf32>,
        %mul3A_616 = arith.constant 20 : i32
        %mul3A_617 = arith.muli %scan3A_249, %mul3A_616 : i32
        %add3A_618 = arith.constant 11 : i32
        %add3A_619 = arith.addi %mul3A_617, %add3A_618 : i32
        %get3A_620 = arith.index_cast %add3A_619 : i32 to index
        %get3A_621 = arith.constant 0 : index
        %get3A_622 = tpu.vector_load %arg16[%get3A_620, %get3A_621] {strides = array<i32>} : memref<320x64xf32, #tpu.memory_space<vmem>>, vector<16xf32>,
        %mul3A_623 = arith.mulf %get3A_251, %get3A_622 : vector<16xf32>
        %get3A_624 = arith.index_cast %add3A_619 : i32 to index
        %get3A_625 = arith.constant 16 : index
        %get3A_626 = tpu.vector_load %arg16[%get3A_624, %get3A_625] {strides = array<i32>} : memref<320x64xf32, #tpu.memory_space<vmem>>, vector<16xf32>,
        %mul3A_627 = arith.mulf %get3A_254, %get3A_626 : vector<16xf32>
        %add3A_628 = arith.addf %mul3A_623, %mul3A_627 : vector<16xf32>
        %get3A_629 = arith.index_cast %add3A_619 : i32 to index
        %get3A_630 = arith.constant 32 : index
        %get3A_631 = tpu.vector_load %arg16[%get3A_629, %get3A_630] {strides = array<i32>} : memref<320x64xf32, #tpu.memory_space<vmem>>, vector<16xf32>,
        %mul3A_632 = arith.mulf %get3A_257, %get3A_631 : vector<16xf32>
        %add3A_633 = arith.addf %add3A_628, %mul3A_632 : vector<16xf32>
        %get3A_634 = arith.index_cast %add3A_619 : i32 to index
        %get3A_635 = arith.constant 48 : index
        %get3A_636 = tpu.vector_load %arg16[%get3A_634, %get3A_635] {strides = array<i32>} : memref<320x64xf32, #tpu.memory_space<vmem>>, vector<16xf32>,
        %mul3A_637 = arith.mulf %get3A_260, %get3A_636 : vector<16xf32>
        %add3A_638 = arith.addf %add3A_633, %mul3A_637 : vector<16xf32>
        %mul3A_639 = arith.constant 21 : i32
        %mul3A_640 = arith.muli %scan3A_249, %mul3A_639 : i32
        %add3A_641 = arith.constant 12 : i32
        %add3A_642 = arith.addi %mul3A_640, %add3A_641 : i32
        %swap3A_643 = arith.index_cast %add3A_642 : i32 to index
        %swap3A_644 = arith.constant 0 : index
        %swap3A_645 = tpu.vector_load %arg17[%swap3A_643, %swap3A_644] {strides = array<i32>} : memref<336x17xf32, #tpu.memory_space<vmem>>, vector<16xf32>,
        tpu.vector_store %arg17[%swap3A_643, %swap3A_644], %add3A_638 {strides = array<i32>} : memref<336x17xf32, #tpu.memory_space<vmem>>, vector<16xf32>,
        %mul3A_646 = arith.constant 20 : i32
        %mul3A_647 = arith.muli %scan3A_249, %mul3A_646 : i32
        %add3A_648 = arith.constant 12 : i32
        %add3A_649 = arith.addi %mul3A_647, %add3A_648 : i32
        %get3A_650 = arith.index_cast %add3A_649 : i32 to index
        %get3A_651 = arith.constant 0 : index
        %get3A_652 = tpu.vector_load %arg16[%get3A_650, %get3A_651] {strides = array<i32>} : memref<320x64xf32, #tpu.memory_space<vmem>>, vector<16xf32>,
        %mul3A_653 = arith.mulf %get3A_251, %get3A_652 : vector<16xf32>
        %get3A_654 = arith.index_cast %add3A_649 : i32 to index
        %get3A_655 = arith.constant 16 : index
        %get3A_656 = tpu.vector_load %arg16[%get3A_654, %get3A_655] {strides = array<i32>} : memref<320x64xf32, #tpu.memory_space<vmem>>, vector<16xf32>,
        %mul3A_657 = arith.mulf %get3A_254, %get3A_656 : vector<16xf32>
        %add3A_658 = arith.addf %mul3A_653, %mul3A_657 : vector<16xf32>
        %get3A_659 = arith.index_cast %add3A_649 : i32 to index
        %get3A_660 = arith.constant 32 : index
        %get3A_661 = tpu.vector_load %arg16[%get3A_659, %get3A_660] {strides = array<i32>} : memref<320x64xf32, #tpu.memory_space<vmem>>, vector<16xf32>,
        %mul3A_662 = arith.mulf %get3A_257, %get3A_661 : vector<16xf32>
        %add3A_663 = arith.addf %add3A_658, %mul3A_662 : vector<16xf32>
        %get3A_664 = arith.index_cast %add3A_649 : i32 to index
        %get3A_665 = arith.constant 48 : index
        %get3A_666 = tpu.vector_load %arg16[%get3A_664, %get3A_665] {strides = array<i32>} : memref<320x64xf32, #tpu.memory_space<vmem>>, vector<16xf32>,
        %mul3A_667 = arith.mulf %get3A_260, %get3A_666 : vector<16xf32>
        %add3A_668 = arith.addf %add3A_663, %mul3A_667 : vector<16xf32>
        %mul3A_669 = arith.constant 21 : i32
        %mul3A_670 = arith.muli %scan3A_249, %mul3A_669 : i32
        %add3A_671 = arith.constant 13 : i32
        %add3A_672 = arith.addi %mul3A_670, %add3A_671 : i32
        %swap3A_673 = arith.index_cast %add3A_672 : i32 to index
        %swap3A_674 = arith.constant 0 : index
        %swap3A_675 = tpu.vector_load %arg17[%swap3A_673, %swap3A_674] {strides = array<i32>} : memref<336x17xf32, #tpu.memory_space<vmem>>, vector<16xf32>,
        tpu.vector_store %arg17[%swap3A_673, %swap3A_674], %add3A_668 {strides = array<i32>} : memref<336x17xf32, #tpu.memory_space<vmem>>, vector<16xf32>,
        %mul3A_676 = arith.constant 20 : i32
        %mul3A_677 = arith.muli %scan3A_249, %mul3A_676 : i32
        %add3A_678 = arith.constant 13 : i32
        %add3A_679 = arith.addi %mul3A_677, %add3A_678 : i32
        %get3A_680 = arith.index_cast %add3A_679 : i32 to index
        %get3A_681 = arith.constant 0 : index
        %get3A_682 = tpu.vector_load %arg16[%get3A_680, %get3A_681] {strides = array<i32>} : memref<320x64xf32, #tpu.memory_space<vmem>>, vector<16xf32>,
        %mul3A_683 = arith.mulf %get3A_251, %get3A_682 : vector<16xf32>
        %get3A_684 = arith.index_cast %add3A_679 : i32 to index
        %get3A_685 = arith.constant 16 : index
        %get3A_686 = tpu.vector_load %arg16[%get3A_684, %get3A_685] {strides = array<i32>} : memref<320x64xf32, #tpu.memory_space<vmem>>, vector<16xf32>,
        %mul3A_687 = arith.mulf %get3A_254, %get3A_686 : vector<16xf32>
        %add3A_688 = arith.addf %mul3A_683, %mul3A_687 : vector<16xf32>
        %get3A_689 = arith.index_cast %add3A_679 : i32 to index
        %get3A_690 = arith.constant 32 : index
        %get3A_691 = tpu.vector_load %arg16[%get3A_689, %get3A_690] {strides = array<i32>} : memref<320x64xf32, #tpu.memory_space<vmem>>, vector<16xf32>,
        %mul3A_692 = arith.mulf %get3A_257, %get3A_691 : vector<16xf32>
        %add3A_693 = arith.addf %add3A_688, %mul3A_692 : vector<16xf32>
        %get3A_694 = arith.index_cast %add3A_679 : i32 to index
        %get3A_695 = arith.constant 48 : index
        %get3A_696 = tpu.vector_load %arg16[%get3A_694, %get3A_695] {strides = array<i32>} : memref<320x64xf32, #tpu.memory_space<vmem>>, vector<16xf32>,
        %mul3A_697 = arith.mulf %get3A_260, %get3A_696 : vector<16xf32>
        %add3A_698 = arith.addf %add3A_693, %mul3A_697 : vector<16xf32>
        %mul3A_699 = arith.constant 21 : i32
        %mul3A_700 = arith.muli %scan3A_249, %mul3A_699 : i32
        %add3A_701 = arith.constant 14 : i32
        %add3A_702 = arith.addi %mul3A_700, %add3A_701 : i32
        %swap3A_703 = arith.index_cast %add3A_702 : i32 to index
        %swap3A_704 = arith.constant 0 : index
        %swap3A_705 = tpu.vector_load %arg17[%swap3A_703, %swap3A_704] {strides = array<i32>} : memref<336x17xf32, #tpu.memory_space<vmem>>, vector<16xf32>,
        tpu.vector_store %arg17[%swap3A_703, %swap3A_704], %add3A_698 {strides = array<i32>} : memref<336x17xf32, #tpu.memory_space<vmem>>, vector<16xf32>,
        %mul3A_706 = arith.constant 20 : i32
        %mul3A_707 = arith.muli %scan3A_249, %mul3A_706 : i32
        %add3A_708 = arith.constant 14 : i32
        %add3A_709 = arith.addi %mul3A_707, %add3A_708 : i32
        %get3A_710 = arith.index_cast %add3A_709 : i32 to index
        %get3A_711 = arith.constant 0 : index
        %get3A_712 = tpu.vector_load %arg16[%get3A_710, %get3A_711] {strides = array<i32>} : memref<320x64xf32, #tpu.memory_space<vmem>>, vector<16xf32>,
        %mul3A_713 = arith.mulf %get3A_251, %get3A_712 : vector<16xf32>
        %get3A_714 = arith.index_cast %add3A_709 : i32 to index
        %get3A_715 = arith.constant 16 : index
        %get3A_716 = tpu.vector_load %arg16[%get3A_714, %get3A_715] {strides = array<i32>} : memref<320x64xf32, #tpu.memory_space<vmem>>, vector<16xf32>,
        %mul3A_717 = arith.mulf %get3A_254, %get3A_716 : vector<16xf32>
        %add3A_718 = arith.addf %mul3A_713, %mul3A_717 : vector<16xf32>
        %get3A_719 = arith.index_cast %add3A_709 : i32 to index
        %get3A_720 = arith.constant 32 : index
        %get3A_721 = tpu.vector_load %arg16[%get3A_719, %get3A_720] {strides = array<i32>} : memref<320x64xf32, #tpu.memory_space<vmem>>, vector<16xf32>,
        %mul3A_722 = arith.mulf %get3A_257, %get3A_721 : vector<16xf32>
        %add3A_723 = arith.addf %add3A_718, %mul3A_722 : vector<16xf32>
        %get3A_724 = arith.index_cast %add3A_709 : i32 to index
        %get3A_725 = arith.constant 48 : index
        %get3A_726 = tpu.vector_load %arg16[%get3A_724, %get3A_725] {strides = array<i32>} : memref<320x64xf32, #tpu.memory_space<vmem>>, vector<16xf32>,
        %mul3A_727 = arith.mulf %get3A_260, %get3A_726 : vector<16xf32>
        %add3A_728 = arith.addf %add3A_723, %mul3A_727 : vector<16xf32>
        %mul3A_729 = arith.constant 21 : i32
        %mul3A_730 = arith.muli %scan3A_249, %mul3A_729 : i32
        %add3A_731 = arith.constant 15 : i32
        %add3A_732 = arith.addi %mul3A_730, %add3A_731 : i32
        %swap3A_733 = arith.index_cast %add3A_732 : i32 to index
        %swap3A_734 = arith.constant 0 : index
        %swap3A_735 = tpu.vector_load %arg17[%swap3A_733, %swap3A_734] {strides = array<i32>} : memref<336x17xf32, #tpu.memory_space<vmem>>, vector<16xf32>,
        tpu.vector_store %arg17[%swap3A_733, %swap3A_734], %add3A_728 {strides = array<i32>} : memref<336x17xf32, #tpu.memory_space<vmem>>, vector<16xf32>,
        %mul3A_736 = arith.constant 20 : i32
        %mul3A_737 = arith.muli %scan3A_249, %mul3A_736 : i32
        %add3A_738 = arith.constant 15 : i32
        %add3A_739 = arith.addi %mul3A_737, %add3A_738 : i32
        %get3A_740 = arith.index_cast %add3A_739 : i32 to index
        %get3A_741 = arith.constant 0 : index
        %get3A_742 = tpu.vector_load %arg16[%get3A_740, %get3A_741] {strides = array<i32>} : memref<320x64xf32, #tpu.memory_space<vmem>>, vector<16xf32>,
        %mul3A_743 = arith.mulf %get3A_251, %get3A_742 : vector<16xf32>
        %get3A_744 = arith.index_cast %add3A_739 : i32 to index
        %get3A_745 = arith.constant 16 : index
        %get3A_746 = tpu.vector_load %arg16[%get3A_744, %get3A_745] {strides = array<i32>} : memref<320x64xf32, #tpu.memory_space<vmem>>, vector<16xf32>,
        %mul3A_747 = arith.mulf %get3A_254, %get3A_746 : vector<16xf32>
        %add3A_748 = arith.addf %mul3A_743, %mul3A_747 : vector<16xf32>
        %get3A_749 = arith.index_cast %add3A_739 : i32 to index
        %get3A_750 = arith.constant 32 : index
        %get3A_751 = tpu.vector_load %arg16[%get3A_749, %get3A_750] {strides = array<i32>} : memref<320x64xf32, #tpu.memory_space<vmem>>, vector<16xf32>,
        %mul3A_752 = arith.mulf %get3A_257, %get3A_751 : vector<16xf32>
        %add3A_753 = arith.addf %add3A_748, %mul3A_752 : vector<16xf32>
        %get3A_754 = arith.index_cast %add3A_739 : i32 to index
        %get3A_755 = arith.constant 48 : index
        %get3A_756 = tpu.vector_load %arg16[%get3A_754, %get3A_755] {strides = array<i32>} : memref<320x64xf32, #tpu.memory_space<vmem>>, vector<16xf32>,
        %mul3A_757 = arith.mulf %get3A_260, %get3A_756 : vector<16xf32>
        %add3A_758 = arith.addf %add3A_753, %mul3A_757 : vector<16xf32>
        %mul3A_759 = arith.constant 21 : i32
        %mul3A_760 = arith.muli %scan3A_249, %mul3A_759 : i32
        %add3A_761 = arith.constant 16 : i32
        %add3A_762 = arith.addi %mul3A_760, %add3A_761 : i32
        %swap3A_763 = arith.index_cast %add3A_762 : i32 to index
        %swap3A_764 = arith.constant 0 : index
        %swap3A_765 = tpu.vector_load %arg17[%swap3A_763, %swap3A_764] {strides = array<i32>} : memref<336x17xf32, #tpu.memory_space<vmem>>, vector<16xf32>,
        tpu.vector_store %arg17[%swap3A_763, %swap3A_764], %add3A_758 {strides = array<i32>} : memref<336x17xf32, #tpu.memory_space<vmem>>, vector<16xf32>,
        %mul3A_766 = arith.constant 20 : i32
        %mul3A_767 = arith.muli %scan3A_249, %mul3A_766 : i32
        %add3A_768 = arith.constant 16 : i32
        %add3A_769 = arith.addi %mul3A_767, %add3A_768 : i32
        %get3A_770 = arith.index_cast %add3A_769 : i32 to index
        %get3A_771 = arith.constant 0 : index
        %get3A_772 = tpu.vector_load %arg16[%get3A_770, %get3A_771] {strides = array<i32>} : memref<320x64xf32, #tpu.memory_space<vmem>>, vector<16xf32>,
        %mul3A_773 = arith.mulf %get3A_251, %get3A_772 : vector<16xf32>
        %get3A_774 = arith.index_cast %add3A_769 : i32 to index
        %get3A_775 = arith.constant 16 : index
        %get3A_776 = tpu.vector_load %arg16[%get3A_774, %get3A_775] {strides = array<i32>} : memref<320x64xf32, #tpu.memory_space<vmem>>, vector<16xf32>,
        %mul3A_777 = arith.mulf %get3A_254, %get3A_776 : vector<16xf32>
        %add3A_778 = arith.addf %mul3A_773, %mul3A_777 : vector<16xf32>
        %get3A_779 = arith.index_cast %add3A_769 : i32 to index
        %get3A_780 = arith.constant 32 : index
        %get3A_781 = tpu.vector_load %arg16[%get3A_779, %get3A_780] {strides = array<i32>} : memref<320x64xf32, #tpu.memory_space<vmem>>, vector<16xf32>,
        %mul3A_782 = arith.mulf %get3A_257, %get3A_781 : vector<16xf32>
        %add3A_783 = arith.addf %add3A_778, %mul3A_782 : vector<16xf32>
        %get3A_784 = arith.index_cast %add3A_769 : i32 to index
        %get3A_785 = arith.constant 48 : index
        %get3A_786 = tpu.vector_load %arg16[%get3A_784, %get3A_785] {strides = array<i32>} : memref<320x64xf32, #tpu.memory_space<vmem>>, vector<16xf32>,
        %mul3A_787 = arith.mulf %get3A_260, %get3A_786 : vector<16xf32>
        %add3A_788 = arith.addf %add3A_783, %mul3A_787 : vector<16xf32>
        %mul3A_789 = arith.constant 21 : i32
        %mul3A_790 = arith.muli %scan3A_249, %mul3A_789 : i32
        %add3A_791 = arith.constant 17 : i32
        %add3A_792 = arith.addi %mul3A_790, %add3A_791 : i32
        %swap3A_793 = arith.index_cast %add3A_792 : i32 to index
        %swap3A_794 = arith.constant 0 : index
        %swap3A_795 = tpu.vector_load %arg17[%swap3A_793, %swap3A_794] {strides = array<i32>} : memref<336x17xf32, #tpu.memory_space<vmem>>, vector<16xf32>,
        tpu.vector_store %arg17[%swap3A_793, %swap3A_794], %add3A_788 {strides = array<i32>} : memref<336x17xf32, #tpu.memory_space<vmem>>, vector<16xf32>,
        %mul3A_796 = arith.constant 20 : i32
        %mul3A_797 = arith.muli %scan3A_249, %mul3A_796 : i32
        %add3A_798 = arith.constant 17 : i32
        %add3A_799 = arith.addi %mul3A_797, %add3A_798 : i32
        %get3A_800 = arith.index_cast %add3A_799 : i32 to index
        %get3A_801 = arith.constant 0 : index
        %get3A_802 = tpu.vector_load %arg16[%get3A_800, %get3A_801] {strides = array<i32>} : memref<320x64xf32, #tpu.memory_space<vmem>>, vector<16xf32>,
        %mul3A_803 = arith.mulf %get3A_251, %get3A_802 : vector<16xf32>
        %get3A_804 = arith.index_cast %add3A_799 : i32 to index
        %get3A_805 = arith.constant 16 : index
        %get3A_806 = tpu.vector_load %arg16[%get3A_804, %get3A_805] {strides = array<i32>} : memref<320x64xf32, #tpu.memory_space<vmem>>, vector<16xf32>,
        %mul3A_807 = arith.mulf %get3A_254, %get3A_806 : vector<16xf32>
        %add3A_808 = arith.addf %mul3A_803, %mul3A_807 : vector<16xf32>
        %get3A_809 = arith.index_cast %add3A_799 : i32 to index
        %get3A_810 = arith.constant 32 : index
        %get3A_811 = tpu.vector_load %arg16[%get3A_809, %get3A_810] {strides = array<i32>} : memref<320x64xf32, #tpu.memory_space<vmem>>, vector<16xf32>,
        %mul3A_812 = arith.mulf %get3A_257, %get3A_811 : vector<16xf32>
        %add3A_813 = arith.addf %add3A_808, %mul3A_812 : vector<16xf32>
        %get3A_814 = arith.index_cast %add3A_799 : i32 to index
        %get3A_815 = arith.constant 48 : index
        %get3A_816 = tpu.vector_load %arg16[%get3A_814, %get3A_815] {strides = array<i32>} : memref<320x64xf32, #tpu.memory_space<vmem>>, vector<16xf32>,
        %mul3A_817 = arith.mulf %get3A_260, %get3A_816 : vector<16xf32>
        %add3A_818 = arith.addf %add3A_813, %mul3A_817 : vector<16xf32>
        %mul3A_819 = arith.constant 21 : i32
        %mul3A_820 = arith.muli %scan3A_249, %mul3A_819 : i32
        %add3A_821 = arith.constant 18 : i32
        %add3A_822 = arith.addi %mul3A_820, %add3A_821 : i32
        %swap3A_823 = arith.index_cast %add3A_822 : i32 to index
        %swap3A_824 = arith.constant 0 : index
        %swap3A_825 = tpu.vector_load %arg17[%swap3A_823, %swap3A_824] {strides = array<i32>} : memref<336x17xf32, #tpu.memory_space<vmem>>, vector<16xf32>,
        tpu.vector_store %arg17[%swap3A_823, %swap3A_824], %add3A_818 {strides = array<i32>} : memref<336x17xf32, #tpu.memory_space<vmem>>, vector<16xf32>,
        %mul3A_826 = arith.constant 20 : i32
        %mul3A_827 = arith.muli %scan3A_249, %mul3A_826 : i32
        %add3A_828 = arith.constant 18 : i32
        %add3A_829 = arith.addi %mul3A_827, %add3A_828 : i32
        %get3A_830 = arith.index_cast %add3A_829 : i32 to index
        %get3A_831 = arith.constant 0 : index
        %get3A_832 = tpu.vector_load %arg16[%get3A_830, %get3A_831] {strides = array<i32>} : memref<320x64xf32, #tpu.memory_space<vmem>>, vector<16xf32>,
        %mul3A_833 = arith.mulf %get3A_251, %get3A_832 : vector<16xf32>
        %get3A_834 = arith.index_cast %add3A_829 : i32 to index
        %get3A_835 = arith.constant 16 : index
        %get3A_836 = tpu.vector_load %arg16[%get3A_834, %get3A_835] {strides = array<i32>} : memref<320x64xf32, #tpu.memory_space<vmem>>, vector<16xf32>,
        %mul3A_837 = arith.mulf %get3A_254, %get3A_836 : vector<16xf32>
        %add3A_838 = arith.addf %mul3A_833, %mul3A_837 : vector<16xf32>
        %get3A_839 = arith.index_cast %add3A_829 : i32 to index
        %get3A_840 = arith.constant 32 : index
        %get3A_841 = tpu.vector_load %arg16[%get3A_839, %get3A_840] {strides = array<i32>} : memref<320x64xf32, #tpu.memory_space<vmem>>, vector<16xf32>,
        %mul3A_842 = arith.mulf %get3A_257, %get3A_841 : vector<16xf32>
        %add3A_843 = arith.addf %add3A_838, %mul3A_842 : vector<16xf32>
        %get3A_844 = arith.index_cast %add3A_829 : i32 to index
        %get3A_845 = arith.constant 48 : index
        %get3A_846 = tpu.vector_load %arg16[%get3A_844, %get3A_845] {strides = array<i32>} : memref<320x64xf32, #tpu.memory_space<vmem>>, vector<16xf32>,
        %mul3A_847 = arith.mulf %get3A_260, %get3A_846 : vector<16xf32>
        %add3A_848 = arith.addf %add3A_843, %mul3A_847 : vector<16xf32>
        %mul3A_849 = arith.constant 21 : i32
        %mul3A_850 = arith.muli %scan3A_249, %mul3A_849 : i32
        %add3A_851 = arith.constant 19 : i32
        %add3A_852 = arith.addi %mul3A_850, %add3A_851 : i32
        %swap3A_853 = arith.index_cast %add3A_852 : i32 to index
        %swap3A_854 = arith.constant 0 : index
        %swap3A_855 = tpu.vector_load %arg17[%swap3A_853, %swap3A_854] {strides = array<i32>} : memref<336x17xf32, #tpu.memory_space<vmem>>, vector<16xf32>,
        tpu.vector_store %arg17[%swap3A_853, %swap3A_854], %add3A_848 {strides = array<i32>} : memref<336x17xf32, #tpu.memory_space<vmem>>, vector<16xf32>,
        %mul3A_856 = arith.constant 20 : i32
        %mul3A_857 = arith.muli %scan3A_249, %mul3A_856 : i32
        %add3A_858 = arith.constant 19 : i32
        %add3A_859 = arith.addi %mul3A_857, %add3A_858 : i32
        %get3A_860 = arith.index_cast %add3A_859 : i32 to index
        %get3A_861 = arith.constant 0 : index
        %get3A_862 = tpu.vector_load %arg16[%get3A_860, %get3A_861] {strides = array<i32>} : memref<320x64xf32, #tpu.memory_space<vmem>>, vector<16xf32>,
        %mul3A_863 = arith.mulf %get3A_251, %get3A_862 : vector<16xf32>
        %get3A_864 = arith.index_cast %add3A_859 : i32 to index
        %get3A_865 = arith.constant 16 : index
        %get3A_866 = tpu.vector_load %arg16[%get3A_864, %get3A_865] {strides = array<i32>} : memref<320x64xf32, #tpu.memory_space<vmem>>, vector<16xf32>,
        %mul3A_867 = arith.mulf %get3A_254, %get3A_866 : vector<16xf32>
        %add3A_868 = arith.addf %mul3A_863, %mul3A_867 : vector<16xf32>
        %get3A_869 = arith.index_cast %add3A_859 : i32 to index
        %get3A_870 = arith.constant 32 : index
        %get3A_871 = tpu.vector_load %arg16[%get3A_869, %get3A_870] {strides = array<i32>} : memref<320x64xf32, #tpu.memory_space<vmem>>, vector<16xf32>,
        %mul3A_872 = arith.mulf %get3A_257, %get3A_871 : vector<16xf32>
        %add3A_873 = arith.addf %add3A_868, %mul3A_872 : vector<16xf32>
        %get3A_874 = arith.index_cast %add3A_859 : i32 to index
        %get3A_875 = arith.constant 48 : index
        %get3A_876 = tpu.vector_load %arg16[%get3A_874, %get3A_875] {strides = array<i32>} : memref<320x64xf32, #tpu.memory_space<vmem>>, vector<16xf32>,
        %mul3A_877 = arith.mulf %get3A_260, %get3A_876 : vector<16xf32>
        %add3A_878 = arith.addf %add3A_873, %mul3A_877 : vector<16xf32>
        %mul3A_879 = arith.constant 21 : i32
        %mul3A_880 = arith.muli %scan3A_249, %mul3A_879 : i32
        %add3A_881 = arith.constant 20 : i32
        %add3A_882 = arith.addi %mul3A_880, %add3A_881 : i32
        %swap3A_883 = arith.index_cast %add3A_882 : i32 to index
        %swap3A_884 = arith.constant 0 : index
        %swap3A_885 = tpu.vector_load %arg17[%swap3A_883, %swap3A_884] {strides = array<i32>} : memref<336x17xf32, #tpu.memory_space<vmem>>, vector<16xf32>,
        tpu.vector_store %arg17[%swap3A_883, %swap3A_884], %add3A_878 {strides = array<i32>} : memref<336x17xf32, #tpu.memory_space<vmem>>, vector<16xf32>,
      }
      %scan3A_226 = arith.constant 16 : i32
      %scan3A_227 = arith.constant 0 : i32
      %scan3A_228 = arith.constant 0 : i32
      %scan3A_229 = arith.constant 21 : i32
      %scan3A_230 = arith.addi %scan3A_228, %scan3A_229 : i32
      %scan3A_231 = arith.constant 1 : i32
      scf.for %scan3A_249 = %scan3A_228 to %scan3A_230 step %scan3A_231  : i32 {
        %mul3A_250 = arith.constant 16 : i32
        %mul3A_251 = arith.muli %scan3A_249, %mul3A_250 : i32
        %add3A_252 = vector.broadcast %mul3A_251 : i32 to vector<16xi32>
        %add3A_253 = arith.addi %add3A_252, %iota3A : vector<16xi32>
        %broadcast_in_dim3A = arith.constant 0 : i32
        %broadcast_in_dim3A_254 = vector.broadcast %broadcast_in_dim3A : i32 to vector<16xi32>
        %gather3A = tpu.vector_load_idx %arg17[%add3A_253, %broadcast_in_dim3A_254] : memref<336x17xf32, #tpu.memory_space<vmem>>[vector<16xi32>, vector<16xi32>], vector<16xf32>,
        %broadcast_in_dim3A_255 = arith.constant 1 : i32
        %broadcast_in_dim3A_256 = vector.broadcast %broadcast_in_dim3A_255 : i32 to vector<16xi32>
        %gather3A_257 = tpu.vector_load_idx %arg17[%add3A_253, %broadcast_in_dim3A_256] : memref<336x17xf32, #tpu.memory_space<vmem>>[vector<16xi32>, vector<16xi32>], vector<16xf32>,
        %add3A_258 = arith.addf %gather3A, %gather3A_257 : vector<16xf32>
        %broadcast_in_dim3A_259 = arith.constant 2 : i32
        %broadcast_in_dim3A_260 = vector.broadcast %broadcast_in_dim3A_259 : i32 to vector<16xi32>
        %gather3A_261 = tpu.vector_load_idx %arg17[%add3A_253, %broadcast_in_dim3A_260] : memref<336x17xf32, #tpu.memory_space<vmem>>[vector<16xi32>, vector<16xi32>], vector<16xf32>,
        %add3A_262 = arith.addf %add3A_258, %gather3A_261 : vector<16xf32>
        %broadcast_in_dim3A_263 = arith.constant 3 : i32
        %broadcast_in_dim3A_264 = vector.broadcast %broadcast_in_dim3A_263 : i32 to vector<16xi32>
        %gather3A_265 = tpu.vector_load_idx %arg17[%add3A_253, %broadcast_in_dim3A_264] : memref<336x17xf32, #tpu.memory_space<vmem>>[vector<16xi32>, vector<16xi32>], vector<16xf32>,
        %add3A_266 = arith.addf %add3A_262, %gather3A_265 : vector<16xf32>
        %broadcast_in_dim3A_267 = arith.constant 4 : i32
        %broadcast_in_dim3A_268 = vector.broadcast %broadcast_in_dim3A_267 : i32 to vector<16xi32>
        %gather3A_269 = tpu.vector_load_idx %arg17[%add3A_253, %broadcast_in_dim3A_268] : memref<336x17xf32, #tpu.memory_space<vmem>>[vector<16xi32>, vector<16xi32>], vector<16xf32>,
        %add3A_270 = arith.addf %add3A_266, %gather3A_269 : vector<16xf32>
        %broadcast_in_dim3A_271 = arith.constant 5 : i32
        %broadcast_in_dim3A_272 = vector.broadcast %broadcast_in_dim3A_271 : i32 to vector<16xi32>
        %gather3A_273 = tpu.vector_load_idx %arg17[%add3A_253, %broadcast_in_dim3A_272] : memref<336x17xf32, #tpu.memory_space<vmem>>[vector<16xi32>, vector<16xi32>], vector<16xf32>,
        %add3A_274 = arith.addf %add3A_270, %gather3A_273 : vector<16xf32>
        %broadcast_in_dim3A_275 = arith.constant 6 : i32
        %broadcast_in_dim3A_276 = vector.broadcast %broadcast_in_dim3A_275 : i32 to vector<16xi32>
        %gather3A_277 = tpu.vector_load_idx %arg17[%add3A_253, %broadcast_in_dim3A_276] : memref<336x17xf32, #tpu.memory_space<vmem>>[vector<16xi32>, vector<16xi32>], vector<16xf32>,
        %add3A_278 = arith.addf %add3A_274, %gather3A_277 : vector<16xf32>
        %broadcast_in_dim3A_279 = arith.constant 7 : i32
        %broadcast_in_dim3A_280 = vector.broadcast %broadcast_in_dim3A_279 : i32 to vector<16xi32>
        %gather3A_281 = tpu.vector_load_idx %arg17[%add3A_253, %broadcast_in_dim3A_280] : memref<336x17xf32, #tpu.memory_space<vmem>>[vector<16xi32>, vector<16xi32>], vector<16xf32>,
        %add3A_282 = arith.addf %add3A_278, %gather3A_281 : vector<16xf32>
        %broadcast_in_dim3A_283 = arith.constant 8 : i32
        %broadcast_in_dim3A_284 = vector.broadcast %broadcast_in_dim3A_283 : i32 to vector<16xi32>
        %gather3A_285 = tpu.vector_load_idx %arg17[%add3A_253, %broadcast_in_dim3A_284] : memref<336x17xf32, #tpu.memory_space<vmem>>[vector<16xi32>, vector<16xi32>], vector<16xf32>,
        %add3A_286 = arith.addf %add3A_282, %gather3A_285 : vector<16xf32>
        %broadcast_in_dim3A_287 = arith.constant 9 : i32
        %broadcast_in_dim3A_288 = vector.broadcast %broadcast_in_dim3A_287 : i32 to vector<16xi32>
        %gather3A_289 = tpu.vector_load_idx %arg17[%add3A_253, %broadcast_in_dim3A_288] : memref<336x17xf32, #tpu.memory_space<vmem>>[vector<16xi32>, vector<16xi32>], vector<16xf32>,
        %add3A_290 = arith.addf %add3A_286, %gather3A_289 : vector<16xf32>
        %broadcast_in_dim3A_291 = arith.constant 10 : i32
        %broadcast_in_dim3A_292 = vector.broadcast %broadcast_in_dim3A_291 : i32 to vector<16xi32>
        %gather3A_293 = tpu.vector_load_idx %arg17[%add3A_253, %broadcast_in_dim3A_292] : memref<336x17xf32, #tpu.memory_space<vmem>>[vector<16xi32>, vector<16xi32>], vector<16xf32>,
        %add3A_294 = arith.addf %add3A_290, %gather3A_293 : vector<16xf32>
        %broadcast_in_dim3A_295 = arith.constant 11 : i32
        %broadcast_in_dim3A_296 = vector.broadcast %broadcast_in_dim3A_295 : i32 to vector<16xi32>
        %gather3A_297 = tpu.vector_load_idx %arg17[%add3A_253, %broadcast_in_dim3A_296] : memref<336x17xf32, #tpu.memory_space<vmem>>[vector<16xi32>, vector<16xi32>], vector<16xf32>,
        %add3A_298 = arith.addf %add3A_294, %gather3A_297 : vector<16xf32>
        %broadcast_in_dim3A_299 = arith.constant 12 : i32
        %broadcast_in_dim3A_300 = vector.broadcast %broadcast_in_dim3A_299 : i32 to vector<16xi32>
        %gather3A_301 = tpu.vector_load_idx %arg17[%add3A_253, %broadcast_in_dim3A_300] : memref<336x17xf32, #tpu.memory_space<vmem>>[vector<16xi32>, vector<16xi32>], vector<16xf32>,
        %add3A_302 = arith.addf %add3A_298, %gather3A_301 : vector<16xf32>
        %broadcast_in_dim3A_303 = arith.constant 13 : i32
        %broadcast_in_dim3A_304 = vector.broadcast %broadcast_in_dim3A_303 : i32 to vector<16xi32>
        %gather3A_305 = tpu.vector_load_idx %arg17[%add3A_253, %broadcast_in_dim3A_304] : memref<336x17xf32, #tpu.memory_space<vmem>>[vector<16xi32>, vector<16xi32>], vector<16xf32>,
        %add3A_306 = arith.addf %add3A_302, %gather3A_305 : vector<16xf32>
        %broadcast_in_dim3A_307 = arith.constant 14 : i32
        %broadcast_in_dim3A_308 = vector.broadcast %broadcast_in_dim3A_307 : i32 to vector<16xi32>
        %gather3A_309 = tpu.vector_load_idx %arg17[%add3A_253, %broadcast_in_dim3A_308] : memref<336x17xf32, #tpu.memory_space<vmem>>[vector<16xi32>, vector<16xi32>], vector<16xf32>,
        %add3A_310 = arith.addf %add3A_306, %gather3A_309 : vector<16xf32>
        %broadcast_in_dim3A_311 = arith.constant 15 : i32
        %broadcast_in_dim3A_312 = vector.broadcast %broadcast_in_dim3A_311 : i32 to vector<16xi32>
        %gather3A_313 = tpu.vector_load_idx %arg17[%add3A_253, %broadcast_in_dim3A_312] : memref<336x17xf32, #tpu.memory_space<vmem>>[vector<16xi32>, vector<16xi32>], vector<16xf32>,
        %add3A_314 = arith.addf %add3A_310, %gather3A_313 : vector<16xf32>
        %swap3A = arith.index_cast %scan3A_249 : i32 to index
        %swap3A_315 = arith.constant 0 : index
        %swap3A_316 = tpu.vector_load %arg19[%swap3A, %swap3A_315] {strides = array<i32>} : memref<21x16xf32, #tpu.memory_space<vmem>>, vector<16xf32>,
        tpu.vector_store %arg19[%swap3A, %swap3A_315], %add3A_314 {strides = array<i32>} : memref<21x16xf32, #tpu.memory_space<vmem>>, vector<16xf32>,
      }
      %scan3A_232 = arith.constant 21 : i32
      %mul3A_233 = arith.constant 32 : i32
      %mul3A_234 = arith.muli %add3A, %mul3A_233 : i32
      %add3A_235 = arith.addi %mul3A_234, %add3A_172 : i32
      %dma_start3A_236 = arith.constant 0 : i32
      %dma_start3A_237 = arith.constant 0 : i32
      %dma_start3A_238 = tpu.memref_slice %arg7[%add3A_235, %dma_start3A_236, %dma_start3A_237] : memref<1024x21x16xf32, #tpu.memory_space<hbm>> -> memref<1x21x16xf32, #tpu.memory_space<hbm>>
      %dma_start3A_239 = tpu.memref_squeeze %dma_start3A_238 : memref<1x21x16xf32, #tpu.memory_space<hbm>> -> memref<21x16xf32, #tpu.memory_space<hbm>>
      %dma_start3A_240 = arith.constant 0 : i32
      %dma_start3A_241 = arith.constant 0 : i32
      %dma_start3A_242 = tpu.memref_slice %arg7[%add3A_235, %dma_start3A_240, %dma_start3A_241] : memref<1024x21x16xf32, #tpu.memory_space<hbm>> -> memref<1x21x16xf32, #tpu.memory_space<hbm>>
      %dma_start3A_243 = tpu.memref_squeeze %dma_start3A_242 : memref<1x21x16xf32, #tpu.memory_space<hbm>> -> memref<21x16xf32, #tpu.memory_space<hbm>>
      tpu.enqueue_dma source(%arg19 : memref<21x16xf32, #tpu.memory_space<vmem>>) target(%dma_start3A_243 : memref<21x16xf32, #tpu.memory_space<hbm>>) target_semaphore(%arg23 : memref<!tpu.dma_semaphore, #tpu.memory_space<semaphore_mem>>)
      %lt3A_244 = arith.constant 15 : i32
      %lt3A_245 = arith.cmpi slt, %scan3A_96, %lt3A_244 : i32
      %convert_element_type3A_246 = arith.extui %lt3A_245 : i1 to i32
      %cond3A_247 = arith.constant 0 : i32
      %cond3A_248 = arith.cmpi ne, %convert_element_type3A_246, %cond3A_247 : i32
      scf.if %cond3A_248 {
        %add3A_249 = arith.constant 2 : i32
        %add3A_250 = arith.addi %add3A_172, %add3A_249 : i32
        %mul3A_251 = arith.constant 16 : i32
        %mul3A_252 = arith.muli %add3A_250, %mul3A_251 : i32
        %dma_start3A_253 = tpu.memref_slice %arg8[%mul3A_252] : memref<512xi32, #tpu.memory_space<vmem>> -> memref<16xi32, #tpu.memory_space<vmem>>
        %dma_start3A_254 = arith.constant 0 : i32
        %dma_start3A_255 = arith.constant 0 : i32
        %dma_start3A_256 = tpu.memref_slice %arg5[%dma_start3A_254, %dma_start3A_255] : memref<100000x64xf32, #tpu.memory_space<hbm>> -> memref<100000x64xf32, #tpu.memory_space<hbm>>
        tpu.enqueue_indirect_dma source(%dma_start3A_256 : memref<100000x64xf32, #tpu.memory_space<hbm>>) target(%arg14 : memref<16x64xf32, #tpu.memory_space<vmem>>) offsets(%dma_start3A_253 : memref<16xi32, #tpu.memory_space<vmem>>) semaphore(%arg21 : memref<!tpu.dma_semaphore, #tpu.memory_space<semaphore_mem>>)
        %mul3A_257 = arith.constant 16 : i32
        %mul3A_258 = arith.muli %add3A_250, %mul3A_257 : i32
        %dma_start3A_259 = tpu.memref_slice %arg9[%mul3A_258] : memref<512xi32, #tpu.memory_space<vmem>> -> memref<16xi32, #tpu.memory_space<vmem>>
        %dma_start3A_260 = arith.constant 0 : i32
        %dma_start3A_261 = arith.constant 0 : i32
        %dma_start3A_262 = tpu.memref_slice %arg6[%dma_start3A_260, %dma_start3A_261] : memref<100000x64xf32, #tpu.memory_space<hbm>> -> memref<100000x64xf32, #tpu.memory_space<hbm>>
        tpu.enqueue_indirect_dma source(%dma_start3A_262 : memref<100000x64xf32, #tpu.memory_space<hbm>>) target(%arg15 : memref<16x64xf32, #tpu.memory_space<vmem>>) offsets(%dma_start3A_259 : memref<16xi32, #tpu.memory_space<vmem>>) semaphore(%arg21 : memref<!tpu.dma_semaphore, #tpu.memory_space<semaphore_mem>>)
        %mul3A_263 = arith.constant 320 : i32
        %mul3A_264 = arith.muli %add3A_250, %mul3A_263 : i32
        %dma_start3A_265 = arith.constant 0 : i32
        %dma_start3A_266 = arith.constant 0 : i32
        %dma_start3A_267 = tpu.memref_slice %arg16[%dma_start3A_265, %dma_start3A_266] : memref<320x64xf32, #tpu.memory_space<vmem>> -> memref<128x64xf32, #tpu.memory_space<vmem>>
        %dma_start3A_268 = tpu.memref_slice %arg10[%mul3A_264] : memref<10240xi32, #tpu.memory_space<vmem>> -> memref<128xi32, #tpu.memory_space<vmem>>
        %dma_start3A_269 = arith.constant 0 : i32
        %dma_start3A_270 = arith.constant 0 : i32
        %dma_start3A_271 = tpu.memref_slice %arg6[%dma_start3A_269, %dma_start3A_270] : memref<100000x64xf32, #tpu.memory_space<hbm>> -> memref<100000x64xf32, #tpu.memory_space<hbm>>
        tpu.enqueue_indirect_dma source(%dma_start3A_271 : memref<100000x64xf32, #tpu.memory_space<hbm>>) target(%dma_start3A_267 : memref<128x64xf32, #tpu.memory_space<vmem>>) offsets(%dma_start3A_268 : memref<128xi32, #tpu.memory_space<vmem>>) semaphore(%arg21 : memref<!tpu.dma_semaphore, #tpu.memory_space<semaphore_mem>>)
        %mul3A_272 = arith.constant 320 : i32
        %mul3A_273 = arith.muli %add3A_250, %mul3A_272 : i32
        %add3A_274 = arith.constant 128 : i32
        %add3A_275 = arith.addi %mul3A_273, %add3A_274 : i32
        %dma_start3A_276 = arith.constant 128 : i32
        %dma_start3A_277 = arith.constant 0 : i32
        %dma_start3A_278 = tpu.memref_slice %arg16[%dma_start3A_276, %dma_start3A_277] : memref<320x64xf32, #tpu.memory_space<vmem>> -> memref<128x64xf32, #tpu.memory_space<vmem>>
        %dma_start3A_279 = tpu.memref_slice %arg10[%add3A_275] : memref<10240xi32, #tpu.memory_space<vmem>> -> memref<128xi32, #tpu.memory_space<vmem>>
        %dma_start3A_280 = arith.constant 0 : i32
        %dma_start3A_281 = arith.constant 0 : i32
        %dma_start3A_282 = tpu.memref_slice %arg6[%dma_start3A_280, %dma_start3A_281] : memref<100000x64xf32, #tpu.memory_space<hbm>> -> memref<100000x64xf32, #tpu.memory_space<hbm>>
        tpu.enqueue_indirect_dma source(%dma_start3A_282 : memref<100000x64xf32, #tpu.memory_space<hbm>>) target(%dma_start3A_278 : memref<128x64xf32, #tpu.memory_space<vmem>>) offsets(%dma_start3A_279 : memref<128xi32, #tpu.memory_space<vmem>>) semaphore(%arg21 : memref<!tpu.dma_semaphore, #tpu.memory_space<semaphore_mem>>)
        %mul3A_283 = arith.constant 320 : i32
        %mul3A_284 = arith.muli %add3A_250, %mul3A_283 : i32
        %add3A_285 = arith.constant 256 : i32
        %add3A_286 = arith.addi %mul3A_284, %add3A_285 : i32
        %dma_start3A_287 = arith.constant 256 : i32
        %dma_start3A_288 = arith.constant 0 : i32
        %dma_start3A_289 = tpu.memref_slice %arg16[%dma_start3A_287, %dma_start3A_288] : memref<320x64xf32, #tpu.memory_space<vmem>> -> memref<64x64xf32, #tpu.memory_space<vmem>>
        %dma_start3A_290 = tpu.memref_slice %arg10[%add3A_286] : memref<10240xi32, #tpu.memory_space<vmem>> -> memref<64xi32, #tpu.memory_space<vmem>>
        %dma_start3A_291 = arith.constant 0 : i32
        %dma_start3A_292 = arith.constant 0 : i32
        %dma_start3A_293 = tpu.memref_slice %arg6[%dma_start3A_291, %dma_start3A_292] : memref<100000x64xf32, #tpu.memory_space<hbm>> -> memref<100000x64xf32, #tpu.memory_space<hbm>>
        tpu.enqueue_indirect_dma source(%dma_start3A_293 : memref<100000x64xf32, #tpu.memory_space<hbm>>) target(%dma_start3A_289 : memref<64x64xf32, #tpu.memory_space<vmem>>) offsets(%dma_start3A_290 : memref<64xi32, #tpu.memory_space<vmem>>) semaphore(%arg21 : memref<!tpu.dma_semaphore, #tpu.memory_space<semaphore_mem>>)
      } else {
      }
    }
    %scan3A_78 = arith.constant 16 : i32
    %dma_wait3A = arith.constant 0 : i32
    %dma_wait3A_79 = arith.constant 0 : i32
    %dma_wait3A_80 = arith.constant 0 : i32
    %dma_wait3A_81 = tpu.memref_slice %arg7[%dma_wait3A, %dma_wait3A_79, %dma_wait3A_80] : memref<1024x21x16xf32, #tpu.memory_space<hbm>> -> memref<1x21x16xf32, #tpu.memory_space<hbm>>
    %dma_wait3A_82 = tpu.memref_squeeze %dma_wait3A_81 : memref<1x21x16xf32, #tpu.memory_space<hbm>> -> memref<21x16xf32, #tpu.memory_space<hbm>>
    %dma_wait3A_83 = arith.constant 0 : i32
    %dma_wait3A_84 = arith.constant 0 : i32
    %dma_wait3A_85 = tpu.memref_slice %arg7[%dma_wait3A, %dma_wait3A_83, %dma_wait3A_84] : memref<1024x21x16xf32, #tpu.memory_space<hbm>> -> memref<1x21x16xf32, #tpu.memory_space<hbm>>
    %dma_wait3A_86 = tpu.memref_squeeze %dma_wait3A_85 : memref<1x21x16xf32, #tpu.memory_space<hbm>> -> memref<21x16xf32, #tpu.memory_space<hbm>>
    tpu.wait_dma2 semaphore(%arg22 : memref<!tpu.dma_semaphore, #tpu.memory_space<semaphore_mem>>) src(%arg18 : memref<21x16xf32, #tpu.memory_space<vmem>>) dst(%dma_wait3A_86 : memref<21x16xf32, #tpu.memory_space<hbm>>)
    %dma_wait3A_87 = arith.constant 0 : i32
    %dma_wait3A_88 = arith.constant 0 : i32
    %dma_wait3A_89 = arith.constant 0 : i32
    %dma_wait3A_90 = tpu.memref_slice %arg7[%dma_wait3A_87, %dma_wait3A_88, %dma_wait3A_89] : memref<1024x21x16xf32, #tpu.memory_space<hbm>> -> memref<1x21x16xf32, #tpu.memory_space<hbm>>
    %dma_wait3A_91 = tpu.memref_squeeze %dma_wait3A_90 : memref<1x21x16xf32, #tpu.memory_space<hbm>> -> memref<21x16xf32, #tpu.memory_space<hbm>>
    %dma_wait3A_92 = arith.constant 0 : i32
    %dma_wait3A_93 = arith.constant 0 : i32
    %dma_wait3A_94 = tpu.memref_slice %arg7[%dma_wait3A_87, %dma_wait3A_92, %dma_wait3A_93] : memref<1024x21x16xf32, #tpu.memory_space<hbm>> -> memref<1x21x16xf32, #tpu.memory_space<hbm>>
    %dma_wait3A_95 = tpu.memref_squeeze %dma_wait3A_94 : memref<1x21x16xf32, #tpu.memory_space<hbm>> -> memref<21x16xf32, #tpu.memory_space<hbm>>
    tpu.wait_dma2 semaphore(%arg23 : memref<!tpu.dma_semaphore, #tpu.memory_space<semaphore_mem>>) src(%arg19 : memref<21x16xf32, #tpu.memory_space<vmem>>) dst(%dma_wait3A_95 : memref<21x16xf32, #tpu.memory_space<hbm>>)
    return
  }
}

module attributes {stable_mosaic.version = 14 : i64} {
  func.func @body(%arg0: i32, %arg1: memref<256x336xf32, #tpu.memory_space<vmem>>, %arg2: memref<1x1xf32, #tpu.memory_space<smem>>) attributes {dimension_semantics = [#tpu.dimension_semantics<arbitrary>], iteration_bounds = array<i64: 4>, scalar_prefetch = 0 : i64, scratch_operands = 0 : i64, tpu.core_type = #tpu.core_type<tc>, window_params = [{transform_indices = @transform_0, window_bounds = array<i64: 256, 336>}, {transform_indices = @transform_1, window_bounds = array<i64: 1, 1>}]} {
    %iota3A = tpu.iota {dimensions = array<i32: 1>} : vector<256x336xi32>
    %jit3A = arith.constant 21 : i32
    %eq3A = arith.constant 0 : i32
    %eq3A_0 = arith.cmpi eq, %jit3A, %eq3A : i32
    %jit3A_1 = arith.constant 1 : i32
    %select_n3A = arith.select %eq3A_0, %jit3A_1, %jit3A : i32
    %rem3A = vector.broadcast %select_n3A : i32 to vector<256x336xi32>
    %rem3A_2 = arith.remsi %iota3A, %rem3A : vector<256x336xi32>
    %ne3A = arith.constant 0 : i32
    %ne3A_3 = vector.broadcast %ne3A : i32 to vector<256x336xi32>
    %ne3A_4 = arith.cmpi ne, %rem3A_2, %ne3A_3 : vector<256x336xi32>
    %lt3A = arith.constant 0 : i32
    %lt3A_5 = vector.broadcast %lt3A : i32 to vector<256x336xi32>
    %lt3A_6 = arith.cmpi slt, %rem3A_2, %lt3A_5 : vector<256x336xi32>
    %lt3A_7 = arith.constant 0 : i32
    %lt3A_8 = arith.cmpi slt, %select_n3A, %lt3A_7 : i32
    %ne3A_9 = vector.broadcast %lt3A_8 : i1 to vector<256x336xi1>
    %ne3A_10 = vector.broadcast %ne3A_9 : vector<256x336xi1> to vector<256x336xi1>
    %ne3A_11 = arith.xori %lt3A_6, %ne3A_10 : vector<256x336xi1>
    %and3A = arith.andi %ne3A_11, %ne3A_4 : vector<256x336xi1>
    %add3A = vector.broadcast %select_n3A : i32 to vector<256x336xi32>
    %add3A_12 = arith.addi %rem3A_2, %add3A : vector<256x336xi32>
    %select_n3A_13 = arith.select %and3A, %add3A_12, %rem3A_2 : vector<256x336xi1>, vector<256x336xi32>
    %eq3A_14 = arith.constant 0 : i32
    %eq3A_15 = vector.broadcast %eq3A_14 : i32 to vector<256x336xi32>
    %eq3A_16 = arith.cmpi eq, %select_n3A_13, %eq3A_15 : vector<256x336xi32>
    %jit3A_17 = arith.constant -1.000000e+00 : f32
    %jit3A_18 = arith.constant 1.000000e+00 : f32
    %broadcast_in_dim3A = vector.broadcast %jit3A_17 : f32 to vector<256x336xf32>
    %broadcast_in_dim3A_19 = vector.broadcast %jit3A_18 : f32 to vector<256x336xf32>
    %select_n3A_20 = arith.select %eq3A_16, %broadcast_in_dim3A, %broadcast_in_dim3A_19 : vector<256x336xi1>, vector<256x336xf32>
    %get3A = arith.constant 0 : index
    %get3A_21 = arith.constant 0 : index
    %get3A_22 = vector.load %arg1[%get3A, %get3A_21] : memref<256x336xf32, #tpu.memory_space<vmem>>, vector<256x336xf32>
    %mul3A = arith.mulf %select_n3A_20, %get3A_22 : vector<256x336xf32>
    %custom_jvp_call3A = arith.constant 0.000000e+00 : f32
    %max3A = vector.broadcast %custom_jvp_call3A : f32 to vector<256x336xf32>
    %max3A_23 = arith.maximumf %max3A, %mul3A : vector<256x336xf32>
    %sub3A = vector.broadcast %custom_jvp_call3A : f32 to vector<256x336xf32>
    %sub3A_24 = arith.subf %sub3A, %mul3A : vector<256x336xf32>
    %ne3A_25 = arith.cmpf one, %sub3A_24, %sub3A_24 : vector<256x336xf32>
    %add3A_26 = vector.broadcast %custom_jvp_call3A : f32 to vector<256x336xf32>
    %add3A_27 = arith.addf %add3A_26, %mul3A : vector<256x336xf32>
    %abs3A = math.absf %sub3A_24 : vector<256x336xf32>
    %neg3A = arith.constant 0.000000e+00 : f32
    %neg3A_28 = vector.broadcast %neg3A : f32 to vector<256x336xf32>
    %neg3A_29 = arith.subf %neg3A_28, %abs3A : vector<256x336xf32>
    %exp3A = math.exp %neg3A_29 : vector<256x336xf32>
    %log1p3A = math.log1p %exp3A : vector<256x336xf32>
    %add3A_30 = arith.addf %max3A_23, %log1p3A : vector<256x336xf32>
    %select_n3A_31 = arith.select %ne3A_25, %add3A_27, %add3A_30 : vector<256x336xi1>, vector<256x336xf32>
    %reduce_sum3A = vector.shape_cast %select_n3A_31 : vector<256x336xf32> to vector<1x256x336xf32>
    %reduce_sum3A_32 = arith.constant dense<0.000000e+00> : vector<1xf32>
    %reduce_sum3A_33 = vector.multi_reduction <add>, %reduce_sum3A, %reduce_sum3A_32 [1, 2] : vector<1x256x336xf32> to vector<1xf32>
    %reduce_sum3A_34 = vector.shape_cast %reduce_sum3A_33 : vector<1xf32> to vector<1x1x1xf32>
    %reduce_sum3A_35 = vector.extract %reduce_sum3A_34[0, 0, 0] : f32 from vector<1x1x1xf32>
    %eq3A_36 = arith.constant 0 : i32
    %eq3A_37 = arith.cmpi eq, %arg0, %eq3A_36 : i32
    %convert_element_type3A = arith.extui %eq3A_37 : i1 to i32
    %cond3A = arith.constant 0 : i32
    %cond3A_38 = arith.cmpi ne, %convert_element_type3A, %cond3A : i32
    scf.if %cond3A_38 {
      %swap3A_47 = arith.constant 0.000000e+00 : f32
      %swap3A_48 = arith.constant 0 : index
      %swap3A_49 = arith.constant 0 : index
      %swap3A_50 = memref.load %arg2[%swap3A_48, %swap3A_49] : memref<1x1xf32, #tpu.memory_space<smem>>
      memref.store %swap3A_47, %arg2[%swap3A_48, %swap3A_49] : memref<1x1xf32, #tpu.memory_space<smem>>
    } else {
    }
    %get3A_39 = arith.constant 0 : index
    %get3A_40 = arith.constant 0 : index
    %get3A_41 = memref.load %arg2[%get3A_39, %get3A_40] : memref<1x1xf32, #tpu.memory_space<smem>>
    %mul3A_42 = arith.constant 2.90643607E-6 : f32
    %mul3A_43 = arith.mulf %reduce_sum3A_35, %mul3A_42 : f32
    %add3A_44 = arith.addf %get3A_41, %mul3A_43 : f32
    %swap3A = arith.constant 0 : index
    %swap3A_45 = arith.constant 0 : index
    %swap3A_46 = memref.load %arg2[%swap3A, %swap3A_45] : memref<1x1xf32, #tpu.memory_space<smem>>
    memref.store %add3A_44, %arg2[%swap3A, %swap3A_45] : memref<1x1xf32, #tpu.memory_space<smem>>
    return
  }
  func.func @transform_0(%arg0: i32) -> (i32, i32) {
    %c0_i32 = arith.constant 0 : i32
    %c0_i32_0 = arith.constant 0 : i32
    return %arg0, %c0_i32 : i32, i32
  }
  func.func @transform_1(%arg0: i32) -> (i32, i32) {
    %c0_i32 = arith.constant 0 : i32
    %c0_i32_0 = arith.constant 0 : i32
    %c0_i32_1 = arith.constant 0 : i32
    return %c0_i32, %c0_i32_0 : i32, i32
  }
}

</mosaic_0001>

<sc_bundles>
// kernel: kernel.4.cloned.1.call-start
scs
__scs_entry_jumppad:
0x0: {  	(pc) =	sbr.rel $0x88, $3  }
0x1: {  	(tag) =	ssettag $0x0;
	lr =	simm.s32 $0x1  }
0x2: {  	[smem:$0x3F9C] =	sst lr;
	_ =	strace $0xD0000000  }
0x3: {  	_ = 	snop  }
0x4: {  	_ = 	snop  }
0x5: {  	_ = 	snop  }
0x6: {  	_ = 	snop  }
0x7: {  	_ = 	snop  }
__scs_overlays_trampoline_lowered:
0x8: {  	[smem:$0x3FAB] =	sst s0  }
0x9: {  	[smem:$0x3FAC] =	sst s1  }
0xa: {  	[smem:$0x3FAD] =	sst s2  }
0xb: {  	[smem:$0x3FAE] =	sst s3  }
0xc: {  	[smem:$0x3FAF] =	sst s4  }
0xd: {  	[smem:$0x3FB0] =	sst s5  }
0xe: {  	[smem:$0x3FB1] =	sst s6  }
0xf: {  	[smem:$0x3FB2] =	sst s7  }
0x10: {  	[smem:$0x3FB3] =	sst s8  }
0x11: {  	[smem:$0x3FB4] =	sst s9;
	s0 =	simm.s32 @!p0 $0x0  }
0x12: {  	s1 =	sld [smem:$0x3F9A];
	s0 =	simm.s32 @p0 $0x1  }
0x13: {  	[smem:$0x3FB5] =	sst s0;
	s0 =	simm.s32 @!p1 $0x0  }
0x14: {  	s2 =	sld [smem:$0x3F99];
	s0 =	simm.s32 @p1 $0x1  }
0x15: {  	[smem:$0x3FB6] =	sst s0;
	s0 =	simm.s32 @!p2 $0x0  }
0x16: {  	s3 =	sld [smem:$0x3FDB];
	s0 =	simm.s32 @p2 $0x1  }
0x17: {  	s4 =	simm.s32 $0x1BF5;
	[smem:$0x3FB8] =	sst s0  }
0x18: {  	s0 =	sld [smem:$0x3F9B];
	_ =	swait.ge [sflag:s4], $0x0  }
0x19: {  	s7 =	sld [smem:$0x3F9C]  }
0x1a: {  	s8 =	sadd.s32 $0xFFFFE003, lr  }
0x1b: {  	s9 =	sadd.s32 $0xFFFFFEF7, lr;
	s5 =	simm.s32 $0xFFFFFFFF;
	p2 =	slt.u32 s8, $0xFFFFF086  }
0x1c: {  	p1 =	slt.u32 s9, $0xF7A;
	s5 =	simm.s32 @!p2 $0x0  }
0x1d: {  	s5 =	simm.s32 @p1 $0x1;
	p0 =	seq.s32 s7, s2  }
0x1e: {  	s7 =	smul.u32 @!p0 $0xF7A, s2;
	p2 =	seq.s32 @!p0 s5, $0x0  }
0x1f: {  	s9 =	smul.u32 $0xF7A, s1;
	s8 =	simm.s32 @!p0 $0x1BF5;
	p2 =	por !p2, p0  }
0x20: {  	[sflag:s8] =	ssyncset.s32 @!p0 $0xFFFFF086;
	s6 =	sadd.s32 @!p0 s3, s7;
	s7 =	simm.s32 @!p0 $0x108  }
0x21: {  	s3 =	sadd.s32 s3, s9;
	s6 =	sadd.s32 @!p0 $0x88, s6;
	s7 =	simm.s32 @p2 $0x1082  }
0x22: {  	[simem:s7], [sflag:s8] =	dma.local @!p0 [hbm:s6], $0xF7A  }
0x23: {  	s9 =	sor.u32 $0xD0000000, s2;
	s6 =	simm.s32 $0x108;
	_ =	swait.ge @!p0 [sflag:s8], $0x0  }
0x24: {  	s3 =	sadd.s32 $0x88, s3;
	s6 =	simm.s32 @!p1 $0x1082;
	[sflag:s4] =	ssyncset.s32 $0xFFFFF086  }
0x25: {  	[simem:s6], [sflag:s4] =	dma.local [hbm:s3], $0xF7A  }
0x26: {  	[smem:$0x3F9C] =	sst s1;
	(tag) =	ssettag s2;
	_ =	strace s9  }
0x27: {  	s1 =	sld [smem:$0x3FAC]  }
0x28: {  	s2 =	sld [smem:$0x3FAD]  }
0x29: {  	s4 =	sld [smem:$0x3FAF]  }
0x2a: {  	p0 =	seq.s32 s5, $0x0;
	s5 =	sld [smem:$0x3FB0]  }
0x2b: {  	s6 =	sld [smem:$0x3FB1]  }
0x2c: {  	s7 =	sld [smem:$0x3FB2]  }
0x2d: {  	s3 =	simm.s32 $0x108;
	s8 =	sld [smem:$0x3FB3]  }
0x2e: {  	s3 =	simm.s32 @!p0 $0x1082;
	s9 =	sld [smem:$0x3FB4]  }
0x2f: {  	lr =	sadd.s32 s0, s3;
	s0 =	sld [smem:$0x3FAB]  }
0x30: {  	s3 =	sld [smem:$0x3FAE]  }
0x31: {  	[smem:$0x3FB7] =	sst s10  }
0x32: {  	s10 =	sld [smem:$0x3FB5];
	_ =	sdelay $0x3  }
0x33: {  	p0 =	seq.s32 s10, $0x1;
	s10 =	sld [smem:$0x3FB7];
	_ =	sdelay $0x3  }
0x34: {  	[smem:$0x3FB7] =	sst s10  }
0x35: {  	s10 =	sld [smem:$0x3FB6];
	_ =	sdelay $0x3  }
0x36: {  	p1 =	seq.s32 s10, $0x1;
	s10 =	sld [smem:$0x3FB7];
	_ =	sdelay $0x3  }
0x37: {  	[smem:$0x3FB7] =	sst s10  }
0x38: {  	s10 =	sld [smem:$0x3FB8]  }
0x39: {  	_ = 	snop;
	(pc) =	sbr.ind lr, $3  }
0x3a: {  	_ = 	snop  }
0x3b: {  	_ = 	snop  }
0x3c: {  	p2 =	seq.s32 s10, $0x1;
	s10 =	sld [smem:$0x3FB7]  }
0x3d: {  	_ =	shalt  }
0x3e: {  	_ =	shalt  }
0x3f: {  	_ =	shalt  }
0x40: {  	_ =	shalt  }
0x41: {  	_ =	shalt  }
0x42: {  	_ =	shalt  }
0x43: {  	_ =	shalt  }
0x44: {  	_ =	shalt  }
0x45: {  	_ =	shalt  }
0x46: {  	_ =	shalt  }
0x47: {  	_ =	shalt  }
0x48: {  	_ =	shalt  }
0x49: {  	_ =	shalt  }
0x4a: {  	_ =	shalt  }
0x4b: {  	_ =	shalt  }
0x4c: {  	_ =	shalt  }
0x4d: {  	_ =	shalt  }
0x4e: {  	_ =	shalt  }
0x4f: {  	_ =	shalt  }
0x50: {  	_ =	shalt  }
0x51: {  	_ =	shalt  }
0x52: {  	_ =	shalt  }
0x53: {  	_ =	shalt  }
0x54: {  	_ =	shalt  }
0x55: {  	_ =	shalt  }
0x56: {  	_ =	shalt  }
0x57: {  	_ =	shalt  }
0x58: {  	_ =	shalt  }
0x59: {  	_ =	shalt  }
0x5a: {  	_ =	shalt  }
0x5b: {  	_ =	shalt  }
0x5c: {  	_ =	shalt  }
0x5d: {  	_ =	shalt  }
0x5e: {  	_ =	shalt  }
0x5f: {  	_ =	shalt  }
0x60: {  	_ =	shalt  }
0x61: {  	_ =	shalt  }
0x62: {  	_ =	shalt  }
0x63: {  	_ =	shalt  }
0x64: {  	_ =	shalt  }
0x65: {  	_ =	shalt  }
0x66: {  	_ =	shalt  }
0x67: {  	_ =	shalt  }
0x68: {  	_ =	shalt  }
0x69: {  	_ =	shalt  }
0x6a: {  	_ =	shalt  }
0x6b: {  	_ =	shalt  }
0x6c: {  	_ =	shalt  }
0x6d: {  	_ =	shalt  }
0x6e: {  	_ =	shalt  }
0x6f: {  	_ =	shalt  }
0x70: {  	_ =	shalt  }
0x71: {  	_ =	shalt  }
0x72: {  	_ =	shalt  }
0x73: {  	_ =	shalt  }
0x74: {  	_ =	shalt  }
0x75: {  	_ =	shalt  }
0x76: {  	_ =	shalt  }
0x77: {  	_ =	shalt  }
0x78: {  	_ =	shalt  }
0x79: {  	_ =	shalt  }
0x7a: {  	_ =	shalt  }
0x7b: {  	_ =	shalt  }
0x7c: {  	_ =	shalt  }
0x7d: {  	_ =	shalt  }
0x7e: {  	_ =	shalt  }
0x7f: {  	_ =	shalt  }
0x80: {  	_ =	shalt  }
0x81: {  	_ =	shalt  }
0x82: {  	_ =	shalt  }
0x83: {  	_ =	shalt  }
0x84: {  	_ =	shalt  }
0x85: {  	_ =	shalt  }
0x86: {  	_ =	shalt  }
0x87: {  	_ =	shalt  }
.Lfunc_end0:
.L_simem_size_0:
called_computation_lowered:
.L_overlay_start_0:
0x88: {  	s2 =	sld [smem:$0x3FD9]  }
0x89: {  	s3 =	sld [smem:$0x3FFE];
	_ =	sdelay $0x1  }
0x8a: {  	s1 =	srdreg.scid  }
0x8b: {  	s0 =	sand.u32 $0x1, s1  }
0x8c: {  	s17 =	sshll.u32 s0, $0xA;
	s2 =	sadd.s32 s3, s2  }
0x8d: {  	s2 =	sadd.s32 s2, s17  }
0x8e: {  	[smem:$0x3FC3] =	sst s2  }
0x8f: {  	_ = 	snop  }
0x90: {  	s2 =	sld [smem:$0x3FC9]  }
0x91: {  	s18 =	sld [smem:$0x3FC8];
	(tm) =	ssettm $0x1  }
0x92: {  	s4 =	sld [smem:$0x3FFB];
	_ =	sdelay $0x3  }
0x93: {  	_ =	strace s4  }
0x94: {  	s4 =	sld [smem:$0x3FFC];
	_ =	sdelay $0x3  }
0x95: {  	_ =	strace s4  }
0x96: {  	s4 =	sld [smem:$0x3FFD];
	_ =	sdelay $0x3  }
0x97: {  	_ =	strace s4  }
0x98: {  	_ =	strace $0x8FFFFFFF  }
0x99: {  	s19 =	sld [smem:$0x3FDB];
	_ =	sdelay $0x1  }
0x9a: {  	s5 =	simm.s32 $_scs_section_size  }
0x9b: {  	s6 =	simm.s32 $_size__tile_overlayer_lowered;
	s7 =	simm.s32 $_tile_overlayer_lowered  }
0x9c: {  	s22 =	simm.s32 $0x1BFF;
	s21 =	sshll.u32 s7, $0x1;
	s4 =	sadd.s32 s5, s19  }
0x9d: {  	s8 =	simm.s32 $0x0;
	s20 =	sshll.u32 s6, $0x1;
	s6 =	sadd.s32 s21, s4  }
0x9e: {  	[timem:s8], [sflag:s22] =	dma.local [hbm:s6], s20  }
0x9f: {  	_ =	swait.ge [sflag:s22], s20  }
0xa0: {  	s5 =	ssub.s32 $0x0, s20;
	[sflag:s22] =	ssyncset.done $0x0  }
0xa1: {  	[sflag:s22] =	ssyncadd.s32 s5;
	_ =	sdelay $0x1  }
0xa2: {  	s23 =	simm.s32 $0x1B8B  }
0xa3: {  	_ =	swait.ge [sflag:s23], $0x1  }
0xa4: {  	[sflag:s23] =	ssyncset.done $0x0  }
0xa5: {  	s25 =	simm.s32 $0x1B8E;
	s24 =	sld [smem:$0x3FFE];
	[sflag:s23] =	ssyncadd.s32 $0xFFFFFFFF  }
0xa6: {  	s26 =	simm.s32 $execute0_lowered;
	[smem:$0x3FD2] =	sst s25  }
0xa7: {  	s6 =	sshll.u32 s26, $0x1;
	_ =	strace $0x80000046;
	[dreg:$0x1] =	wrdreg $0xFFFFFFFF  }
0xa8: {  	s28 =	simm.s32 $_size_execute0_lowered;
	s4 =	sadd.s32 s4, s6;
	[dreg:$0x0] =	wrdreg $0x0  }
0xa9: {  	s6 =	sshll.u32 s28, $0x1;
	[dreg:$0x2] =	wrdreg s4  }
0xaa: {  	[dreg:$0x3] =	wrdreg s6  }
0xab: {  	[dreg:$0x4] =	wrdreg $0xC0  }
0xac: {  	_ =	task [dreg:s8], $0x5FFFF  }
0xad: {  	[dreg:$0x1] =	wrdreg $0xFFFFFFFF  }
0xae: {  	[dreg:$0x0] =	wrdreg $0x60  }
0xaf: {  	[dreg:$0x2] =	wrdreg s2  }
0xb0: {  	[dreg:$0x3] =	wrdreg s18  }
0xb1: {  	[dreg:$0x4] =	wrdreg s24  }
0xb2: {  	[dreg:$0x5] =	wrdreg $0x9  }
0xb3: {  	_ =	task.clear_ibuf [dreg:s8], $0x6FFFF;
	_ =	strace $0x90000046  }
0xb4: {  	s29 =	simm.s32 $0x9;
	_ =	strace $0x80000048  }
0xb5: {  	_ =	swait.ge [sflag:s29], $0x1  }
0xb6: {  	[sflag:s29] =	ssyncadd.s32 $0xFFFFFFFF  }
0xb7: {  	_ =	strace $0x90000048  }
0xb8: {  	_ =	sfence  }
0xb9: {  	s30 =	sld [smem:$0x0];
	_ =	sdelay $0x2  }
0xba: {  	s31 =	sshll.u32 s1, $0xD;
	s1 =	sshrl.u32 s1, $0x2  }
0xbb: {  	s3 =	sand.u32 $0x4000, s31;
	s1 =	sadd.s32 s1, s30  }
0xbc: {  	s0 =	sor.u32 s3, s0;
	s1 =	sshll.u32 s1, $0x11  }
0xbd: {  	s0 =	sor.u32 s1, s0  }
0xbe: {  	s0 =	sadd.s32 $0x8F2B, s0  }
0xbf: {  	[sflag:s0] =	ssyncadd.remote.s32 $0x1  }
0xc0: {  	_ =	sfence.sel $0xFFFF  }
0xc1: {  	[dreg:$0x0] =	wrdreg $0xFFFFFFFF;
	(pc) =	sbr.abs _section_cstart, $3  }
0xc2: {  	[dreg:$0x1] =	wrdreg $0xFFFFFFFF  }
0xc3: {  	_ =	task.clear_ibuf [dreg:s8], $0x2FFFF;
	_ =	strace $0x9FFFFFFF  }
0xc4: {  	(tm) =	ssettm $0x7FFFFFFF  }
0xc5: {  	_ =	shalt  }
tec
execute0_lowered:
.L_overlay_start_1:
0x0: {  	(tag) =	ssettag $0x1  }
0x1: {  	s0 =	rddreg [dreg:$0x0];
	s1 =	srdreg.scid  }
0x2: {  	s2 =	stileid.u32;
	s6 =	rddreg [dreg:$0x1]  }
0x3: {  	s5 =	rddreg [dreg:$0x2];
	s11 =	simm.s32 $0x5;
	s14 =	simm.s32 $0x10  }
0x4: {  	s17 =	simm.s32 $0x80;
	s21 =	simm.s32 $0x40;
	s24 =	simm.s32 $0x8400  }
0x5: {  	s29 =	simm.s32 $0x8C00;
	s31 =	simm.s32 $0xAC00;
	s15 =	simm.s32 $0x1  }
0x6: {  	s16 =	simm.s32 $0xDC00;
	s18 =	simm.s32 $0xFB80;
	s19 =	simm.s32 $0x2  }
0x7: {  	s20 =	simm.s32 $0xFCD0;
	s23 =	simm.s32 $0x4;
	s25 =	simm.s32 $0x0  }
0x8: {  	s1 =	sand.u32 $0x1, s1;
	s2 =	sshll.u32 s2, $0x1;
	s4 =	sadd.s32 $0x188C00, s5  }
0x9: {  	v0 =	vlaneseq.u32;
	s7 =	sor.u32 s1, s2;
	s2 =	simm.s32 $0x0;
	s1 =	ssub.s32 $0x2, s1  }
0xa: {  	v0 =	vmul.u32 $0x18, v0;
	s3 =	smul.u32 $0x500, s7;
	[smem:$0x7FF] =	sst s2;
	s9 =	sshrl.u32 s1, $0x1  }
0xb: {  	s10 =	sshll.u32 s7, $0x6;
	_ =	strace $0x80000047;
	s1 =	ssub.s32 s1, s9  }
.Ltmp0:
0xc: {  	v1 =	vor.u32 $0x1, v0;
	v2 =	vor.u32 $0x2, v0;
	v3 =	vor.u32 $0x3, v0;
	s0 =	sadd.s32 s0, s10;
	s26 =	sadd.s32 s6, s10;
	(pc) =	sbr.rel .LBB2_1-.Ltmp0, $4  }
0xd: {  	v4 =	vor.u32 $0x4, v0;
	v5 =	vor.u32 $0x5, v0;
	v6 =	vor.u32 $0x6, v0;
	s9 =	sshll.u32 s7, $0x5;
	s8 =	sadd.s32 s3, s5;
	[dreg:$0x4] =	wrdreg s0  }
0xe: {  	v7 =	vor.u32 $0x7, v0;
	v8 =	vadd.s32 $0x8, v0;
	v9 =	vadd.s32 $0x9, v0;
	s3 =	sadd.s32 $0x24C200, s5;
	[dreg:$0x5] =	wrdreg s26;
	s30 =	smax.u32 s1, $0x1  }
0xf: {  	v10 =	vadd.s32 $0xA, v0;
	v11 =	vadd.s32 $0xB, v0;
	v12 =	vadd.s32 $0xC, v0;
	s5 =	sadd.s32 $0xC200, s5;
	s28 =	sadd.s32 $0x2200, s8;
	[dreg:$0x7] =	wrdreg s30  }
0x10: {  	v13 =	vadd.s32 $0xD, v0;
	v14 =	vadd.s32 $0xE, v0;
	v15 =	vadd.s32 $0xF, v0;
	s26 =	simm.s32 $0x8800;
	s0 =	simm.s32 $0xCC00;
	[dreg:$0x6] =	wrdreg s28  }
.LBB2_12:
0x11: {  	s1 =	simm.s32 $0x3  }
0x12: {  	_ =	swait.ge [sflag:s1], $0x150  }
0x13: {  	[sflag:s1] =	ssyncset.done $0x0  }
0x14: {  	[sflag:s1] =	ssyncadd.s32 $0xFFFFFEB0  }
0x15: {  	_ =	swait.ge [sflag:s23], $0x150  }
0x16: {  	s25 =	sadd.s32 $0x1, s25;
	s30 =	rddreg [dreg:$0x7]  }
0x17: {  	p0 =	sne.s32 s25, s30  }
.Ltmp1:
0x18: {  	_ = 	snop;
	(pc) =	sbr.rel @!p0 .LBB2_13-.Ltmp1, $3  }
0x19: {  	_ =	sdelay $0x1  }
0x1a: {  	[sflag:s23] =	ssyncset.done $0x0  }
0x1b: {  	[sflag:s23] =	ssyncadd.s32 $0xFFFFFEB0  }
.LBB2_1:
0x1c: {  	s1 =	rddreg [dreg:$0x4]  }
0x1d: {  	[tilespmem:s2], [sflag:$0x5] =	stream.linear.gather [hbm4b:s1+s2], $0x200, $0x38;
	[tilespmem:$0xFE20] =	vst v63  }
0x1e: {  	_ =	swait.ge [sflag:s11], $0x200  }
0x1f: {  	[sflag:s11] =	ssyncset.done $0x0  }
0x20: {  	s6 =	simm.s32 $0x200;
	s10 =	rddreg [dreg:$0x5];
	[sflag:s11] =	ssyncadd.s32 $0xFFFFFE00  }
0x21: {  	[tilespmem:s6], [sflag:$0x5] =	stream.linear.gather [hbm4b:s10+s2], $0x200, $0x38;
	[tilespmem:$0xFE20] =	vst v63  }
0x22: {  	_ =	swait.ge [sflag:s11], $0x200  }
0x23: {  	[sflag:s11] =	ssyncset.done $0x0  }
0x24: {  	s7 =	simm.s32 $0x400;
	s12 =	rddreg [dreg:$0x6];
	[sflag:s11] =	ssyncadd.s32 $0xFFFFFE00  }
0x25: {  	[tilespmem:s7], [sflag:$0x5] =	stream.linear.gather [hbm4b:s12+s2], $0x2800, $0x38;
	[tilespmem:$0xFE20] =	vst v63  }
0x26: {  	_ =	swait.ge [sflag:s11], $0x2800  }
0x27: {  	[sflag:s11] =	ssyncset.done $0x0  }
0x28: {  	s13 =	simm.s32 $0x2C00;
	[sflag:s11] =	ssyncadd.s32 $0xFFFFD800  }
0x29: {  	[tilespmem:s13], [sflag:$0x1] =	stream.indirect.gather [hbm4b:s3+s14], $0x40, s2, s14, $0xb8;
	[tilespmem:$0xFE20] =	vst v63  }
0x2a: {  	s22 =	simm.s32 $0x3000  }
0x2b: {  	[tilespmem:s22], [sflag:$0x1] =	stream.indirect.gather [hbm4b:s4+s14], $0x40, s6, s14, $0xb8;
	[tilespmem:$0xFE20] =	vst v63  }
0x2c: {  	s30 =	simm.s32 $0x3400  }
0x2d: {  	[tilespmem:s30], [sflag:$0x1] =	stream.indirect.gather [hbm4b:s4+s17], $0x40, s7, s17, $0xb8;
	[tilespmem:$0xFE20] =	vst v63  }
0x2e: {  	s6 =	simm.s32 $0x480;
	s7 =	simm.s32 $0x5400  }
0x2f: {  	[tilespmem:s7], [sflag:$0x1] =	stream.indirect.gather [hbm4b:s4+s17], $0x40, s6, s17, $0xb8;
	[tilespmem:$0xFE20] =	vst v63  }
0x30: {  	s8 =	simm.s32 $0x500;
	s10 =	simm.s32 $0x7400  }
0x31: {  	[tilespmem:s10], [sflag:$0x1] =	stream.indirect.gather [hbm4b:s4+s21], $0x40, s8, s21, $0xb8;
	[tilespmem:$0xFE20] =	vst v63  }
0x32: {  	_ = 	snop  }
0x33: {  	[tilespmem:s24], [sflag:$0x2] =	stream.indirect.gather [hbm4b:s3+s14], $0x40, s14, s14, $0xb8;
	[tilespmem:$0xFE20] =	vst v63  }
0x34: {  	s12 =	simm.s32 $0x210  }
0x35: {  	[tilespmem:s26], [sflag:$0x2] =	stream.indirect.gather [hbm4b:s4+s14], $0x40, s12, s14, $0xb8;
	[tilespmem:$0xFE20] =	vst v63  }
0x36: {  	s13 =	simm.s32 $0x540  }
0x37: {  	[tilespmem:s29], [sflag:$0x2] =	stream.indirect.gather [hbm4b:s4+s17], $0x40, s13, s17, $0xb8;
	[tilespmem:$0xFE20] =	vst v63  }
0x38: {  	s22 =	simm.s32 $0x5C0  }
0x39: {  	[tilespmem:s31], [sflag:$0x2] =	stream.indirect.gather [hbm4b:s4+s17], $0x40, s22, s17, $0xb8;
	[tilespmem:$0xFE20] =	vst v63  }
0x3a: {  	s28 =	simm.s32 $0x0;
	s30 =	simm.s32 $0x640  }
0x3b: {  	[tilespmem:s0], [sflag:$0x2] =	stream.indirect.gather [hbm4b:s4+s21], $0x40, s30, s21, $0xb8;
	[tilespmem:$0xFE20] =	vst v63  }
.LBB2_2:
0x3c: {  	_ =	swait.ge [sflag:s15], $0x400  }
0x3d: {  	[sflag:s15] =	ssyncset.done $0x0  }
0x3e: {  	[sflag:s15] =	ssyncadd.s32 $0xFFFFFC00  }
0x3f: {  	_ =	swait.ge [sflag:s15], $0x400  }
0x40: {  	[sflag:s15] =	ssyncset.done $0x0  }
0x41: {  	[sflag:s15] =	ssyncadd.s32 $0xFFFFFC00  }
0x42: {  	_ =	swait.ge [sflag:s15], $0x2000  }
0x43: {  	[sflag:s15] =	ssyncset.done $0x0  }
0x44: {  	[sflag:s15] =	ssyncadd.s32 $0xFFFFE000  }
0x45: {  	_ =	swait.ge [sflag:s15], $0x2000  }
0x46: {  	[sflag:s15] =	ssyncset.done $0x0  }
0x47: {  	[sflag:s15] =	ssyncadd.s32 $0xFFFFE000  }
0x48: {  	_ =	swait.ge [sflag:s15], $0x1000  }
0x49: {  	p0 =	seq.s32 s28, $0x0;
	[sflag:s15] =	ssyncset.done $0x0  }
0x4a: {  	s1 =	simm.s32 @!p0 $0x3;
	[sflag:s15] =	ssyncadd.s32 $0xFFFFF000  }
0x4b: {  	_ =	swait.ge @!p0 [sflag:s1], $0x150  }
0x4c: {  	[sflag:s1] =	ssyncset.done @!p0 $0x0  }
0x4d: {  	s22 =	simm.s32 $0x0;
	[sflag:s1] =	ssyncadd.s32 @!p0 $0xFFFFFEB0  }
0x4e: {  	v20 =	vld [tilespmem:s22+$0x3000]  }
0x4f: {  	v16 =	vld [tilespmem:s22+$0x2C10]  }
0x50: {  	v21 =	vld [tilespmem:s22+$0x3010]  }
0x51: {  	v19 =	vld [tilespmem:s22+$0x2C00]  }
0x52: {  	v22 =	vld [tilespmem:s22+$0x3020]  }
0x53: {  	v17 =	vld [tilespmem:s22+$0x2C20]  }
0x54: {  	v23 =	vld [tilespmem:s22+$0x3030]  }
0x55: {  	v18 =	vld [tilespmem:s22+$0x2C30]  }
0x56: {  	v20 =	vmul.f32 v20, v19;
	v21 =	vmul.f32 v21, v16;
	_ =	sdelay $0x1  }
0x57: {  	v20 =	vadd.f32 v21, v20;
	v21 =	vmul.f32 v22, v17;
	_ =	sdelay $0x1  }
0x58: {  	v20 =	vadd.f32 v21, v20;
	v21 =	vmul.f32 v23, v18;
	_ =	sdelay $0x1  }
0x59: {  	v20 =	vadd.f32 v21, v20  }
0x5a: {  	s1 =	simm.s32 $0xDCF0  }
0x5b: {  	s12 =	simm.s32 $0x3680;
	[tilespmem:s1+$0xFFFFFF10] =	vst v20  }
0x5c: {  	v20 =	vld [tilespmem:s12+$0xFFFFFD80]  }
0x5d: {  	v21 =	vld [tilespmem:s12+$0xFFFFFD90];
	_ =	sdelay $0x1  }
0x5e: {  	v22 =	vld [tilespmem:s12+$0xFFFFFDA0];
	_ =	sdelay $0x1  }
0x5f: {  	v23 =	vld [tilespmem:s12+$0xFFFFFDB0]  }
0x60: {  	v20 =	vmul.f32 v20, v19;
	v21 =	vmul.f32 v21, v16;
	_ =	sdelay $0x1  }
0x61: {  	v20 =	vadd.f32 v21, v20;
	v21 =	vmul.f32 v22, v17;
	_ =	sdelay $0x1  }
0x62: {  	v20 =	vadd.f32 v21, v20;
	v21 =	vmul.f32 v23, v18;
	_ =	sdelay $0x1  }
0x63: {  	v20 =	vadd.f32 v21, v20;
	_ =	sdelay $0x1  }
0x64: {  	[tilespmem:s1+$0xFFFFFF28] =	vst v20  }
0x65: {  	v20 =	vld [tilespmem:s12+$0xFFFFFDC0]  }
0x66: {  	v21 =	vld [tilespmem:s12+$0xFFFFFDD0];
	_ =	sdelay $0x1  }
0x67: {  	v22 =	vld [tilespmem:s12+$0xFFFFFDE0];
	_ =	sdelay $0x1  }
0x68: {  	v23 =	vld [tilespmem:s12+$0xFFFFFDF0]  }
0x69: {  	v20 =	vmul.f32 v20, v19;
	v21 =	vmul.f32 v21, v16;
	_ =	sdelay $0x1  }
0x6a: {  	v20 =	vadd.f32 v21, v20;
	v21 =	vmul.f32 v22, v17;
	_ =	sdelay $0x1  }
0x6b: {  	v20 =	vadd.f32 v21, v20;
	v21 =	vmul.f32 v23, v18;
	_ =	sdelay $0x1  }
0x6c: {  	v20 =	vadd.f32 v21, v20;
	_ =	sdelay $0x1  }
0x6d: {  	[tilespmem:s1+$0xFFFFFF40] =	vst v20  }
0x6e: {  	v20 =	vld [tilespmem:s12+$0xFFFFFE00]  }
0x6f: {  	v21 =	vld [tilespmem:s12+$0xFFFFFE10];
	_ =	sdelay $0x1  }
0x70: {  	v22 =	vld [tilespmem:s12+$0xFFFFFE20];
	_ =	sdelay $0x1  }
0x71: {  	v23 =	vld [tilespmem:s12+$0xFFFFFE30]  }
0x72: {  	v20 =	vmul.f32 v20, v19;
	v21 =	vmul.f32 v21, v16;
	_ =	sdelay $0x1  }
0x73: {  	v22 =	vmul.f32 v22, v17;
	v20 =	vadd.f32 v21, v20;
	_ =	sdelay $0x1  }
0x74: {  	v21 =	vmul.f32 v23, v18;
	v20 =	vadd.f32 v22, v20;
	_ =	sdelay $0x1  }
0x75: {  	v20 =	vadd.f32 v21, v20;
	_ =	sdelay $0x1  }
0x76: {  	[tilespmem:s1+$0xFFFFFF58] =	vst v20  }
0x77: {  	v20 =	vld [tilespmem:s12+$0xFFFFFE40]  }
0x78: {  	v21 =	vld [tilespmem:s12+$0xFFFFFE50];
	_ =	sdelay $0x1  }
0x79: {  	v22 =	vld [tilespmem:s12+$0xFFFFFE60];
	_ =	sdelay $0x1  }
0x7a: {  	v23 =	vld [tilespmem:s12+$0xFFFFFE70]  }
0x7b: {  	v20 =	vmul.f32 v20, v19;
	v21 =	vmul.f32 v21, v16;
	_ =	sdelay $0x1  }
0x7c: {  	v20 =	vadd.f32 v21, v20;
	v21 =	vmul.f32 v22, v17;
	_ =	sdelay $0x1  }
0x7d: {  	v20 =	vadd.f32 v21, v20;
	v21 =	vmul.f32 v23, v18;
	_ =	sdelay $0x1  }
0x7e: {  	v20 =	vadd.f32 v21, v20;
	_ =	sdelay $0x1  }
0x7f: {  	[tilespmem:s1+$0xFFFFFF70] =	vst v20  }
0x80: {  	v20 =	vld [tilespmem:s12+$0xFFFFFE80]  }
0x81: {  	v21 =	vld [tilespmem:s12+$0xFFFFFE90];
	_ =	sdelay $0x1  }
0x82: {  	v22 =	vld [tilespmem:s12+$0xFFFFFEA0];
	_ =	sdelay $0x1  }
0x83: {  	v23 =	vld [tilespmem:s12+$0xFFFFFEB0]  }
0x84: {  	v20 =	vmul.f32 v20, v19;
	v21 =	vmul.f32 v21, v16;
	_ =	sdelay $0x1  }
0x85: {  	v22 =	vmul.f32 v22, v17;
	v20 =	vadd.f32 v21, v20;
	_ =	sdelay $0x1  }
0x86: {  	v21 =	vmul.f32 v23, v18;
	v20 =	vadd.f32 v22, v20;
	_ =	sdelay $0x1  }
0x87: {  	v20 =	vadd.f32 v21, v20;
	_ =	sdelay $0x1  }
0x88: {  	[tilespmem:s1+$0xFFFFFF88] =	vst v20  }
0x89: {  	v20 =	vld [tilespmem:s12+$0xFFFFFEC0]  }
0x8a: {  	v21 =	vld [tilespmem:s12+$0xFFFFFED0];
	_ =	sdelay $0x1  }
0x8b: {  	v22 =	vld [tilespmem:s12+$0xFFFFFEE0];
	_ =	sdelay $0x1  }
0x8c: {  	v23 =	vld [tilespmem:s12+$0xFFFFFEF0]  }
0x8d: {  	v20 =	vmul.f32 v20, v19;
	v21 =	vmul.f32 v21, v16;
	_ =	sdelay $0x1  }
0x8e: {  	v22 =	vmul.f32 v22, v17;
	v20 =	vadd.f32 v21, v20;
	_ =	sdelay $0x1  }
0x8f: {  	v21 =	vmul.f32 v23, v18;
	v20 =	vadd.f32 v22, v20;
	_ =	sdelay $0x1  }
0x90: {  	v20 =	vadd.f32 v21, v20;
	_ =	sdelay $0x1  }
0x91: {  	[tilespmem:s1+$0xFFFFFFA0] =	vst v20  }
0x92: {  	v20 =	vld [tilespmem:s12+$0xFFFFFF00]  }
0x93: {  	v21 =	vld [tilespmem:s12+$0xFFFFFF10];
	_ =	sdelay $0x1  }
0x94: {  	v22 =	vld [tilespmem:s12+$0xFFFFFF20];
	_ =	sdelay $0x1  }
0x95: {  	v23 =	vld [tilespmem:s12+$0xFFFFFF30]  }
0x96: {  	v20 =	vmul.f32 v20, v19;
	v21 =	vmul.f32 v21, v16;
	_ =	sdelay $0x1  }
0x97: {  	v22 =	vmul.f32 v22, v17;
	v20 =	vadd.f32 v21, v20;
	_ =	sdelay $0x1  }
0x98: {  	v21 =	vmul.f32 v23, v18;
	v20 =	vadd.f32 v22, v20;
	_ =	sdelay $0x1  }
0x99: {  	v20 =	vadd.f32 v21, v20;
	_ =	sdelay $0x1  }
0x9a: {  	[tilespmem:s1+$0xFFFFFFB8] =	vst v20  }
0x9b: {  	v20 =	vld [tilespmem:s12+$0xFFFFFF40]  }
0x9c: {  	v21 =	vld [tilespmem:s12+$0xFFFFFF50];
	_ =	sdelay $0x1  }
0x9d: {  	v22 =	vld [tilespmem:s12+$0xFFFFFF60];
	_ =	sdelay $0x1  }
0x9e: {  	v23 =	vld [tilespmem:s12+$0xFFFFFF70]  }
0x9f: {  	v20 =	vmul.f32 v20, v19;
	v21 =	vmul.f32 v21, v16;
	_ =	sdelay $0x1  }
0xa0: {  	v22 =	vmul.f32 v22, v17;
	v20 =	vadd.f32 v21, v20;
	_ =	sdelay $0x1  }
0xa1: {  	v21 =	vmul.f32 v23, v18;
	v20 =	vadd.f32 v22, v20;
	_ =	sdelay $0x1  }
0xa2: {  	v20 =	vadd.f32 v21, v20;
	_ =	sdelay $0x1  }
0xa3: {  	[tilespmem:s1+$0xFFFFFFD0] =	vst v20  }
0xa4: {  	v20 =	vld [tilespmem:s12+$0xFFFFFF80]  }
0xa5: {  	v21 =	vld [tilespmem:s12+$0xFFFFFF90];
	_ =	sdelay $0x1  }
0xa6: {  	v22 =	vld [tilespmem:s12+$0xFFFFFFA0];
	_ =	sdelay $0x1  }
0xa7: {  	v23 =	vld [tilespmem:s12+$0xFFFFFFB0]  }
0xa8: {  	v20 =	vmul.f32 v20, v19;
	v21 =	vmul.f32 v21, v16;
	_ =	sdelay $0x1  }
0xa9: {  	v20 =	vadd.f32 v21, v20;
	v21 =	vmul.f32 v22, v17;
	_ =	sdelay $0x1  }
0xaa: {  	v22 =	vmul.f32 v23, v18;
	v20 =	vadd.f32 v21, v20;
	_ =	sdelay $0x1  }
0xab: {  	v20 =	vadd.f32 v22, v20;
	_ =	sdelay $0x1  }
0xac: {  	[tilespmem:s1+$0xFFFFFFE8] =	vst v20  }
0xad: {  	v20 =	vld [tilespmem:s12+$0xFFFFFFC0]  }
0xae: {  	v21 =	vld [tilespmem:s12+$0xFFFFFFD0];
	_ =	sdelay $0x1  }
0xaf: {  	v22 =	vld [tilespmem:s12+$0xFFFFFFE0];
	_ =	sdelay $0x1  }
0xb0: {  	v23 =	vld [tilespmem:s12+$0xFFFFFFF0]  }
0xb1: {  	v20 =	vmul.f32 v20, v19;
	v21 =	vmul.f32 v21, v16;
	_ =	sdelay $0x1  }
0xb2: {  	v22 =	vmul.f32 v22, v17;
	v20 =	vadd.f32 v21, v20;
	_ =	sdelay $0x1  }
0xb3: {  	v21 =	vmul.f32 v23, v18;
	v20 =	vadd.f32 v22, v20;
	_ =	sdelay $0x1  }
0xb4: {  	v20 =	vadd.f32 v21, v20;
	_ =	sdelay $0x1  }
0xb5: {  	[tilespmem:s1+$0x0] =	vst v20  }
0xb6: {  	v20 =	vld [tilespmem:s12+$0x0]  }
0xb7: {  	v21 =	vld [tilespmem:s12+$0x10];
	_ =	sdelay $0x1  }
0xb8: {  	v22 =	vld [tilespmem:s12+$0x20];
	_ =	sdelay $0x1  }
0xb9: {  	v23 =	vld [tilespmem:s12+$0x30]  }
0xba: {  	v20 =	vmul.f32 v20, v19;
	v21 =	vmul.f32 v21, v16;
	_ =	sdelay $0x1  }
0xbb: {  	v22 =	vmul.f32 v22, v17;
	v20 =	vadd.f32 v21, v20;
	_ =	sdelay $0x1  }
0xbc: {  	v21 =	vmul.f32 v23, v18;
	v20 =	vadd.f32 v22, v20;
	_ =	sdelay $0x1  }
0xbd: {  	v20 =	vadd.f32 v21, v20;
	_ =	sdelay $0x1  }
0xbe: {  	[tilespmem:s1+$0x18] =	vst v20  }
0xbf: {  	v20 =	vld [tilespmem:s12+$0x40]  }
0xc0: {  	v21 =	vld [tilespmem:s12+$0x50];
	_ =	sdelay $0x1  }
0xc1: {  	v22 =	vld [tilespmem:s12+$0x60];
	_ =	sdelay $0x1  }
0xc2: {  	v23 =	vld [tilespmem:s12+$0x70]  }
0xc3: {  	v20 =	vmul.f32 v20, v19;
	v21 =	vmul.f32 v21, v16;
	_ =	sdelay $0x1  }
0xc4: {  	v22 =	vmul.f32 v22, v17;
	v20 =	vadd.f32 v21, v20;
	_ =	sdelay $0x1  }
0xc5: {  	v21 =	vmul.f32 v23, v18;
	v20 =	vadd.f32 v22, v20;
	_ =	sdelay $0x1  }
0xc6: {  	v20 =	vadd.f32 v21, v20;
	_ =	sdelay $0x1  }
0xc7: {  	[tilespmem:s1+$0x30] =	vst v20  }
0xc8: {  	v20 =	vld [tilespmem:s12+$0x80]  }
0xc9: {  	v21 =	vld [tilespmem:s12+$0x90];
	_ =	sdelay $0x1  }
0xca: {  	v22 =	vld [tilespmem:s12+$0xA0];
	_ =	sdelay $0x1  }
0xcb: {  	v23 =	vld [tilespmem:s12+$0xB0]  }
0xcc: {  	v20 =	vmul.f32 v20, v19;
	v21 =	vmul.f32 v21, v16;
	_ =	sdelay $0x1  }
0xcd: {  	v20 =	vadd.f32 v21, v20;
	v21 =	vmul.f32 v22, v17;
	_ =	sdelay $0x1  }
0xce: {  	v22 =	vmul.f32 v23, v18;
	v20 =	vadd.f32 v21, v20;
	_ =	sdelay $0x1  }
0xcf: {  	v20 =	vadd.f32 v22, v20;
	_ =	sdelay $0x1  }
0xd0: {  	[tilespmem:s1+$0x48] =	vst v20  }
0xd1: {  	v20 =	vld [tilespmem:s12+$0xC0]  }
0xd2: {  	v21 =	vld [tilespmem:s12+$0xD0];
	_ =	sdelay $0x1  }
0xd3: {  	v22 =	vld [tilespmem:s12+$0xE0];
	_ =	sdelay $0x1  }
0xd4: {  	v23 =	vld [tilespmem:s12+$0xF0]  }
0xd5: {  	v20 =	vmul.f32 v20, v19;
	v21 =	vmul.f32 v21, v16;
	_ =	sdelay $0x1  }
0xd6: {  	v20 =	vadd.f32 v21, v20;
	v21 =	vmul.f32 v22, v17;
	_ =	sdelay $0x1  }
0xd7: {  	v20 =	vadd.f32 v21, v20;
	v21 =	vmul.f32 v23, v18;
	_ =	sdelay $0x1  }
0xd8: {  	v20 =	vadd.f32 v21, v20;
	_ =	sdelay $0x1  }
0xd9: {  	[tilespmem:s1+$0x60] =	vst v20  }
0xda: {  	v20 =	vld [tilespmem:s12+$0x100]  }
0xdb: {  	v21 =	vld [tilespmem:s12+$0x110];
	_ =	sdelay $0x1  }
0xdc: {  	v22 =	vld [tilespmem:s12+$0x120];
	_ =	sdelay $0x1  }
0xdd: {  	v23 =	vld [tilespmem:s12+$0x130]  }
0xde: {  	v20 =	vmul.f32 v20, v19;
	v21 =	vmul.f32 v21, v16;
	_ =	sdelay $0x1  }
0xdf: {  	v22 =	vmul.f32 v22, v17;
	v20 =	vadd.f32 v21, v20;
	_ =	sdelay $0x1  }
0xe0: {  	v21 =	vmul.f32 v23, v18;
	v20 =	vadd.f32 v22, v20;
	_ =	sdelay $0x1  }
0xe1: {  	v20 =	vadd.f32 v21, v20;
	_ =	sdelay $0x1  }
0xe2: {  	[tilespmem:s1+$0x78] =	vst v20  }
0xe3: {  	v20 =	vld [tilespmem:s12+$0x140]  }
0xe4: {  	v21 =	vld [tilespmem:s12+$0x150];
	_ =	sdelay $0x1  }
0xe5: {  	v22 =	vld [tilespmem:s12+$0x160];
	_ =	sdelay $0x1  }
0xe6: {  	v23 =	vld [tilespmem:s12+$0x170]  }
0xe7: {  	v20 =	vmul.f32 v20, v19;
	v21 =	vmul.f32 v21, v16;
	_ =	sdelay $0x1  }
0xe8: {  	v22 =	vmul.f32 v22, v17;
	v20 =	vadd.f32 v21, v20;
	_ =	sdelay $0x1  }
0xe9: {  	v21 =	vmul.f32 v23, v18;
	v20 =	vadd.f32 v22, v20;
	_ =	sdelay $0x1  }
0xea: {  	v20 =	vadd.f32 v21, v20;
	_ =	sdelay $0x1  }
0xeb: {  	[tilespmem:s1+$0x90] =	vst v20  }
0xec: {  	v20 =	vld [tilespmem:s12+$0x180]  }
0xed: {  	v21 =	vld [tilespmem:s12+$0x190];
	_ =	sdelay $0x1  }
0xee: {  	v22 =	vld [tilespmem:s12+$0x1A0];
	_ =	sdelay $0x1  }
0xef: {  	v23 =	vld [tilespmem:s12+$0x1B0]  }
0xf0: {  	v20 =	vmul.f32 v20, v19;
	v21 =	vmul.f32 v21, v16;
	_ =	sdelay $0x1  }
0xf1: {  	v22 =	vmul.f32 v22, v17;
	v20 =	vadd.f32 v21, v20;
	_ =	sdelay $0x1  }
0xf2: {  	v21 =	vmul.f32 v23, v18;
	v20 =	vadd.f32 v22, v20;
	_ =	sdelay $0x1  }
0xf3: {  	v20 =	vadd.f32 v21, v20;
	_ =	sdelay $0x1  }
0xf4: {  	[tilespmem:s1+$0xA8] =	vst v20  }
0xf5: {  	v20 =	vld [tilespmem:s12+$0x1C0]  }
0xf6: {  	v21 =	vld [tilespmem:s12+$0x1D0];
	_ =	sdelay $0x1  }
0xf7: {  	v22 =	vld [tilespmem:s12+$0x1E0];
	_ =	sdelay $0x1  }
0xf8: {  	v23 =	vld [tilespmem:s12+$0x1F0]  }
0xf9: {  	v20 =	vmul.f32 v20, v19;
	v21 =	vmul.f32 v21, v16;
	_ =	sdelay $0x1  }
0xfa: {  	v22 =	vmul.f32 v22, v17;
	v20 =	vadd.f32 v21, v20;
	_ =	sdelay $0x1  }
0xfb: {  	v21 =	vmul.f32 v23, v18;
	v20 =	vadd.f32 v22, v20;
	_ =	sdelay $0x1  }
0xfc: {  	v20 =	vadd.f32 v21, v20;
	_ =	sdelay $0x1  }
0xfd: {  	[tilespmem:s1+$0xC0] =	vst v20  }
0xfe: {  	v23 =	vld [tilespmem:s12+$0x200]  }
0xff: {  	v21 =	vld [tilespmem:s12+$0x210]  }
0x100: {  	v22 =	vld [tilespmem:s12+$0x220]  }
0x101: {  	v20 =	vld [tilespmem:s12+$0x230]  }
0x102: {  	s30 =	sshll.u32 s28, $0x1;
	s6 =	simm.s32 $0x0  }
0x103: {  	s8 =	simm.s32 $0x100;
	s13 =	simm.s32 $0xDCF0;
	s7 =	simm.s32 $0x3680;
	v23 =	vmul.f32 v23, v19  }
.LBB2_3:
0x104: {  	p1 =	sne.s32 s8, $0xF00;
	v21 =	vmul.f32 v21, v16;
	s12 =	sadd.s32 $0x500, s12;
	s1 =	sadd.s32 $0x1F8, s1  }
0x105: {  	s10 =	smov.u32 s8;
	s8 =	sadd.s32 $0x100, s8;
	v22 =	vmul.f32 v22, v17  }
0x106: {  	v21 =	vadd.f32 v21, v23;
	v20 =	vmul.f32 v20, v18;
	_ =	sdelay $0x1  }
0x107: {  	v21 =	vadd.f32 v22, v21;
	_ =	sdelay $0x1  }
0x108: {  	v20 =	vadd.f32 v20, v21;
	_ =	sdelay $0x1  }
0x109: {  	[tilespmem:s13+$0xD8] =	vst v20  }
0x10a: {  	v20 =	vld [tilespmem:s7+$0x240]  }
0x10b: {  	v21 =	vld [tilespmem:s7+$0x250]  }
0x10c: {  	v22 =	vld [tilespmem:s7+$0x260]  }
0x10d: {  	v23 =	vld [tilespmem:s7+$0x270];
	s7 =	smov.u32 s12;
	_ =	sdelay $0x1  }
0x10e: {  	v19 =	vmul.f32 v20, v19  }
0x10f: {  	v16 =	vmul.f32 v21, v16  }
0x110: {  	v17 =	vmul.f32 v22, v17  }
0x111: {  	v16 =	vadd.f32 v16, v19;
	v18 =	vmul.f32 v23, v18;
	_ =	sdelay $0x1  }
0x112: {  	v16 =	vadd.f32 v17, v16;
	_ =	sdelay $0x1  }
0x113: {  	v16 =	vadd.f32 v18, v16;
	_ =	sdelay $0x1  }
0x114: {  	s10 =	sshra.s32 s10, $0x2;
	[tilespmem:s13+$0xF0] =	vst v16;
	s13 =	smov.u32 s1  }
0x115: {  	v20 =	vld [tilespmem:s10+$0x3000]  }
0x116: {  	v16 =	vld [tilespmem:s10+$0x2C10]  }
0x117: {  	v21 =	vld [tilespmem:s10+$0x3010]  }
0x118: {  	v19 =	vld [tilespmem:s10+$0x2C00]  }
0x119: {  	v22 =	vld [tilespmem:s10+$0x3020]  }
0x11a: {  	v17 =	vld [tilespmem:s10+$0x2C20]  }
0x11b: {  	v23 =	vld [tilespmem:s10+$0x3030]  }
0x11c: {  	v18 =	vld [tilespmem:s10+$0x2C30]  }
0x11d: {  	v21 =	vmul.f32 v21, v16;
	v20 =	vmul.f32 v20, v19;
	_ =	sdelay $0x1  }
0x11e: {  	v20 =	vadd.f32 v21, v20;
	v21 =	vmul.f32 v22, v17;
	_ =	sdelay $0x1  }
0x11f: {  	v20 =	vadd.f32 v21, v20;
	v21 =	vmul.f32 v23, v18;
	_ =	sdelay $0x1  }
0x120: {  	v20 =	vadd.f32 v21, v20;
	_ =	sdelay $0x1  }
0x121: {  	[tilespmem:s1+$0xFFFFFF10] =	vst v20  }
0x122: {  	v20 =	vld [tilespmem:s12+$0xFFFFFD80]  }
0x123: {  	v21 =	vld [tilespmem:s12+$0xFFFFFD90];
	_ =	sdelay $0x1  }
0x124: {  	v22 =	vld [tilespmem:s12+$0xFFFFFDA0];
	_ =	sdelay $0x1  }
0x125: {  	v20 =	vmul.f32 v20, v19;
	v23 =	vld [tilespmem:s12+$0xFFFFFDB0]  }
0x126: {  	v21 =	vmul.f32 v21, v16;
	_ =	sdelay $0x1  }
0x127: {  	v20 =	vadd.f32 v21, v20;
	v21 =	vmul.f32 v22, v17;
	_ =	sdelay $0x1  }
0x128: {  	v20 =	vadd.f32 v21, v20;
	v21 =	vmul.f32 v23, v18;
	_ =	sdelay $0x1  }
0x129: {  	v20 =	vadd.f32 v21, v20;
	_ =	sdelay $0x1  }
0x12a: {  	[tilespmem:s1+$0xFFFFFF28] =	vst v20  }
0x12b: {  	v20 =	vld [tilespmem:s12+$0xFFFFFDC0]  }
0x12c: {  	v21 =	vld [tilespmem:s12+$0xFFFFFDD0];
	_ =	sdelay $0x1  }
0x12d: {  	v22 =	vld [tilespmem:s12+$0xFFFFFDE0];
	_ =	sdelay $0x1  }
0x12e: {  	v20 =	vmul.f32 v20, v19;
	v23 =	vld [tilespmem:s12+$0xFFFFFDF0]  }
0x12f: {  	v21 =	vmul.f32 v21, v16;
	_ =	sdelay $0x1  }
0x130: {  	v20 =	vadd.f32 v21, v20;
	v21 =	vmul.f32 v22, v17;
	_ =	sdelay $0x1  }
0x131: {  	v20 =	vadd.f32 v21, v20;
	v21 =	vmul.f32 v23, v18;
	_ =	sdelay $0x1  }
0x132: {  	v20 =	vadd.f32 v21, v20;
	_ =	sdelay $0x1  }
0x133: {  	[tilespmem:s1+$0xFFFFFF40] =	vst v20  }
0x134: {  	v20 =	vld [tilespmem:s12+$0xFFFFFE00]  }
0x135: {  	v21 =	vld [tilespmem:s12+$0xFFFFFE10]  }
0x136: {  	v22 =	vld [tilespmem:s12+$0xFFFFFE20]  }
0x137: {  	v23 =	vld [tilespmem:s12+$0xFFFFFE30];
	_ =	sdelay $0x1  }
0x138: {  	v20 =	vmul.f32 v20, v19  }
0x139: {  	v21 =	vmul.f32 v21, v16  }
0x13a: {  	v22 =	vmul.f32 v22, v17  }
0x13b: {  	v20 =	vadd.f32 v21, v20;
	v21 =	vmul.f32 v23, v18;
	_ =	sdelay $0x1  }
0x13c: {  	v20 =	vadd.f32 v22, v20;
	_ =	sdelay $0x1  }
0x13d: {  	v20 =	vadd.f32 v21, v20;
	_ =	sdelay $0x1  }
0x13e: {  	[tilespmem:s1+$0xFFFFFF58] =	vst v20  }
0x13f: {  	v20 =	vld [tilespmem:s12+$0xFFFFFE40]  }
0x140: {  	v21 =	vld [tilespmem:s12+$0xFFFFFE50];
	_ =	sdelay $0x1  }
0x141: {  	v22 =	vld [tilespmem:s12+$0xFFFFFE60];
	_ =	sdelay $0x1  }
0x142: {  	v20 =	vmul.f32 v20, v19;
	v23 =	vld [tilespmem:s12+$0xFFFFFE70]  }
0x143: {  	v21 =	vmul.f32 v21, v16;
	_ =	sdelay $0x1  }
0x144: {  	v20 =	vadd.f32 v21, v20;
	v21 =	vmul.f32 v22, v17;
	_ =	sdelay $0x1  }
0x145: {  	v20 =	vadd.f32 v21, v20;
	v21 =	vmul.f32 v23, v18;
	_ =	sdelay $0x1  }
0x146: {  	v20 =	vadd.f32 v21, v20;
	_ =	sdelay $0x1  }
0x147: {  	[tilespmem:s1+$0xFFFFFF70] =	vst v20  }
0x148: {  	v20 =	vld [tilespmem:s12+$0xFFFFFE80]  }
0x149: {  	v21 =	vld [tilespmem:s12+$0xFFFFFE90]  }
0x14a: {  	v22 =	vld [tilespmem:s12+$0xFFFFFEA0]  }
0x14b: {  	v23 =	vld [tilespmem:s12+$0xFFFFFEB0];
	_ =	sdelay $0x1  }
0x14c: {  	v20 =	vmul.f32 v20, v19  }
0x14d: {  	v21 =	vmul.f32 v21, v16  }
0x14e: {  	v22 =	vmul.f32 v22, v17  }
0x14f: {  	v20 =	vadd.f32 v21, v20;
	v21 =	vmul.f32 v23, v18;
	_ =	sdelay $0x1  }
0x150: {  	v20 =	vadd.f32 v22, v20;
	_ =	sdelay $0x1  }
0x151: {  	v20 =	vadd.f32 v21, v20;
	_ =	sdelay $0x1  }
0x152: {  	[tilespmem:s1+$0xFFFFFF88] =	vst v20  }
0x153: {  	v20 =	vld [tilespmem:s12+$0xFFFFFEC0]  }
0x154: {  	v21 =	vld [tilespmem:s12+$0xFFFFFED0]  }
0x155: {  	v22 =	vld [tilespmem:s12+$0xFFFFFEE0]  }
0x156: {  	v23 =	vld [tilespmem:s12+$0xFFFFFEF0];
	_ =	sdelay $0x1  }
0x157: {  	v20 =	vmul.f32 v20, v19  }
0x158: {  	v21 =	vmul.f32 v21, v16  }
0x159: {  	v22 =	vmul.f32 v22, v17  }
0x15a: {  	v20 =	vadd.f32 v21, v20;
	v21 =	vmul.f32 v23, v18;
	_ =	sdelay $0x1  }
0x15b: {  	v20 =	vadd.f32 v22, v20;
	_ =	sdelay $0x1  }
0x15c: {  	v20 =	vadd.f32 v21, v20;
	_ =	sdelay $0x1  }
0x15d: {  	[tilespmem:s1+$0xFFFFFFA0] =	vst v20  }
0x15e: {  	v20 =	vld [tilespmem:s12+$0xFFFFFF00]  }
0x15f: {  	v21 =	vld [tilespmem:s12+$0xFFFFFF10]  }
0x160: {  	v22 =	vld [tilespmem:s12+$0xFFFFFF20]  }
0x161: {  	v23 =	vld [tilespmem:s12+$0xFFFFFF30];
	_ =	sdelay $0x1  }
0x162: {  	v20 =	vmul.f32 v20, v19  }
0x163: {  	v21 =	vmul.f32 v21, v16  }
0x164: {  	v22 =	vmul.f32 v22, v17  }
0x165: {  	v20 =	vadd.f32 v21, v20;
	v21 =	vmul.f32 v23, v18;
	_ =	sdelay $0x1  }
0x166: {  	v20 =	vadd.f32 v22, v20;
	_ =	sdelay $0x1  }
0x167: {  	v20 =	vadd.f32 v21, v20;
	_ =	sdelay $0x1  }
0x168: {  	[tilespmem:s1+$0xFFFFFFB8] =	vst v20  }
0x169: {  	v20 =	vld [tilespmem:s12+$0xFFFFFF40]  }
0x16a: {  	v21 =	vld [tilespmem:s12+$0xFFFFFF50]  }
0x16b: {  	v22 =	vld [tilespmem:s12+$0xFFFFFF60]  }
0x16c: {  	v23 =	vld [tilespmem:s12+$0xFFFFFF70];
	_ =	sdelay $0x1  }
0x16d: {  	v20 =	vmul.f32 v20, v19  }
0x16e: {  	v21 =	vmul.f32 v21, v16  }
0x16f: {  	v22 =	vmul.f32 v22, v17  }
0x170: {  	v20 =	vadd.f32 v21, v20;
	v21 =	vmul.f32 v23, v18;
	_ =	sdelay $0x1  }
0x171: {  	v20 =	vadd.f32 v22, v20;
	_ =	sdelay $0x1  }
0x172: {  	v20 =	vadd.f32 v21, v20;
	_ =	sdelay $0x1  }
0x173: {  	[tilespmem:s1+$0xFFFFFFD0] =	vst v20  }
0x174: {  	v20 =	vld [tilespmem:s12+$0xFFFFFF80]  }
0x175: {  	v21 =	vld [tilespmem:s12+$0xFFFFFF90]  }
0x176: {  	v22 =	vld [tilespmem:s12+$0xFFFFFFB0]  }
0x177: {  	v23 =	vld [tilespmem:s12+$0xFFFFFFA0];
	_ =	sdelay $0x1  }
0x178: {  	v20 =	vmul.f32 v20, v19  }
0x179: {  	v21 =	vmul.f32 v21, v16  }
0x17a: {  	v22 =	vmul.f32 v22, v18  }
0x17b: {  	v20 =	vadd.f32 v21, v20;
	v21 =	vmul.f32 v23, v17;
	_ =	sdelay $0x1  }
0x17c: {  	v20 =	vadd.f32 v21, v20;
	_ =	sdelay $0x1  }
0x17d: {  	v20 =	vadd.f32 v22, v20;
	_ =	sdelay $0x1  }
0x17e: {  	[tilespmem:s1+$0xFFFFFFE8] =	vst v20  }
0x17f: {  	v20 =	vld [tilespmem:s12+$0xFFFFFFC0]  }
0x180: {  	v21 =	vld [tilespmem:s12+$0xFFFFFFD0]  }
0x181: {  	v22 =	vld [tilespmem:s12+$0xFFFFFFE0]  }
0x182: {  	v23 =	vld [tilespmem:s12+$0xFFFFFFF0];
	_ =	sdelay $0x1  }
0x183: {  	v20 =	vmul.f32 v20, v19  }
0x184: {  	v21 =	vmul.f32 v21, v16  }
0x185: {  	v22 =	vmul.f32 v22, v17  }
0x186: {  	v20 =	vadd.f32 v21, v20;
	v21 =	vmul.f32 v23, v18;
	_ =	sdelay $0x1  }
0x187: {  	v20 =	vadd.f32 v22, v20;
	_ =	sdelay $0x1  }
0x188: {  	v20 =	vadd.f32 v21, v20;
	_ =	sdelay $0x1  }
0x189: {  	[tilespmem:s1+$0x0] =	vst v20  }
0x18a: {  	v20 =	vld [tilespmem:s12+$0x0]  }
0x18b: {  	v21 =	vld [tilespmem:s12+$0x10]  }
0x18c: {  	v22 =	vld [tilespmem:s12+$0x20]  }
0x18d: {  	v23 =	vld [tilespmem:s12+$0x30];
	_ =	sdelay $0x1  }
0x18e: {  	v20 =	vmul.f32 v20, v19  }
0x18f: {  	v21 =	vmul.f32 v21, v16  }
0x190: {  	v22 =	vmul.f32 v22, v17  }
0x191: {  	v20 =	vadd.f32 v21, v20;
	v21 =	vmul.f32 v23, v18;
	_ =	sdelay $0x1  }
0x192: {  	v20 =	vadd.f32 v22, v20;
	_ =	sdelay $0x1  }
0x193: {  	v20 =	vadd.f32 v21, v20;
	_ =	sdelay $0x1  }
0x194: {  	[tilespmem:s1+$0x18] =	vst v20  }
0x195: {  	v20 =	vld [tilespmem:s12+$0x40]  }
0x196: {  	v21 =	vld [tilespmem:s12+$0x50]  }
0x197: {  	v22 =	vld [tilespmem:s12+$0x60]  }
0x198: {  	v23 =	vld [tilespmem:s12+$0x70];
	_ =	sdelay $0x1  }
0x199: {  	v20 =	vmul.f32 v20, v19  }
0x19a: {  	v21 =	vmul.f32 v21, v16  }
0x19b: {  	v22 =	vmul.f32 v22, v17  }
0x19c: {  	v20 =	vadd.f32 v21, v20;
	v21 =	vmul.f32 v23, v18;
	_ =	sdelay $0x1  }
0x19d: {  	v20 =	vadd.f32 v22, v20;
	_ =	sdelay $0x1  }
0x19e: {  	v20 =	vadd.f32 v21, v20;
	_ =	sdelay $0x1  }
0x19f: {  	[tilespmem:s1+$0x30] =	vst v20  }
0x1a0: {  	v20 =	vld [tilespmem:s12+$0x80]  }
0x1a1: {  	v21 =	vld [tilespmem:s12+$0x90]  }
0x1a2: {  	v22 =	vld [tilespmem:s12+$0xA0]  }
0x1a3: {  	v23 =	vld [tilespmem:s12+$0xB0];
	_ =	sdelay $0x1  }
0x1a4: {  	v20 =	vmul.f32 v20, v19  }
0x1a5: {  	v21 =	vmul.f32 v21, v16;
	_ =	sdelay $0x1  }
0x1a6: {  	v20 =	vadd.f32 v21, v20;
	v21 =	vmul.f32 v22, v17;
	v22 =	vmul.f32 v23, v18;
	_ =	sdelay $0x1  }
0x1a7: {  	v20 =	vadd.f32 v21, v20;
	_ =	sdelay $0x1  }
0x1a8: {  	v20 =	vadd.f32 v22, v20;
	_ =	sdelay $0x1  }
0x1a9: {  	[tilespmem:s1+$0x48] =	vst v20  }
0x1aa: {  	v20 =	vld [tilespmem:s12+$0xC0]  }
0x1ab: {  	v21 =	vld [tilespmem:s12+$0xD0]  }
0x1ac: {  	v22 =	vld [tilespmem:s12+$0xF0]  }
0x1ad: {  	v23 =	vld [tilespmem:s12+$0xE0];
	_ =	sdelay $0x1  }
0x1ae: {  	v20 =	vmul.f32 v20, v19  }
0x1af: {  	v21 =	vmul.f32 v21, v16;
	_ =	sdelay $0x1  }
0x1b0: {  	v20 =	vadd.f32 v21, v20;
	v21 =	vmul.f32 v23, v17;
	_ =	sdelay $0x1  }
0x1b1: {  	v20 =	vadd.f32 v21, v20;
	v21 =	vmul.f32 v22, v18;
	_ =	sdelay $0x1  }
0x1b2: {  	v20 =	vadd.f32 v21, v20;
	_ =	sdelay $0x1  }
0x1b3: {  	[tilespmem:s1+$0x60] =	vst v20  }
0x1b4: {  	v20 =	vld [tilespmem:s12+$0x100]  }
0x1b5: {  	v21 =	vld [tilespmem:s12+$0x110]  }
0x1b6: {  	v22 =	vld [tilespmem:s12+$0x120]  }
0x1b7: {  	v23 =	vld [tilespmem:s12+$0x130];
	_ =	sdelay $0x1  }
0x1b8: {  	v20 =	vmul.f32 v20, v19  }
0x1b9: {  	v21 =	vmul.f32 v21, v16  }
0x1ba: {  	v22 =	vmul.f32 v22, v17  }
0x1bb: {  	v20 =	vadd.f32 v21, v20;
	v21 =	vmul.f32 v23, v18;
	_ =	sdelay $0x1  }
0x1bc: {  	v20 =	vadd.f32 v22, v20;
	_ =	sdelay $0x1  }
0x1bd: {  	v20 =	vadd.f32 v21, v20;
	_ =	sdelay $0x1  }
0x1be: {  	[tilespmem:s1+$0x78] =	vst v20  }
0x1bf: {  	v20 =	vld [tilespmem:s12+$0x140]  }
0x1c0: {  	v21 =	vld [tilespmem:s12+$0x150]  }
0x1c1: {  	v22 =	vld [tilespmem:s12+$0x160]  }
0x1c2: {  	v23 =	vld [tilespmem:s12+$0x170];
	_ =	sdelay $0x1  }
0x1c3: {  	v20 =	vmul.f32 v20, v19  }
0x1c4: {  	v21 =	vmul.f32 v21, v16  }
0x1c5: {  	v22 =	vmul.f32 v22, v17  }
0x1c6: {  	v20 =	vadd.f32 v21, v20;
	v21 =	vmul.f32 v23, v18;
	_ =	sdelay $0x1  }
0x1c7: {  	v20 =	vadd.f32 v22, v20;
	_ =	sdelay $0x1  }
0x1c8: {  	v20 =	vadd.f32 v21, v20;
	_ =	sdelay $0x1  }
0x1c9: {  	[tilespmem:s1+$0x90] =	vst v20  }
0x1ca: {  	v20 =	vld [tilespmem:s12+$0x180]  }
0x1cb: {  	v21 =	vld [tilespmem:s12+$0x190]  }
0x1cc: {  	v22 =	vld [tilespmem:s12+$0x1A0]  }
0x1cd: {  	v23 =	vld [tilespmem:s12+$0x1B0];
	_ =	sdelay $0x1  }
0x1ce: {  	v20 =	vmul.f32 v20, v19  }
0x1cf: {  	v21 =	vmul.f32 v21, v16  }
0x1d0: {  	v22 =	vmul.f32 v22, v17  }
0x1d1: {  	v20 =	vadd.f32 v21, v20;
	v21 =	vmul.f32 v23, v18;
	_ =	sdelay $0x1  }
0x1d2: {  	v20 =	vadd.f32 v22, v20;
	_ =	sdelay $0x1  }
0x1d3: {  	v20 =	vadd.f32 v21, v20;
	_ =	sdelay $0x1  }
0x1d4: {  	[tilespmem:s1+$0xA8] =	vst v20  }
0x1d5: {  	v20 =	vld [tilespmem:s12+$0x1C0]  }
0x1d6: {  	v21 =	vld [tilespmem:s12+$0x1D0]  }
0x1d7: {  	v22 =	vld [tilespmem:s12+$0x1E0]  }
0x1d8: {  	v23 =	vld [tilespmem:s12+$0x1F0];
	_ =	sdelay $0x1  }
0x1d9: {  	v20 =	vmul.f32 v20, v19  }
0x1da: {  	v21 =	vmul.f32 v21, v16  }
0x1db: {  	v22 =	vmul.f32 v22, v17  }
0x1dc: {  	v20 =	vadd.f32 v21, v20;
	v21 =	vmul.f32 v23, v18;
	_ =	sdelay $0x1  }
0x1dd: {  	v20 =	vadd.f32 v22, v20;
	_ =	sdelay $0x1  }
0x1de: {  	v20 =	vadd.f32 v21, v20;
	_ =	sdelay $0x1  }
0x1df: {  	[tilespmem:s1+$0xC0] =	vst v20  }
0x1e0: {  	v23 =	vld [tilespmem:s12+$0x200]  }
.Ltmp2:
0x1e1: {  	v21 =	vld [tilespmem:s12+$0x210];
	(pc) =	sbr.rel @p1 .LBB2_3-.Ltmp2, $3  }
0x1e2: {  	v22 =	vld [tilespmem:s12+$0x220]  }
0x1e3: {  	v20 =	vld [tilespmem:s12+$0x230];
	_ =	sdelay $0x1  }
0x1e4: {  	v23 =	vmul.f32 v23, v19  }
0x1e5: {  	v21 =	vmul.f32 v21, v16;
	_ =	sdelay $0x1  }
0x1e6: {  	v22 =	vmul.f32 v22, v17;
	v21 =	vadd.f32 v21, v23;
	_ =	sdelay $0x1  }
0x1e7: {  	v20 =	vmul.f32 v20, v18;
	v21 =	vadd.f32 v22, v21;
	_ =	sdelay $0x1  }
0x1e8: {  	v20 =	vadd.f32 v20, v21;
	_ =	sdelay $0x1  }
0x1e9: {  	[tilespmem:s13+$0xD8] =	vst v20  }
0x1ea: {  	v20 =	vld [tilespmem:s7+$0x240]  }
0x1eb: {  	v21 =	vld [tilespmem:s7+$0x250];
	_ =	sdelay $0x1  }
0x1ec: {  	v22 =	vld [tilespmem:s7+$0x260];
	_ =	sdelay $0x1  }
0x1ed: {  	v24 =	vmov s6;
	v23 =	vld [tilespmem:s7+$0x270]  }
0x1ee: {  	v19 =	vmul.f32 v20, v19;
	v16 =	vmul.f32 v21, v16;
	v20 =	vmul.u32 $0x18, v24;
	_ =	sdelay $0x1  }
0x1ef: {  	v17 =	vmul.f32 v22, v17;
	v16 =	vadd.f32 v16, v19;
	v19 =	vbroadcast v20, $0x0;
	_ =	sdelay $0x1  }
0x1f0: {  	v18 =	vmul.f32 v23, v18;
	v16 =	vadd.f32 v17, v16;
	v17 =	vadd.s32 v1, v19  }
0x1f1: {  	v20 =	vadd.s32 v0, v19  }
0x1f2: {  	v16 =	vadd.f32 v18, v16  }
0x1f3: {  	v18 =	vadd.s32 v2, v19  }
0x1f4: {  	[tilespmem:s13+$0xF0] =	vst v16  }
0x1f5: {  	v16 =	vld.idx.msk [tilespmem:v17+s16+$0x0], $0xffff;
	v17 =	vadd.s32 v3, v19  }
0x1f6: {  	v20 =	vld.idx.msk [tilespmem:v20+s16+$0x0], $0xffff  }
0x1f7: {  	v21 =	vadd.s32 v4, v19  }
0x1f8: {  	v18 =	vld.idx.msk [tilespmem:v18+s16+$0x0], $0xffff  }
0x1f9: {  	v22 =	vadd.s32 v5, v19  }
0x1fa: {  	v17 =	vld.idx.msk [tilespmem:v17+s16+$0x0], $0xffff  }
0x1fb: {  	v23 =	vadd.s32 v6, v19;
	v16 =	vadd.f32 v16, v20  }
0x1fc: {  	v20 =	vld.idx.msk [tilespmem:v21+s16+$0x0], $0xffff  }
0x1fd: {  	v21 =	vadd.s32 v7, v19;
	v16 =	vadd.f32 v18, v16  }
0x1fe: {  	v18 =	vld.idx.msk [tilespmem:v22+s16+$0x0], $0xffff  }
0x1ff: {  	v22 =	vadd.s32 v8, v19;
	v16 =	vadd.f32 v17, v16  }
0x200: {  	v17 =	vld.idx.msk [tilespmem:v23+s16+$0x0], $0xffff  }
0x201: {  	v23 =	vadd.s32 v9, v19;
	v16 =	vadd.f32 v20, v16  }
0x202: {  	v20 =	vld.idx.msk [tilespmem:v21+s16+$0x0], $0xffff  }
0x203: {  	v21 =	vadd.s32 v10, v19;
	v16 =	vadd.f32 v18, v16  }
0x204: {  	v18 =	vld.idx.msk [tilespmem:v22+s16+$0x0], $0xffff  }
0x205: {  	v22 =	vadd.s32 v11, v19;
	v16 =	vadd.f32 v17, v16  }
0x206: {  	v17 =	vld.idx.msk [tilespmem:v23+s16+$0x0], $0xffff  }
0x207: {  	v23 =	vadd.s32 v12, v19;
	v16 =	vadd.f32 v20, v16  }
0x208: {  	v20 =	vld.idx.msk [tilespmem:v21+s16+$0x0], $0xffff  }
0x209: {  	v21 =	vadd.s32 v13, v19;
	v16 =	vadd.f32 v18, v16  }
0x20a: {  	v18 =	vld.idx.msk [tilespmem:v22+s16+$0x0], $0xffff  }
0x20b: {  	v22 =	vadd.s32 v14, v19;
	v16 =	vadd.f32 v17, v16  }
0x20c: {  	v17 =	vld.idx.msk [tilespmem:v23+s16+$0x0], $0xffff  }
0x20d: {  	v19 =	vadd.s32 v15, v19;
	v16 =	vadd.f32 v20, v16  }
0x20e: {  	v20 =	vld.idx.msk [tilespmem:v21+s16+$0x0], $0xffff  }
0x20f: {  	s1 =	simm.s32 $0x10;
	v16 =	vadd.f32 v18, v16  }
0x210: {  	v21 =	vmov s1;
	v18 =	vld.idx.msk [tilespmem:v22+s16+$0x0], $0xffff  }
0x211: {  	v21 =	vmul.u32 $0x18, v21;
	v16 =	vadd.f32 v17, v16  }
0x212: {  	v17 =	vld.idx.msk [tilespmem:v19+s16+$0x0], $0xffff  }
0x213: {  	v19 =	vbroadcast v21, $0x0;
	v16 =	vadd.f32 v20, v16;
	_ =	sdelay $0x1  }
0x214: {  	v20 =	vadd.s32 v1, v19;
	v16 =	vadd.f32 v18, v16  }
0x215: {  	v18 =	vadd.s32 v0, v19  }
0x216: {  	v16 =	vadd.f32 v17, v16  }
0x217: {  	s1 =	simm.s32 $0xFB80;
	v17 =	vadd.s32 v2, v19  }
0x218: {  	[tilespmem:s1+$0x0] =	vst v16  }
0x219: {  	v16 =	vld.idx.msk [tilespmem:v20+s16+$0x0], $0xffff;
	v20 =	vadd.s32 v3, v19  }
0x21a: {  	v18 =	vld.idx.msk [tilespmem:v18+s16+$0x0], $0xffff  }
0x21b: {  	v21 =	vadd.s32 v4, v19  }
0x21c: {  	v17 =	vld.idx.msk [tilespmem:v17+s16+$0x0], $0xffff  }
0x21d: {  	v22 =	vadd.s32 v5, v19  }
0x21e: {  	v20 =	vld.idx.msk [tilespmem:v20+s16+$0x0], $0xffff  }
0x21f: {  	v23 =	vadd.s32 v6, v19;
	v16 =	vadd.f32 v16, v18  }
0x220: {  	v18 =	vld.idx.msk [tilespmem:v21+s16+$0x0], $0xffff  }
0x221: {  	v21 =	vadd.s32 v7, v19;
	v16 =	vadd.f32 v17, v16  }
0x222: {  	v17 =	vld.idx.msk [tilespmem:v22+s16+$0x0], $0xffff  }
0x223: {  	v22 =	vadd.s32 v8, v19;
	v16 =	vadd.f32 v20, v16  }
0x224: {  	v20 =	vld.idx.msk [tilespmem:v23+s16+$0x0], $0xffff  }
0x225: {  	v23 =	vadd.s32 v9, v19;
	v16 =	vadd.f32 v18, v16  }
0x226: {  	v18 =	vld.idx.msk [tilespmem:v21+s16+$0x0], $0xffff  }
0x227: {  	v21 =	vadd.s32 v10, v19;
	v16 =	vadd.f32 v17, v16  }
0x228: {  	v17 =	vld.idx.msk [tilespmem:v22+s16+$0x0], $0xffff  }
0x229: {  	v22 =	vadd.s32 v11, v19;
	v16 =	vadd.f32 v20, v16  }
0x22a: {  	v20 =	vld.idx.msk [tilespmem:v23+s16+$0x0], $0xffff  }
0x22b: {  	v23 =	vadd.s32 v12, v19;
	v16 =	vadd.f32 v18, v16  }
0x22c: {  	v18 =	vld.idx.msk [tilespmem:v21+s16+$0x0], $0xffff  }
0x22d: {  	v16 =	vadd.f32 v17, v16;
	v17 =	vadd.s32 v13, v19  }
0x22e: {  	v21 =	vld.idx.msk [tilespmem:v22+s16+$0x0], $0xffff  }
0x22f: {  	v22 =	vadd.s32 v14, v19;
	v16 =	vadd.f32 v20, v16  }
0x230: {  	v20 =	vld.idx.msk [tilespmem:v23+s16+$0x0], $0xffff;
	v23 =	vadd.s32 v15, v19  }
0x231: {  	v18 =	vadd.f32 v18, v16  }
0x232: {  	v16 =	vld.idx.msk [tilespmem:v17+s16+$0x0], $0xffff  }
0x233: {  	s22 =	simm.s32 $0x20;
	v18 =	vadd.f32 v21, v18  }
0x234: {  	v19 =	vmov s22;
	v17 =	vld.idx.msk [tilespmem:v22+s16+$0x0], $0xffff  }
0x235: {  	s6 =	simm.s32 $0x30;
	v19 =	vmul.u32 $0x18, v19;
	v20 =	vadd.f32 v20, v18;
	v18 =	vld.idx.msk [tilespmem:v23+s16+$0x0], $0xffff  }
.LBB2_5:
0x236: {  	p1 =	sne.s32 s6, $0x140  }
0x237: {  	v19 =	vbroadcast v19, $0x0;
	v16 =	vadd.f32 v16, v20;
	_ =	sdelay $0x1  }
0x238: {  	v20 =	vadd.s32 v1, v19;
	v16 =	vadd.f32 v17, v16  }
0x239: {  	v17 =	vadd.s32 v0, v19  }
0x23a: {  	v16 =	vadd.f32 v18, v16  }
0x23b: {  	s1 =	sadd.s32 $0x10, s1;
	v18 =	vadd.s32 v2, v19  }
0x23c: {  	[tilespmem:s1+$0x0] =	vst v16  }
0x23d: {  	v16 =	vld.idx.msk [tilespmem:v20+s16+$0x0], $0xffff;
	v20 =	vadd.s32 v3, v19  }
0x23e: {  	v17 =	vld.idx.msk [tilespmem:v17+s16+$0x0], $0xffff  }
0x23f: {  	v21 =	vadd.s32 v4, v19  }
0x240: {  	v18 =	vld.idx.msk [tilespmem:v18+s16+$0x0], $0xffff  }
0x241: {  	v22 =	vadd.s32 v5, v19  }
0x242: {  	v20 =	vld.idx.msk [tilespmem:v20+s16+$0x0], $0xffff  }
0x243: {  	v23 =	vadd.s32 v6, v19  }
0x244: {  	v16 =	vadd.f32 v16, v17;
	v17 =	vld.idx.msk [tilespmem:v21+s16+$0x0], $0xffff  }
0x245: {  	v21 =	vadd.s32 v7, v19  }
0x246: {  	v16 =	vadd.f32 v18, v16;
	v18 =	vld.idx.msk [tilespmem:v22+s16+$0x0], $0xffff  }
0x247: {  	v22 =	vadd.s32 v8, v19  }
0x248: {  	v16 =	vadd.f32 v20, v16;
	v20 =	vld.idx.msk [tilespmem:v23+s16+$0x0], $0xffff  }
0x249: {  	v23 =	vadd.s32 v9, v19  }
0x24a: {  	v16 =	vadd.f32 v17, v16;
	v17 =	vld.idx.msk [tilespmem:v21+s16+$0x0], $0xffff  }
0x24b: {  	v21 =	vadd.s32 v10, v19  }
0x24c: {  	v16 =	vadd.f32 v18, v16;
	v18 =	vld.idx.msk [tilespmem:v22+s16+$0x0], $0xffff  }
0x24d: {  	v22 =	vadd.s32 v11, v19  }
0x24e: {  	v16 =	vadd.f32 v20, v16;
	v20 =	vld.idx.msk [tilespmem:v23+s16+$0x0], $0xffff  }
0x24f: {  	v23 =	vadd.s32 v12, v19  }
0x250: {  	v16 =	vadd.f32 v17, v16;
	v17 =	vld.idx.msk [tilespmem:v21+s16+$0x0], $0xffff  }
0x251: {  	v21 =	vadd.s32 v13, v19  }
0x252: {  	v16 =	vadd.f32 v18, v16;
	v18 =	vld.idx.msk [tilespmem:v22+s16+$0x0], $0xffff  }
0x253: {  	v22 =	vadd.s32 v14, v19  }
0x254: {  	v16 =	vadd.f32 v20, v16;
	v20 =	vld.idx.msk [tilespmem:v23+s16+$0x0], $0xffff  }
0x255: {  	v23 =	vadd.s32 v15, v19  }
.Ltmp3:
0x256: {  	v17 =	vadd.f32 v17, v16;
	v16 =	vld.idx.msk [tilespmem:v21+s16+$0x0], $0xffff;
	(pc) =	sbr.rel @p1 .LBB2_5-.Ltmp3, $4  }
0x257: {  	_ = 	snop  }
0x258: {  	v18 =	vadd.f32 v18, v17;
	v17 =	vld.idx.msk [tilespmem:v22+s16+$0x0], $0xffff  }
0x259: {  	v19 =	vmov s6  }
0x25a: {  	s6 =	sadd.s32 $0x10, s6;
	v19 =	vmul.u32 $0x18, v19;
	v20 =	vadd.f32 v20, v18;
	v18 =	vld.idx.msk [tilespmem:v23+s16+$0x0], $0xffff  }
0x25b: {  	_ = 	snop  }
0x25c: {  	v19 =	vbroadcast v19, $0x0;
	v16 =	vadd.f32 v16, v20;
	_ =	sdelay $0x1  }
0x25d: {  	v20 =	vadd.s32 v1, v19;
	v16 =	vadd.f32 v17, v16  }
0x25e: {  	v17 =	vadd.s32 v0, v19  }
0x25f: {  	v16 =	vadd.f32 v18, v16  }
0x260: {  	s1 =	sadd.s32 $0x10, s1;
	v18 =	vadd.s32 v2, v19  }
0x261: {  	[tilespmem:s1+$0x0] =	vst v16  }
0x262: {  	v16 =	vld.idx.msk [tilespmem:v20+s16+$0x0], $0xffff;
	v20 =	vadd.s32 v3, v19  }
0x263: {  	v17 =	vld.idx.msk [tilespmem:v17+s16+$0x0], $0xffff  }
0x264: {  	v21 =	vadd.s32 v4, v19  }
0x265: {  	v18 =	vld.idx.msk [tilespmem:v18+s16+$0x0], $0xffff  }
0x266: {  	v22 =	vadd.s32 v5, v19  }
0x267: {  	v20 =	vld.idx.msk [tilespmem:v20+s16+$0x0], $0xffff  }
0x268: {  	v23 =	vadd.s32 v6, v19;
	v16 =	vadd.f32 v16, v17  }
0x269: {  	v17 =	vld.idx.msk [tilespmem:v21+s16+$0x0], $0xffff  }
0x26a: {  	v21 =	vadd.s32 v7, v19;
	v16 =	vadd.f32 v18, v16  }
0x26b: {  	v18 =	vld.idx.msk [tilespmem:v22+s16+$0x0], $0xffff  }
0x26c: {  	v22 =	vadd.s32 v8, v19;
	v16 =	vadd.f32 v20, v16  }
0x26d: {  	v20 =	vld.idx.msk [tilespmem:v23+s16+$0x0], $0xffff  }
0x26e: {  	v23 =	vadd.s32 v9, v19;
	v16 =	vadd.f32 v17, v16  }
0x26f: {  	v17 =	vld.idx.msk [tilespmem:v21+s16+$0x0], $0xffff  }
0x270: {  	v21 =	vadd.s32 v10, v19;
	v16 =	vadd.f32 v18, v16  }
0x271: {  	v18 =	vld.idx.msk [tilespmem:v22+s16+$0x0], $0xffff  }
0x272: {  	v22 =	vadd.s32 v11, v19;
	v16 =	vadd.f32 v20, v16  }
0x273: {  	v20 =	vld.idx.msk [tilespmem:v23+s16+$0x0], $0xffff  }
0x274: {  	v23 =	vadd.s32 v12, v19;
	v16 =	vadd.f32 v17, v16  }
0x275: {  	v17 =	vld.idx.msk [tilespmem:v21+s16+$0x0], $0xffff  }
0x276: {  	v21 =	vadd.s32 v13, v19;
	v16 =	vadd.f32 v18, v16  }
0x277: {  	v18 =	vld.idx.msk [tilespmem:v22+s16+$0x0], $0xffff  }
0x278: {  	v22 =	vadd.s32 v14, v19;
	v16 =	vadd.f32 v20, v16  }
0x279: {  	v20 =	vld.idx.msk [tilespmem:v23+s16+$0x0], $0xffff  }
0x27a: {  	v19 =	vadd.s32 v15, v19;
	v16 =	vadd.f32 v17, v16  }
0x27b: {  	v17 =	vld.idx.msk [tilespmem:v21+s16+$0x0], $0xffff  }
0x27c: {  	v16 =	vadd.f32 v18, v16  }
0x27d: {  	v18 =	vld.idx.msk [tilespmem:v22+s16+$0x0], $0xffff  }
0x27e: {  	v16 =	vadd.f32 v20, v16  }
0x27f: {  	v19 =	vld.idx.msk [tilespmem:v19+s16+$0x0], $0xffff  }
0x280: {  	v16 =	vadd.f32 v17, v16;
	_ =	sdelay $0x1  }
0x281: {  	v16 =	vadd.f32 v18, v16  }
0x282: {  	s6 =	sadd.s32 s9, s30  }
0x283: {  	s6 =	smul.u32 $0x2A, s6;
	v16 =	vadd.f32 v19, v16  }
0x284: {  	p1 =	seq.s32 s28, $0xF;
	s1 =	sadd.s32 $0x10, s1  }
0x285: {  	s7 =	simm.s32 @!p1 $0x10;
	s13 =	sadd.s32 s5, s6;
	[tilespmem:s1+$0x0] =	vst v16;
	s1 =	sadd.s32 @!p1 $0x2, s30  }
0x286: {  	[hbm4b:s13+s2] =	stream.linear.scatter [tilespmem:s18], [sflag:$0x3], $0x150, $0x38;
	[tilespmem:$0xFE20] =	vst v63  }
0x287: {  	s8 =	simm.s32 @!p1 $0x2C00;
	s6 =	sshll.u32 @!p1 s1, $0x4;
	s1 =	smul.u32 @!p1 $0x500, s1  }
0x288: {  	[tilespmem:s8], [sflag:$0x1] =	stream.indirect.gather @!p1 [hbm4b:s3+s7], $0x40, s6, s7, $0xb8;
	[tilespmem:$0xFE20] =	vst v63  }
0x289: {  	s6 =	sadd.s32 @!p1 $0x200, s6;
	s8 =	simm.s32 @!p1 $0x3000;
	s1 =	sshra.s32 @!p1 s1, $0x2  }
0x28a: {  	[tilespmem:s8], [sflag:$0x1] =	stream.indirect.gather @!p1 [hbm4b:s4+s7], $0x40, s6, s7, $0xb8;
	[tilespmem:$0xFE20] =	vst v63  }
0x28b: {  	s6 =	sadd.s32 @!p1 $0x400, s1;
	s7 =	simm.s32 @!p1 $0x80;
	s8 =	simm.s32 @!p1 $0x3400  }
0x28c: {  	[tilespmem:s8], [sflag:$0x1] =	stream.indirect.gather @!p1 [hbm4b:s4+s7], $0x40, s6, s7, $0xb8;
	[tilespmem:$0xFE20] =	vst v63  }
0x28d: {  	s6 =	sadd.s32 @!p1 $0x480, s1;
	s8 =	simm.s32 @!p1 $0x5400  }
0x28e: {  	[tilespmem:s8], [sflag:$0x1] =	stream.indirect.gather @!p1 [hbm4b:s4+s7], $0x40, s6, s7, $0xb8;
	[tilespmem:$0xFE20] =	vst v63  }
0x28f: {  	s1 =	sadd.s32 @!p1 $0x500, s1;
	s6 =	simm.s32 @!p1 $0x40;
	s7 =	simm.s32 @!p1 $0x7400  }
0x290: {  	[tilespmem:s7], [sflag:$0x1] =	stream.indirect.gather @!p1 [hbm4b:s4+s6], $0x40, s1, s6, $0xb8;
	[tilespmem:$0xFE20] =	vst v63  }
0x291: {  	_ =	swait.ge [sflag:s19], $0x400  }
0x292: {  	[sflag:s19] =	ssyncset.done $0x0  }
0x293: {  	[sflag:s19] =	ssyncadd.s32 $0xFFFFFC00  }
0x294: {  	_ =	swait.ge [sflag:s19], $0x400  }
0x295: {  	[sflag:s19] =	ssyncset.done $0x0  }
0x296: {  	[sflag:s19] =	ssyncadd.s32 $0xFFFFFC00  }
0x297: {  	_ =	swait.ge [sflag:s19], $0x2000  }
0x298: {  	[sflag:s19] =	ssyncset.done $0x0  }
0x299: {  	[sflag:s19] =	ssyncadd.s32 $0xFFFFE000  }
0x29a: {  	_ =	swait.ge [sflag:s19], $0x2000  }
0x29b: {  	[sflag:s19] =	ssyncset.done $0x0  }
0x29c: {  	[sflag:s19] =	ssyncadd.s32 $0xFFFFE000  }
0x29d: {  	_ =	swait.ge [sflag:s19], $0x1000  }
0x29e: {  	[sflag:s19] =	ssyncset.done $0x0  }
0x29f: {  	s1 =	simm.s32 @!p0 $0x4;
	[sflag:s19] =	ssyncadd.s32 $0xFFFFF000  }
0x2a0: {  	_ =	swait.ge @!p0 [sflag:s1], $0x150  }
0x2a1: {  	[sflag:s1] =	ssyncset.done @!p0 $0x0  }
0x2a2: {  	s22 =	simm.s32 $0x0;
	[sflag:s1] =	ssyncadd.s32 @!p0 $0xFFFFFEB0  }
0x2a3: {  	v20 =	vld [tilespmem:s22+$0x8800]  }
0x2a4: {  	v16 =	vld [tilespmem:s22+$0x8410]  }
0x2a5: {  	v21 =	vld [tilespmem:s22+$0x8810]  }
0x2a6: {  	v19 =	vld [tilespmem:s22+$0x8400]  }
0x2a7: {  	v22 =	vld [tilespmem:s22+$0x8820]  }
0x2a8: {  	v17 =	vld [tilespmem:s22+$0x8420]  }
0x2a9: {  	v23 =	vld [tilespmem:s22+$0x8830]  }
0x2aa: {  	v18 =	vld [tilespmem:s22+$0x8430]  }
0x2ab: {  	v20 =	vmul.f32 v20, v19;
	v21 =	vmul.f32 v21, v16;
	_ =	sdelay $0x1  }
0x2ac: {  	v20 =	vadd.f32 v21, v20;
	v21 =	vmul.f32 v22, v17;
	_ =	sdelay $0x1  }
0x2ad: {  	v20 =	vadd.f32 v21, v20;
	v21 =	vmul.f32 v23, v18;
	_ =	sdelay $0x1  }
0x2ae: {  	v20 =	vadd.f32 v21, v20  }
0x2af: {  	s12 =	simm.s32 $0xDCF0  }
0x2b0: {  	s13 =	simm.s32 $0x8E80;
	[tilespmem:s12+$0xFFFFFF10] =	vst v20  }
0x2b1: {  	v20 =	vld [tilespmem:s13+$0xFFFFFD80]  }
0x2b2: {  	v21 =	vld [tilespmem:s13+$0xFFFFFD90];
	_ =	sdelay $0x1  }
0x2b3: {  	v22 =	vld [tilespmem:s13+$0xFFFFFDA0];
	_ =	sdelay $0x1  }
0x2b4: {  	v23 =	vld [tilespmem:s13+$0xFFFFFDB0]  }
0x2b5: {  	v20 =	vmul.f32 v20, v19;
	v21 =	vmul.f32 v21, v16;
	_ =	sdelay $0x1  }
0x2b6: {  	v20 =	vadd.f32 v21, v20;
	v21 =	vmul.f32 v22, v17;
	_ =	sdelay $0x1  }
0x2b7: {  	v20 =	vadd.f32 v21, v20;
	v21 =	vmul.f32 v23, v18;
	_ =	sdelay $0x1  }
0x2b8: {  	v20 =	vadd.f32 v21, v20;
	_ =	sdelay $0x1  }
0x2b9: {  	[tilespmem:s12+$0xFFFFFF28] =	vst v20  }
0x2ba: {  	v20 =	vld [tilespmem:s13+$0xFFFFFDC0]  }
0x2bb: {  	v21 =	vld [tilespmem:s13+$0xFFFFFDD0];
	_ =	sdelay $0x1  }
0x2bc: {  	v22 =	vld [tilespmem:s13+$0xFFFFFDE0];
	_ =	sdelay $0x1  }
0x2bd: {  	v23 =	vld [tilespmem:s13+$0xFFFFFDF0]  }
0x2be: {  	v20 =	vmul.f32 v20, v19;
	v21 =	vmul.f32 v21, v16;
	_ =	sdelay $0x1  }
0x2bf: {  	v20 =	vadd.f32 v21, v20;
	v21 =	vmul.f32 v22, v17;
	_ =	sdelay $0x1  }
0x2c0: {  	v20 =	vadd.f32 v21, v20;
	v21 =	vmul.f32 v23, v18;
	_ =	sdelay $0x1  }
0x2c1: {  	v20 =	vadd.f32 v21, v20;
	_ =	sdelay $0x1  }
0x2c2: {  	[tilespmem:s12+$0xFFFFFF40] =	vst v20  }
0x2c3: {  	v20 =	vld [tilespmem:s13+$0xFFFFFE00]  }
0x2c4: {  	v21 =	vld [tilespmem:s13+$0xFFFFFE10];
	_ =	sdelay $0x1  }
0x2c5: {  	v22 =	vld [tilespmem:s13+$0xFFFFFE20];
	_ =	sdelay $0x1  }
0x2c6: {  	v23 =	vld [tilespmem:s13+$0xFFFFFE30]  }
0x2c7: {  	v20 =	vmul.f32 v20, v19;
	v21 =	vmul.f32 v21, v16;
	_ =	sdelay $0x1  }
0x2c8: {  	v22 =	vmul.f32 v22, v17;
	v20 =	vadd.f32 v21, v20;
	_ =	sdelay $0x1  }
0x2c9: {  	v21 =	vmul.f32 v23, v18;
	v20 =	vadd.f32 v22, v20;
	_ =	sdelay $0x1  }
0x2ca: {  	v20 =	vadd.f32 v21, v20;
	_ =	sdelay $0x1  }
0x2cb: {  	[tilespmem:s12+$0xFFFFFF58] =	vst v20  }
0x2cc: {  	v20 =	vld [tilespmem:s13+$0xFFFFFE40]  }
0x2cd: {  	v21 =	vld [tilespmem:s13+$0xFFFFFE50];
	_ =	sdelay $0x1  }
0x2ce: {  	v22 =	vld [tilespmem:s13+$0xFFFFFE60];
	_ =	sdelay $0x1  }
0x2cf: {  	v23 =	vld [tilespmem:s13+$0xFFFFFE70]  }
0x2d0: {  	v20 =	vmul.f32 v20, v19;
	v21 =	vmul.f32 v21, v16;
	_ =	sdelay $0x1  }
0x2d1: {  	v20 =	vadd.f32 v21, v20;
	v21 =	vmul.f32 v22, v17;
	_ =	sdelay $0x1  }
0x2d2: {  	v20 =	vadd.f32 v21, v20;
	v21 =	vmul.f32 v23, v18;
	_ =	sdelay $0x1  }
0x2d3: {  	v20 =	vadd.f32 v21, v20;
	_ =	sdelay $0x1  }
0x2d4: {  	[tilespmem:s12+$0xFFFFFF70] =	vst v20  }
0x2d5: {  	v20 =	vld [tilespmem:s13+$0xFFFFFE80]  }
0x2d6: {  	v21 =	vld [tilespmem:s13+$0xFFFFFE90];
	_ =	sdelay $0x1  }
0x2d7: {  	v22 =	vld [tilespmem:s13+$0xFFFFFEA0];
	_ =	sdelay $0x1  }
0x2d8: {  	v23 =	vld [tilespmem:s13+$0xFFFFFEB0]  }
0x2d9: {  	v20 =	vmul.f32 v20, v19;
	v21 =	vmul.f32 v21, v16;
	_ =	sdelay $0x1  }
0x2da: {  	v22 =	vmul.f32 v22, v17;
	v20 =	vadd.f32 v21, v20;
	_ =	sdelay $0x1  }
0x2db: {  	v21 =	vmul.f32 v23, v18;
	v20 =	vadd.f32 v22, v20;
	_ =	sdelay $0x1  }
0x2dc: {  	v20 =	vadd.f32 v21, v20;
	_ =	sdelay $0x1  }
0x2dd: {  	[tilespmem:s12+$0xFFFFFF88] =	vst v20  }
0x2de: {  	v20 =	vld [tilespmem:s13+$0xFFFFFEC0]  }
0x2df: {  	v21 =	vld [tilespmem:s13+$0xFFFFFED0];
	_ =	sdelay $0x1  }
0x2e0: {  	v22 =	vld [tilespmem:s13+$0xFFFFFEE0];
	_ =	sdelay $0x1  }
0x2e1: {  	v23 =	vld [tilespmem:s13+$0xFFFFFEF0]  }
0x2e2: {  	v20 =	vmul.f32 v20, v19;
	v21 =	vmul.f32 v21, v16;
	_ =	sdelay $0x1  }
0x2e3: {  	v22 =	vmul.f32 v22, v17;
	v20 =	vadd.f32 v21, v20;
	_ =	sdelay $0x1  }
0x2e4: {  	v21 =	vmul.f32 v23, v18;
	v20 =	vadd.f32 v22, v20;
	_ =	sdelay $0x1  }
0x2e5: {  	v20 =	vadd.f32 v21, v20;
	_ =	sdelay $0x1  }
0x2e6: {  	[tilespmem:s12+$0xFFFFFFA0] =	vst v20  }
0x2e7: {  	v20 =	vld [tilespmem:s13+$0xFFFFFF00]  }
0x2e8: {  	v21 =	vld [tilespmem:s13+$0xFFFFFF10];
	_ =	sdelay $0x1  }
0x2e9: {  	v22 =	vld [tilespmem:s13+$0xFFFFFF20];
	_ =	sdelay $0x1  }
0x2ea: {  	v23 =	vld [tilespmem:s13+$0xFFFFFF30]  }
0x2eb: {  	v20 =	vmul.f32 v20, v19;
	v21 =	vmul.f32 v21, v16;
	_ =	sdelay $0x1  }
0x2ec: {  	v22 =	vmul.f32 v22, v17;
	v20 =	vadd.f32 v21, v20;
	_ =	sdelay $0x1  }
0x2ed: {  	v21 =	vmul.f32 v23, v18;
	v20 =	vadd.f32 v22, v20;
	_ =	sdelay $0x1  }
0x2ee: {  	v20 =	vadd.f32 v21, v20;
	_ =	sdelay $0x1  }
0x2ef: {  	[tilespmem:s12+$0xFFFFFFB8] =	vst v20  }
0x2f0: {  	v20 =	vld [tilespmem:s13+$0xFFFFFF40]  }
0x2f1: {  	v21 =	vld [tilespmem:s13+$0xFFFFFF50];
	_ =	sdelay $0x1  }
0x2f2: {  	v22 =	vld [tilespmem:s13+$0xFFFFFF60];
	_ =	sdelay $0x1  }
0x2f3: {  	v23 =	vld [tilespmem:s13+$0xFFFFFF70]  }
0x2f4: {  	v20 =	vmul.f32 v20, v19;
	v21 =	vmul.f32 v21, v16;
	_ =	sdelay $0x1  }
0x2f5: {  	v22 =	vmul.f32 v22, v17;
	v20 =	vadd.f32 v21, v20;
	_ =	sdelay $0x1  }
0x2f6: {  	v21 =	vmul.f32 v23, v18;
	v20 =	vadd.f32 v22, v20;
	_ =	sdelay $0x1  }
0x2f7: {  	v20 =	vadd.f32 v21, v20;
	_ =	sdelay $0x1  }
0x2f8: {  	[tilespmem:s12+$0xFFFFFFD0] =	vst v20  }
0x2f9: {  	v20 =	vld [tilespmem:s13+$0xFFFFFF80]  }
0x2fa: {  	v21 =	vld [tilespmem:s13+$0xFFFFFF90];
	_ =	sdelay $0x1  }
0x2fb: {  	v22 =	vld [tilespmem:s13+$0xFFFFFFA0];
	_ =	sdelay $0x1  }
0x2fc: {  	v23 =	vld [tilespmem:s13+$0xFFFFFFB0]  }
0x2fd: {  	v20 =	vmul.f32 v20, v19;
	v21 =	vmul.f32 v21, v16;
	_ =	sdelay $0x1  }
0x2fe: {  	v20 =	vadd.f32 v21, v20;
	v21 =	vmul.f32 v22, v17;
	_ =	sdelay $0x1  }
0x2ff: {  	v22 =	vmul.f32 v23, v18;
	v20 =	vadd.f32 v21, v20;
	_ =	sdelay $0x1  }
0x300: {  	v20 =	vadd.f32 v22, v20;
	_ =	sdelay $0x1  }
0x301: {  	[tilespmem:s12+$0xFFFFFFE8] =	vst v20  }
0x302: {  	v20 =	vld [tilespmem:s13+$0xFFFFFFC0]  }
0x303: {  	v21 =	vld [tilespmem:s13+$0xFFFFFFD0];
	_ =	sdelay $0x1  }
0x304: {  	v22 =	vld [tilespmem:s13+$0xFFFFFFE0];
	_ =	sdelay $0x1  }
0x305: {  	v23 =	vld [tilespmem:s13+$0xFFFFFFF0]  }
0x306: {  	v20 =	vmul.f32 v20, v19;
	v21 =	vmul.f32 v21, v16;
	_ =	sdelay $0x1  }
0x307: {  	v22 =	vmul.f32 v22, v17;
	v20 =	vadd.f32 v21, v20;
	_ =	sdelay $0x1  }
0x308: {  	v21 =	vmul.f32 v23, v18;
	v20 =	vadd.f32 v22, v20;
	_ =	sdelay $0x1  }
0x309: {  	v20 =	vadd.f32 v21, v20;
	_ =	sdelay $0x1  }
0x30a: {  	[tilespmem:s12+$0x0] =	vst v20  }
0x30b: {  	v20 =	vld [tilespmem:s13+$0x0]  }
0x30c: {  	v21 =	vld [tilespmem:s13+$0x10];
	_ =	sdelay $0x1  }
0x30d: {  	v22 =	vld [tilespmem:s13+$0x20];
	_ =	sdelay $0x1  }
0x30e: {  	v23 =	vld [tilespmem:s13+$0x30]  }
0x30f: {  	v20 =	vmul.f32 v20, v19;
	v21 =	vmul.f32 v21, v16;
	_ =	sdelay $0x1  }
0x310: {  	v22 =	vmul.f32 v22, v17;
	v20 =	vadd.f32 v21, v20;
	_ =	sdelay $0x1  }
0x311: {  	v21 =	vmul.f32 v23, v18;
	v20 =	vadd.f32 v22, v20;
	_ =	sdelay $0x1  }
0x312: {  	v20 =	vadd.f32 v21, v20;
	_ =	sdelay $0x1  }
0x313: {  	[tilespmem:s12+$0x18] =	vst v20  }
0x314: {  	v20 =	vld [tilespmem:s13+$0x40]  }
0x315: {  	v21 =	vld [tilespmem:s13+$0x50];
	_ =	sdelay $0x1  }
0x316: {  	v22 =	vld [tilespmem:s13+$0x60];
	_ =	sdelay $0x1  }
0x317: {  	v23 =	vld [tilespmem:s13+$0x70]  }
0x318: {  	v20 =	vmul.f32 v20, v19;
	v21 =	vmul.f32 v21, v16;
	_ =	sdelay $0x1  }
0x319: {  	v22 =	vmul.f32 v22, v17;
	v20 =	vadd.f32 v21, v20;
	_ =	sdelay $0x1  }
0x31a: {  	v21 =	vmul.f32 v23, v18;
	v20 =	vadd.f32 v22, v20;
	_ =	sdelay $0x1  }
0x31b: {  	v20 =	vadd.f32 v21, v20;
	_ =	sdelay $0x1  }
0x31c: {  	[tilespmem:s12+$0x30] =	vst v20  }
0x31d: {  	v20 =	vld [tilespmem:s13+$0x80]  }
0x31e: {  	v21 =	vld [tilespmem:s13+$0x90];
	_ =	sdelay $0x1  }
0x31f: {  	v22 =	vld [tilespmem:s13+$0xA0];
	_ =	sdelay $0x1  }
0x320: {  	v23 =	vld [tilespmem:s13+$0xB0]  }
0x321: {  	v20 =	vmul.f32 v20, v19;
	v21 =	vmul.f32 v21, v16;
	_ =	sdelay $0x1  }
0x322: {  	v20 =	vadd.f32 v21, v20;
	v21 =	vmul.f32 v22, v17;
	_ =	sdelay $0x1  }
0x323: {  	v22 =	vmul.f32 v23, v18;
	v20 =	vadd.f32 v21, v20;
	_ =	sdelay $0x1  }
0x324: {  	v20 =	vadd.f32 v22, v20;
	_ =	sdelay $0x1  }
0x325: {  	[tilespmem:s12+$0x48] =	vst v20  }
0x326: {  	v20 =	vld [tilespmem:s13+$0xC0]  }
0x327: {  	v21 =	vld [tilespmem:s13+$0xD0];
	_ =	sdelay $0x1  }
0x328: {  	v22 =	vld [tilespmem:s13+$0xE0];
	_ =	sdelay $0x1  }
0x329: {  	v23 =	vld [tilespmem:s13+$0xF0]  }
0x32a: {  	v20 =	vmul.f32 v20, v19;
	v21 =	vmul.f32 v21, v16;
	_ =	sdelay $0x1  }
0x32b: {  	v20 =	vadd.f32 v21, v20;
	v21 =	vmul.f32 v22, v17;
	_ =	sdelay $0x1  }
0x32c: {  	v20 =	vadd.f32 v21, v20;
	v21 =	vmul.f32 v23, v18;
	_ =	sdelay $0x1  }
0x32d: {  	v20 =	vadd.f32 v21, v20;
	_ =	sdelay $0x1  }
0x32e: {  	[tilespmem:s12+$0x60] =	vst v20  }
0x32f: {  	v20 =	vld [tilespmem:s13+$0x100]  }
0x330: {  	v21 =	vld [tilespmem:s13+$0x110];
	_ =	sdelay $0x1  }
0x331: {  	v22 =	vld [tilespmem:s13+$0x120];
	_ =	sdelay $0x1  }
0x332: {  	v23 =	vld [tilespmem:s13+$0x130]  }
0x333: {  	v20 =	vmul.f32 v20, v19;
	v21 =	vmul.f32 v21, v16;
	_ =	sdelay $0x1  }
0x334: {  	v22 =	vmul.f32 v22, v17;
	v20 =	vadd.f32 v21, v20;
	_ =	sdelay $0x1  }
0x335: {  	v21 =	vmul.f32 v23, v18;
	v20 =	vadd.f32 v22, v20;
	_ =	sdelay $0x1  }
0x336: {  	v20 =	vadd.f32 v21, v20;
	_ =	sdelay $0x1  }
0x337: {  	[tilespmem:s12+$0x78] =	vst v20  }
0x338: {  	v20 =	vld [tilespmem:s13+$0x140]  }
0x339: {  	v21 =	vld [tilespmem:s13+$0x150];
	_ =	sdelay $0x1  }
0x33a: {  	v22 =	vld [tilespmem:s13+$0x160];
	_ =	sdelay $0x1  }
0x33b: {  	v23 =	vld [tilespmem:s13+$0x170]  }
0x33c: {  	v20 =	vmul.f32 v20, v19;
	v21 =	vmul.f32 v21, v16;
	_ =	sdelay $0x1  }
0x33d: {  	v22 =	vmul.f32 v22, v17;
	v20 =	vadd.f32 v21, v20;
	_ =	sdelay $0x1  }
0x33e: {  	v21 =	vmul.f32 v23, v18;
	v20 =	vadd.f32 v22, v20;
	_ =	sdelay $0x1  }
0x33f: {  	v20 =	vadd.f32 v21, v20;
	_ =	sdelay $0x1  }
0x340: {  	[tilespmem:s12+$0x90] =	vst v20  }
0x341: {  	v20 =	vld [tilespmem:s13+$0x180]  }
0x342: {  	v21 =	vld [tilespmem:s13+$0x190];
	_ =	sdelay $0x1  }
0x343: {  	v22 =	vld [tilespmem:s13+$0x1A0];
	_ =	sdelay $0x1  }
0x344: {  	v23 =	vld [tilespmem:s13+$0x1B0]  }
0x345: {  	v20 =	vmul.f32 v20, v19;
	v21 =	vmul.f32 v21, v16;
	_ =	sdelay $0x1  }
0x346: {  	v22 =	vmul.f32 v22, v17;
	v20 =	vadd.f32 v21, v20;
	_ =	sdelay $0x1  }
0x347: {  	v21 =	vmul.f32 v23, v18;
	v20 =	vadd.f32 v22, v20;
	_ =	sdelay $0x1  }
0x348: {  	v20 =	vadd.f32 v21, v20;
	_ =	sdelay $0x1  }
0x349: {  	[tilespmem:s12+$0xA8] =	vst v20  }
0x34a: {  	v20 =	vld [tilespmem:s13+$0x1C0]  }
0x34b: {  	v21 =	vld [tilespmem:s13+$0x1D0];
	_ =	sdelay $0x1  }
0x34c: {  	v22 =	vld [tilespmem:s13+$0x1E0];
	_ =	sdelay $0x1  }
0x34d: {  	v23 =	vld [tilespmem:s13+$0x1F0]  }
0x34e: {  	v20 =	vmul.f32 v20, v19;
	v21 =	vmul.f32 v21, v16;
	_ =	sdelay $0x1  }
0x34f: {  	v22 =	vmul.f32 v22, v17;
	v20 =	vadd.f32 v21, v20;
	_ =	sdelay $0x1  }
0x350: {  	v21 =	vmul.f32 v23, v18;
	v20 =	vadd.f32 v22, v20;
	_ =	sdelay $0x1  }
0x351: {  	v20 =	vadd.f32 v21, v20;
	_ =	sdelay $0x1  }
0x352: {  	[tilespmem:s12+$0xC0] =	vst v20  }
0x353: {  	v23 =	vld [tilespmem:s13+$0x200]  }
0x354: {  	v21 =	vld [tilespmem:s13+$0x210]  }
0x355: {  	v22 =	vld [tilespmem:s13+$0x220]  }
0x356: {  	v20 =	vld [tilespmem:s13+$0x230]  }
0x357: {  	s10 =	simm.s32 $0x100;
	s8 =	simm.s32 $0x8E80  }
0x358: {  	s7 =	simm.s32 $0x0;
	s6 =	simm.s32 $0xDCF0;
	s1 =	sor.u32 $0x1, s30;
	v23 =	vmul.f32 v23, v19  }
.LBB2_7:
0x359: {  	p0 =	sne.s32 s10, $0xF00;
	v21 =	vmul.f32 v21, v16;
	s13 =	sadd.s32 $0x500, s13;
	s12 =	sadd.s32 $0x1F8, s12  }
0x35a: {  	s22 =	smov.u32 s10;
	s10 =	sadd.s32 $0x100, s10;
	v22 =	vmul.f32 v22, v17  }
0x35b: {  	v21 =	vadd.f32 v21, v23;
	v20 =	vmul.f32 v20, v18;
	_ =	sdelay $0x1  }
0x35c: {  	v21 =	vadd.f32 v22, v21;
	_ =	sdelay $0x1  }
0x35d: {  	v20 =	vadd.f32 v20, v21;
	_ =	sdelay $0x1  }
0x35e: {  	[tilespmem:s6+$0xD8] =	vst v20  }
0x35f: {  	v20 =	vld [tilespmem:s8+$0x240]  }
0x360: {  	v21 =	vld [tilespmem:s8+$0x250]  }
0x361: {  	v22 =	vld [tilespmem:s8+$0x260]  }
0x362: {  	v23 =	vld [tilespmem:s8+$0x270];
	s8 =	smov.u32 s13;
	_ =	sdelay $0x1  }
0x363: {  	v19 =	vmul.f32 v20, v19  }
0x364: {  	v16 =	vmul.f32 v21, v16  }
0x365: {  	v17 =	vmul.f32 v22, v17  }
0x366: {  	v16 =	vadd.f32 v16, v19;
	v18 =	vmul.f32 v23, v18;
	_ =	sdelay $0x1  }
0x367: {  	v16 =	vadd.f32 v17, v16;
	_ =	sdelay $0x1  }
0x368: {  	v16 =	vadd.f32 v18, v16;
	_ =	sdelay $0x1  }
0x369: {  	s22 =	sshra.s32 s22, $0x2;
	[tilespmem:s6+$0xF0] =	vst v16;
	s6 =	smov.u32 s12  }
0x36a: {  	v20 =	vld [tilespmem:s22+$0x8800]  }
0x36b: {  	v16 =	vld [tilespmem:s22+$0x8410]  }
0x36c: {  	v21 =	vld [tilespmem:s22+$0x8810]  }
0x36d: {  	v19 =	vld [tilespmem:s22+$0x8400]  }
0x36e: {  	v22 =	vld [tilespmem:s22+$0x8820]  }
0x36f: {  	v17 =	vld [tilespmem:s22+$0x8420]  }
0x370: {  	v23 =	vld [tilespmem:s22+$0x8830]  }
0x371: {  	v18 =	vld [tilespmem:s22+$0x8430]  }
0x372: {  	v21 =	vmul.f32 v21, v16;
	v20 =	vmul.f32 v20, v19;
	_ =	sdelay $0x1  }
0x373: {  	v20 =	vadd.f32 v21, v20;
	v21 =	vmul.f32 v22, v17;
	_ =	sdelay $0x1  }
0x374: {  	v20 =	vadd.f32 v21, v20;
	v21 =	vmul.f32 v23, v18;
	_ =	sdelay $0x1  }
0x375: {  	v20 =	vadd.f32 v21, v20;
	_ =	sdelay $0x1  }
0x376: {  	[tilespmem:s12+$0xFFFFFF10] =	vst v20  }
0x377: {  	v20 =	vld [tilespmem:s13+$0xFFFFFD80]  }
0x378: {  	v21 =	vld [tilespmem:s13+$0xFFFFFD90];
	_ =	sdelay $0x1  }
0x379: {  	v22 =	vld [tilespmem:s13+$0xFFFFFDA0];
	_ =	sdelay $0x1  }
0x37a: {  	v20 =	vmul.f32 v20, v19;
	v23 =	vld [tilespmem:s13+$0xFFFFFDB0]  }
0x37b: {  	v21 =	vmul.f32 v21, v16;
	_ =	sdelay $0x1  }
0x37c: {  	v20 =	vadd.f32 v21, v20;
	v21 =	vmul.f32 v22, v17;
	_ =	sdelay $0x1  }
0x37d: {  	v20 =	vadd.f32 v21, v20;
	v21 =	vmul.f32 v23, v18;
	_ =	sdelay $0x1  }
0x37e: {  	v20 =	vadd.f32 v21, v20;
	_ =	sdelay $0x1  }
0x37f: {  	[tilespmem:s12+$0xFFFFFF28] =	vst v20  }
0x380: {  	v20 =	vld [tilespmem:s13+$0xFFFFFDC0]  }
0x381: {  	v21 =	vld [tilespmem:s13+$0xFFFFFDD0];
	_ =	sdelay $0x1  }
0x382: {  	v22 =	vld [tilespmem:s13+$0xFFFFFDE0];
	_ =	sdelay $0x1  }
0x383: {  	v20 =	vmul.f32 v20, v19;
	v23 =	vld [tilespmem:s13+$0xFFFFFDF0]  }
0x384: {  	v21 =	vmul.f32 v21, v16;
	_ =	sdelay $0x1  }
0x385: {  	v20 =	vadd.f32 v21, v20;
	v21 =	vmul.f32 v22, v17;
	_ =	sdelay $0x1  }
0x386: {  	v20 =	vadd.f32 v21, v20;
	v21 =	vmul.f32 v23, v18;
	_ =	sdelay $0x1  }
0x387: {  	v20 =	vadd.f32 v21, v20;
	_ =	sdelay $0x1  }
0x388: {  	[tilespmem:s12+$0xFFFFFF40] =	vst v20  }
0x389: {  	v20 =	vld [tilespmem:s13+$0xFFFFFE00]  }
0x38a: {  	v21 =	vld [tilespmem:s13+$0xFFFFFE10]  }
0x38b: {  	v22 =	vld [tilespmem:s13+$0xFFFFFE20]  }
0x38c: {  	v23 =	vld [tilespmem:s13+$0xFFFFFE30];
	_ =	sdelay $0x1  }
0x38d: {  	v20 =	vmul.f32 v20, v19  }
0x38e: {  	v21 =	vmul.f32 v21, v16  }
0x38f: {  	v22 =	vmul.f32 v22, v17  }
0x390: {  	v20 =	vadd.f32 v21, v20;
	v21 =	vmul.f32 v23, v18;
	_ =	sdelay $0x1  }
0x391: {  	v20 =	vadd.f32 v22, v20;
	_ =	sdelay $0x1  }
0x392: {  	v20 =	vadd.f32 v21, v20;
	_ =	sdelay $0x1  }
0x393: {  	[tilespmem:s12+$0xFFFFFF58] =	vst v20  }
0x394: {  	v20 =	vld [tilespmem:s13+$0xFFFFFE40]  }
0x395: {  	v21 =	vld [tilespmem:s13+$0xFFFFFE50];
	_ =	sdelay $0x1  }
0x396: {  	v22 =	vld [tilespmem:s13+$0xFFFFFE60];
	_ =	sdelay $0x1  }
0x397: {  	v20 =	vmul.f32 v20, v19;
	v23 =	vld [tilespmem:s13+$0xFFFFFE70]  }
0x398: {  	v21 =	vmul.f32 v21, v16;
	_ =	sdelay $0x1  }
0x399: {  	v20 =	vadd.f32 v21, v20;
	v21 =	vmul.f32 v22, v17;
	_ =	sdelay $0x1  }
0x39a: {  	v20 =	vadd.f32 v21, v20;
	v21 =	vmul.f32 v23, v18;
	_ =	sdelay $0x1  }
0x39b: {  	v20 =	vadd.f32 v21, v20;
	_ =	sdelay $0x1  }
0x39c: {  	[tilespmem:s12+$0xFFFFFF70] =	vst v20  }
0x39d: {  	v20 =	vld [tilespmem:s13+$0xFFFFFE80]  }
0x39e: {  	v21 =	vld [tilespmem:s13+$0xFFFFFE90]  }
0x39f: {  	v22 =	vld [tilespmem:s13+$0xFFFFFEA0]  }
0x3a0: {  	v23 =	vld [tilespmem:s13+$0xFFFFFEB0];
	_ =	sdelay $0x1  }
0x3a1: {  	v20 =	vmul.f32 v20, v19  }
0x3a2: {  	v21 =	vmul.f32 v21, v16  }
0x3a3: {  	v22 =	vmul.f32 v22, v17  }
0x3a4: {  	v20 =	vadd.f32 v21, v20;
	v21 =	vmul.f32 v23, v18;
	_ =	sdelay $0x1  }
0x3a5: {  	v20 =	vadd.f32 v22, v20;
	_ =	sdelay $0x1  }
0x3a6: {  	v20 =	vadd.f32 v21, v20;
	_ =	sdelay $0x1  }
0x3a7: {  	[tilespmem:s12+$0xFFFFFF88] =	vst v20  }
0x3a8: {  	v20 =	vld [tilespmem:s13+$0xFFFFFEC0]  }
0x3a9: {  	v21 =	vld [tilespmem:s13+$0xFFFFFED0]  }
0x3aa: {  	v22 =	vld [tilespmem:s13+$0xFFFFFEE0]  }
0x3ab: {  	v23 =	vld [tilespmem:s13+$0xFFFFFEF0];
	_ =	sdelay $0x1  }
0x3ac: {  	v20 =	vmul.f32 v20, v19  }
0x3ad: {  	v21 =	vmul.f32 v21, v16  }
0x3ae: {  	v22 =	vmul.f32 v22, v17  }
0x3af: {  	v20 =	vadd.f32 v21, v20;
	v21 =	vmul.f32 v23, v18;
	_ =	sdelay $0x1  }
0x3b0: {  	v20 =	vadd.f32 v22, v20;
	_ =	sdelay $0x1  }
0x3b1: {  	v20 =	vadd.f32 v21, v20;
	_ =	sdelay $0x1  }
0x3b2: {  	[tilespmem:s12+$0xFFFFFFA0] =	vst v20  }
0x3b3: {  	v20 =	vld [tilespmem:s13+$0xFFFFFF00]  }
0x3b4: {  	v21 =	vld [tilespmem:s13+$0xFFFFFF10]  }
0x3b5: {  	v22 =	vld [tilespmem:s13+$0xFFFFFF20]  }
0x3b6: {  	v23 =	vld [tilespmem:s13+$0xFFFFFF30];
	_ =	sdelay $0x1  }
0x3b7: {  	v20 =	vmul.f32 v20, v19  }
0x3b8: {  	v21 =	vmul.f32 v21, v16  }
0x3b9: {  	v22 =	vmul.f32 v22, v17  }
0x3ba: {  	v20 =	vadd.f32 v21, v20;
	v21 =	vmul.f32 v23, v18;
	_ =	sdelay $0x1  }
0x3bb: {  	v20 =	vadd.f32 v22, v20;
	_ =	sdelay $0x1  }
0x3bc: {  	v20 =	vadd.f32 v21, v20;
	_ =	sdelay $0x1  }
0x3bd: {  	[tilespmem:s12+$0xFFFFFFB8] =	vst v20  }
0x3be: {  	v20 =	vld [tilespmem:s13+$0xFFFFFF40]  }
0x3bf: {  	v21 =	vld [tilespmem:s13+$0xFFFFFF50]  }
0x3c0: {  	v22 =	vld [tilespmem:s13+$0xFFFFFF60]  }
0x3c1: {  	v23 =	vld [tilespmem:s13+$0xFFFFFF70];
	_ =	sdelay $0x1  }
0x3c2: {  	v20 =	vmul.f32 v20, v19  }
0x3c3: {  	v21 =	vmul.f32 v21, v16  }
0x3c4: {  	v22 =	vmul.f32 v22, v17  }
0x3c5: {  	v20 =	vadd.f32 v21, v20;
	v21 =	vmul.f32 v23, v18;
	_ =	sdelay $0x1  }
0x3c6: {  	v20 =	vadd.f32 v22, v20;
	_ =	sdelay $0x1  }
0x3c7: {  	v20 =	vadd.f32 v21, v20;
	_ =	sdelay $0x1  }
0x3c8: {  	[tilespmem:s12+$0xFFFFFFD0] =	vst v20  }
0x3c9: {  	v20 =	vld [tilespmem:s13+$0xFFFFFF80]  }
0x3ca: {  	v21 =	vld [tilespmem:s13+$0xFFFFFF90]  }
0x3cb: {  	v22 =	vld [tilespmem:s13+$0xFFFFFFB0]  }
0x3cc: {  	v23 =	vld [tilespmem:s13+$0xFFFFFFA0];
	_ =	sdelay $0x1  }
0x3cd: {  	v20 =	vmul.f32 v20, v19  }
0x3ce: {  	v21 =	vmul.f32 v21, v16  }
0x3cf: {  	v22 =	vmul.f32 v22, v18  }
0x3d0: {  	v20 =	vadd.f32 v21, v20;
	v21 =	vmul.f32 v23, v17;
	_ =	sdelay $0x1  }
0x3d1: {  	v20 =	vadd.f32 v21, v20;
	_ =	sdelay $0x1  }
0x3d2: {  	v20 =	vadd.f32 v22, v20;
	_ =	sdelay $0x1  }
0x3d3: {  	[tilespmem:s12+$0xFFFFFFE8] =	vst v20  }
0x3d4: {  	v20 =	vld [tilespmem:s13+$0xFFFFFFC0]  }
0x3d5: {  	v21 =	vld [tilespmem:s13+$0xFFFFFFD0]  }
0x3d6: {  	v22 =	vld [tilespmem:s13+$0xFFFFFFE0]  }
0x3d7: {  	v23 =	vld [tilespmem:s13+$0xFFFFFFF0];
	_ =	sdelay $0x1  }
0x3d8: {  	v20 =	vmul.f32 v20, v19  }
0x3d9: {  	v21 =	vmul.f32 v21, v16  }
0x3da: {  	v22 =	vmul.f32 v22, v17  }
0x3db: {  	v20 =	vadd.f32 v21, v20;
	v21 =	vmul.f32 v23, v18;
	_ =	sdelay $0x1  }
0x3dc: {  	v20 =	vadd.f32 v22, v20;
	_ =	sdelay $0x1  }
0x3dd: {  	v20 =	vadd.f32 v21, v20;
	_ =	sdelay $0x1  }
0x3de: {  	[tilespmem:s12+$0x0] =	vst v20  }
0x3df: {  	v20 =	vld [tilespmem:s13+$0x0]  }
0x3e0: {  	v21 =	vld [tilespmem:s13+$0x10]  }
0x3e1: {  	v22 =	vld [tilespmem:s13+$0x20]  }
0x3e2: {  	v23 =	vld [tilespmem:s13+$0x30];
	_ =	sdelay $0x1  }
0x3e3: {  	v20 =	vmul.f32 v20, v19  }
0x3e4: {  	v21 =	vmul.f32 v21, v16  }
0x3e5: {  	v22 =	vmul.f32 v22, v17  }
0x3e6: {  	v20 =	vadd.f32 v21, v20;
	v21 =	vmul.f32 v23, v18;
	_ =	sdelay $0x1  }
0x3e7: {  	v20 =	vadd.f32 v22, v20;
	_ =	sdelay $0x1  }
0x3e8: {  	v20 =	vadd.f32 v21, v20;
	_ =	sdelay $0x1  }
0x3e9: {  	[tilespmem:s12+$0x18] =	vst v20  }
0x3ea: {  	v20 =	vld [tilespmem:s13+$0x40]  }
0x3eb: {  	v21 =	vld [tilespmem:s13+$0x50]  }
0x3ec: {  	v22 =	vld [tilespmem:s13+$0x60]  }
0x3ed: {  	v23 =	vld [tilespmem:s13+$0x70];
	_ =	sdelay $0x1  }
0x3ee: {  	v20 =	vmul.f32 v20, v19  }
0x3ef: {  	v21 =	vmul.f32 v21, v16  }
0x3f0: {  	v22 =	vmul.f32 v22, v17  }
0x3f1: {  	v20 =	vadd.f32 v21, v20;
	v21 =	vmul.f32 v23, v18;
	_ =	sdelay $0x1  }
0x3f2: {  	v20 =	vadd.f32 v22, v20;
	_ =	sdelay $0x1  }
0x3f3: {  	v20 =	vadd.f32 v21, v20;
	_ =	sdelay $0x1  }
0x3f4: {  	[tilespmem:s12+$0x30] =	vst v20  }
0x3f5: {  	v20 =	vld [tilespmem:s13+$0x80]  }
0x3f6: {  	v21 =	vld [tilespmem:s13+$0x90]  }
0x3f7: {  	v22 =	vld [tilespmem:s13+$0xA0]  }
0x3f8: {  	v23 =	vld [tilespmem:s13+$0xB0];
	_ =	sdelay $0x1  }
0x3f9: {  	v20 =	vmul.f32 v20, v19  }
0x3fa: {  	v21 =	vmul.f32 v21, v16;
	_ =	sdelay $0x1  }
0x3fb: {  	v20 =	vadd.f32 v21, v20;
	v21 =	vmul.f32 v22, v17;
	v22 =	vmul.f32 v23, v18;
	_ =	sdelay $0x1  }
0x3fc: {  	v20 =	vadd.f32 v21, v20;
	_ =	sdelay $0x1  }
0x3fd: {  	v20 =	vadd.f32 v22, v20;
	_ =	sdelay $0x1  }
0x3fe: {  	[tilespmem:s12+$0x48] =	vst v20  }
0x3ff: {  	v20 =	vld [tilespmem:s13+$0xC0]  }
0x400: {  	v21 =	vld [tilespmem:s13+$0xD0]  }
0x401: {  	v22 =	vld [tilespmem:s13+$0xF0]  }
0x402: {  	v23 =	vld [tilespmem:s13+$0xE0];
	_ =	sdelay $0x1  }
0x403: {  	v20 =	vmul.f32 v20, v19  }
0x404: {  	v21 =	vmul.f32 v21, v16;
	_ =	sdelay $0x1  }
0x405: {  	v20 =	vadd.f32 v21, v20;
	v21 =	vmul.f32 v23, v17;
	_ =	sdelay $0x1  }
0x406: {  	v20 =	vadd.f32 v21, v20;
	v21 =	vmul.f32 v22, v18;
	_ =	sdelay $0x1  }
0x407: {  	v20 =	vadd.f32 v21, v20;
	_ =	sdelay $0x1  }
0x408: {  	[tilespmem:s12+$0x60] =	vst v20  }
0x409: {  	v20 =	vld [tilespmem:s13+$0x100]  }
0x40a: {  	v21 =	vld [tilespmem:s13+$0x110]  }
0x40b: {  	v22 =	vld [tilespmem:s13+$0x120]  }
0x40c: {  	v23 =	vld [tilespmem:s13+$0x130];
	_ =	sdelay $0x1  }
0x40d: {  	v20 =	vmul.f32 v20, v19  }
0x40e: {  	v21 =	vmul.f32 v21, v16  }
0x40f: {  	v22 =	vmul.f32 v22, v17  }
0x410: {  	v20 =	vadd.f32 v21, v20;
	v21 =	vmul.f32 v23, v18;
	_ =	sdelay $0x1  }
0x411: {  	v20 =	vadd.f32 v22, v20;
	_ =	sdelay $0x1  }
0x412: {  	v20 =	vadd.f32 v21, v20;
	_ =	sdelay $0x1  }
0x413: {  	[tilespmem:s12+$0x78] =	vst v20  }
0x414: {  	v20 =	vld [tilespmem:s13+$0x140]  }
0x415: {  	v21 =	vld [tilespmem:s13+$0x150]  }
0x416: {  	v22 =	vld [tilespmem:s13+$0x160]  }
0x417: {  	v23 =	vld [tilespmem:s13+$0x170];
	_ =	sdelay $0x1  }
0x418: {  	v20 =	vmul.f32 v20, v19  }
0x419: {  	v21 =	vmul.f32 v21, v16  }
0x41a: {  	v22 =	vmul.f32 v22, v17  }
0x41b: {  	v20 =	vadd.f32 v21, v20;
	v21 =	vmul.f32 v23, v18;
	_ =	sdelay $0x1  }
0x41c: {  	v20 =	vadd.f32 v22, v20;
	_ =	sdelay $0x1  }
0x41d: {  	v20 =	vadd.f32 v21, v20;
	_ =	sdelay $0x1  }
0x41e: {  	[tilespmem:s12+$0x90] =	vst v20  }
0x41f: {  	v20 =	vld [tilespmem:s13+$0x180]  }
0x420: {  	v21 =	vld [tilespmem:s13+$0x190]  }
0x421: {  	v22 =	vld [tilespmem:s13+$0x1A0]  }
0x422: {  	v23 =	vld [tilespmem:s13+$0x1B0];
	_ =	sdelay $0x1  }
0x423: {  	v20 =	vmul.f32 v20, v19  }
0x424: {  	v21 =	vmul.f32 v21, v16  }
0x425: {  	v22 =	vmul.f32 v22, v17  }
0x426: {  	v20 =	vadd.f32 v21, v20;
	v21 =	vmul.f32 v23, v18;
	_ =	sdelay $0x1  }
0x427: {  	v20 =	vadd.f32 v22, v20;
	_ =	sdelay $0x1  }
0x428: {  	v20 =	vadd.f32 v21, v20;
	_ =	sdelay $0x1  }
0x429: {  	[tilespmem:s12+$0xA8] =	vst v20  }
0x42a: {  	v20 =	vld [tilespmem:s13+$0x1C0]  }
0x42b: {  	v21 =	vld [tilespmem:s13+$0x1D0]  }
0x42c: {  	v22 =	vld [tilespmem:s13+$0x1E0]  }
0x42d: {  	v23 =	vld [tilespmem:s13+$0x1F0];
	_ =	sdelay $0x1  }
0x42e: {  	v20 =	vmul.f32 v20, v19  }
0x42f: {  	v21 =	vmul.f32 v21, v16  }
0x430: {  	v22 =	vmul.f32 v22, v17  }
0x431: {  	v20 =	vadd.f32 v21, v20;
	v21 =	vmul.f32 v23, v18;
	_ =	sdelay $0x1  }
0x432: {  	v20 =	vadd.f32 v22, v20;
	_ =	sdelay $0x1  }
0x433: {  	v20 =	vadd.f32 v21, v20;
	_ =	sdelay $0x1  }
0x434: {  	[tilespmem:s12+$0xC0] =	vst v20  }
0x435: {  	v23 =	vld [tilespmem:s13+$0x200]  }
.Ltmp4:
0x436: {  	v21 =	vld [tilespmem:s13+$0x210];
	(pc) =	sbr.rel @p0 .LBB2_7-.Ltmp4, $3  }
0x437: {  	v22 =	vld [tilespmem:s13+$0x220]  }
0x438: {  	v20 =	vld [tilespmem:s13+$0x230];
	_ =	sdelay $0x1  }
0x439: {  	v23 =	vmul.f32 v23, v19  }
0x43a: {  	v21 =	vmul.f32 v21, v16;
	_ =	sdelay $0x1  }
0x43b: {  	v22 =	vmul.f32 v22, v17;
	v21 =	vadd.f32 v21, v23;
	_ =	sdelay $0x1  }
0x43c: {  	v20 =	vmul.f32 v20, v18;
	v21 =	vadd.f32 v22, v21;
	_ =	sdelay $0x1  }
0x43d: {  	v20 =	vadd.f32 v20, v21;
	_ =	sdelay $0x1  }
0x43e: {  	[tilespmem:s6+$0xD8] =	vst v20  }
0x43f: {  	v20 =	vld [tilespmem:s8+$0x240]  }
0x440: {  	v21 =	vld [tilespmem:s8+$0x250];
	_ =	sdelay $0x1  }
0x441: {  	v22 =	vld [tilespmem:s8+$0x260];
	_ =	sdelay $0x1  }
0x442: {  	v24 =	vmov s7;
	v23 =	vld [tilespmem:s8+$0x270]  }
0x443: {  	v19 =	vmul.f32 v20, v19;
	v16 =	vmul.f32 v21, v16;
	v20 =	vmul.u32 $0x18, v24;
	_ =	sdelay $0x1  }
0x444: {  	v17 =	vmul.f32 v22, v17;
	v16 =	vadd.f32 v16, v19;
	v19 =	vbroadcast v20, $0x0;
	_ =	sdelay $0x1  }
0x445: {  	v18 =	vmul.f32 v23, v18;
	v16 =	vadd.f32 v17, v16;
	v17 =	vadd.s32 v1, v19  }
0x446: {  	v20 =	vadd.s32 v0, v19  }
0x447: {  	v16 =	vadd.f32 v18, v16  }
0x448: {  	v18 =	vadd.s32 v2, v19  }
0x449: {  	[tilespmem:s6+$0xF0] =	vst v16  }
0x44a: {  	v16 =	vld.idx.msk [tilespmem:v17+s16+$0x0], $0xffff;
	v17 =	vadd.s32 v3, v19  }
0x44b: {  	v20 =	vld.idx.msk [tilespmem:v20+s16+$0x0], $0xffff  }
0x44c: {  	v21 =	vadd.s32 v4, v19  }
0x44d: {  	v18 =	vld.idx.msk [tilespmem:v18+s16+$0x0], $0xffff  }
0x44e: {  	v22 =	vadd.s32 v5, v19  }
0x44f: {  	v17 =	vld.idx.msk [tilespmem:v17+s16+$0x0], $0xffff  }
0x450: {  	v23 =	vadd.s32 v6, v19;
	v16 =	vadd.f32 v16, v20  }
0x451: {  	v20 =	vld.idx.msk [tilespmem:v21+s16+$0x0], $0xffff  }
0x452: {  	v21 =	vadd.s32 v7, v19;
	v16 =	vadd.f32 v18, v16  }
0x453: {  	v18 =	vld.idx.msk [tilespmem:v22+s16+$0x0], $0xffff  }
0x454: {  	v22 =	vadd.s32 v8, v19;
	v16 =	vadd.f32 v17, v16  }
0x455: {  	v17 =	vld.idx.msk [tilespmem:v23+s16+$0x0], $0xffff  }
0x456: {  	v23 =	vadd.s32 v9, v19;
	v16 =	vadd.f32 v20, v16  }
0x457: {  	v20 =	vld.idx.msk [tilespmem:v21+s16+$0x0], $0xffff  }
0x458: {  	v21 =	vadd.s32 v10, v19;
	v16 =	vadd.f32 v18, v16  }
0x459: {  	v18 =	vld.idx.msk [tilespmem:v22+s16+$0x0], $0xffff  }
0x45a: {  	v22 =	vadd.s32 v11, v19;
	v16 =	vadd.f32 v17, v16  }
0x45b: {  	v17 =	vld.idx.msk [tilespmem:v23+s16+$0x0], $0xffff  }
0x45c: {  	v23 =	vadd.s32 v12, v19;
	v16 =	vadd.f32 v20, v16  }
0x45d: {  	v20 =	vld.idx.msk [tilespmem:v21+s16+$0x0], $0xffff  }
0x45e: {  	v21 =	vadd.s32 v13, v19;
	v16 =	vadd.f32 v18, v16  }
0x45f: {  	v18 =	vld.idx.msk [tilespmem:v22+s16+$0x0], $0xffff  }
0x460: {  	v22 =	vadd.s32 v14, v19;
	v16 =	vadd.f32 v17, v16  }
0x461: {  	v17 =	vld.idx.msk [tilespmem:v23+s16+$0x0], $0xffff  }
0x462: {  	v19 =	vadd.s32 v15, v19;
	v16 =	vadd.f32 v20, v16  }
0x463: {  	v20 =	vld.idx.msk [tilespmem:v21+s16+$0x0], $0xffff  }
0x464: {  	s13 =	simm.s32 $0x10;
	v16 =	vadd.f32 v18, v16  }
0x465: {  	v21 =	vmov s13;
	v18 =	vld.idx.msk [tilespmem:v22+s16+$0x0], $0xffff  }
0x466: {  	v21 =	vmul.u32 $0x18, v21;
	v16 =	vadd.f32 v17, v16  }
0x467: {  	v17 =	vld.idx.msk [tilespmem:v19+s16+$0x0], $0xffff  }
0x468: {  	v19 =	vbroadcast v21, $0x0;
	v16 =	vadd.f32 v20, v16;
	_ =	sdelay $0x1  }
0x469: {  	v20 =	vadd.s32 v1, v19;
	v16 =	vadd.f32 v18, v16  }
0x46a: {  	v18 =	vadd.s32 v0, v19  }
0x46b: {  	v16 =	vadd.f32 v17, v16  }
0x46c: {  	s6 =	simm.s32 $0xFCD0;
	v17 =	vadd.s32 v2, v19  }
0x46d: {  	[tilespmem:s6+$0x0] =	vst v16  }
0x46e: {  	v16 =	vld.idx.msk [tilespmem:v20+s16+$0x0], $0xffff;
	v20 =	vadd.s32 v3, v19  }
0x46f: {  	v18 =	vld.idx.msk [tilespmem:v18+s16+$0x0], $0xffff  }
0x470: {  	v21 =	vadd.s32 v4, v19  }
0x471: {  	v17 =	vld.idx.msk [tilespmem:v17+s16+$0x0], $0xffff  }
0x472: {  	v22 =	vadd.s32 v5, v19  }
0x473: {  	v20 =	vld.idx.msk [tilespmem:v20+s16+$0x0], $0xffff  }
0x474: {  	v23 =	vadd.s32 v6, v19;
	v16 =	vadd.f32 v16, v18  }
0x475: {  	v18 =	vld.idx.msk [tilespmem:v21+s16+$0x0], $0xffff  }
0x476: {  	v21 =	vadd.s32 v7, v19;
	v16 =	vadd.f32 v17, v16  }
0x477: {  	v17 =	vld.idx.msk [tilespmem:v22+s16+$0x0], $0xffff  }
0x478: {  	v22 =	vadd.s32 v8, v19;
	v16 =	vadd.f32 v20, v16  }
0x479: {  	v20 =	vld.idx.msk [tilespmem:v23+s16+$0x0], $0xffff  }
0x47a: {  	v23 =	vadd.s32 v9, v19;
	v16 =	vadd.f32 v18, v16  }
0x47b: {  	v18 =	vld.idx.msk [tilespmem:v21+s16+$0x0], $0xffff  }
0x47c: {  	v21 =	vadd.s32 v10, v19;
	v16 =	vadd.f32 v17, v16  }
0x47d: {  	v17 =	vld.idx.msk [tilespmem:v22+s16+$0x0], $0xffff  }
0x47e: {  	v22 =	vadd.s32 v11, v19;
	v16 =	vadd.f32 v20, v16  }
0x47f: {  	v20 =	vld.idx.msk [tilespmem:v23+s16+$0x0], $0xffff  }
0x480: {  	v23 =	vadd.s32 v12, v19;
	v16 =	vadd.f32 v18, v16  }
0x481: {  	v18 =	vld.idx.msk [tilespmem:v21+s16+$0x0], $0xffff  }
0x482: {  	v16 =	vadd.f32 v17, v16;
	v17 =	vadd.s32 v13, v19  }
0x483: {  	v21 =	vld.idx.msk [tilespmem:v22+s16+$0x0], $0xffff  }
0x484: {  	v22 =	vadd.s32 v14, v19;
	v16 =	vadd.f32 v20, v16  }
0x485: {  	v20 =	vld.idx.msk [tilespmem:v23+s16+$0x0], $0xffff;
	v23 =	vadd.s32 v15, v19  }
0x486: {  	v18 =	vadd.f32 v18, v16  }
0x487: {  	v16 =	vld.idx.msk [tilespmem:v17+s16+$0x0], $0xffff  }
0x488: {  	s22 =	simm.s32 $0x20;
	v18 =	vadd.f32 v21, v18  }
0x489: {  	v19 =	vmov s22;
	v17 =	vld.idx.msk [tilespmem:v22+s16+$0x0], $0xffff  }
0x48a: {  	s7 =	simm.s32 $0x30;
	v19 =	vmul.u32 $0x18, v19;
	v20 =	vadd.f32 v20, v18;
	v18 =	vld.idx.msk [tilespmem:v23+s16+$0x0], $0xffff  }
.LBB2_9:
0x48b: {  	p0 =	sne.s32 s7, $0x140  }
0x48c: {  	v19 =	vbroadcast v19, $0x0;
	v16 =	vadd.f32 v16, v20;
	_ =	sdelay $0x1  }
0x48d: {  	v20 =	vadd.s32 v1, v19;
	v16 =	vadd.f32 v17, v16  }
0x48e: {  	v17 =	vadd.s32 v0, v19  }
0x48f: {  	v16 =	vadd.f32 v18, v16  }
0x490: {  	s6 =	sadd.s32 $0x10, s6;
	v18 =	vadd.s32 v2, v19  }
0x491: {  	[tilespmem:s6+$0x0] =	vst v16  }
0x492: {  	v16 =	vld.idx.msk [tilespmem:v20+s16+$0x0], $0xffff;
	v20 =	vadd.s32 v3, v19  }
0x493: {  	v17 =	vld.idx.msk [tilespmem:v17+s16+$0x0], $0xffff  }
0x494: {  	v21 =	vadd.s32 v4, v19  }
0x495: {  	v18 =	vld.idx.msk [tilespmem:v18+s16+$0x0], $0xffff  }
0x496: {  	v22 =	vadd.s32 v5, v19  }
0x497: {  	v20 =	vld.idx.msk [tilespmem:v20+s16+$0x0], $0xffff  }
0x498: {  	v23 =	vadd.s32 v6, v19  }
0x499: {  	v16 =	vadd.f32 v16, v17;
	v17 =	vld.idx.msk [tilespmem:v21+s16+$0x0], $0xffff  }
0x49a: {  	v21 =	vadd.s32 v7, v19  }
0x49b: {  	v16 =	vadd.f32 v18, v16;
	v18 =	vld.idx.msk [tilespmem:v22+s16+$0x0], $0xffff  }
0x49c: {  	v22 =	vadd.s32 v8, v19  }
0x49d: {  	v16 =	vadd.f32 v20, v16;
	v20 =	vld.idx.msk [tilespmem:v23+s16+$0x0], $0xffff  }
0x49e: {  	v23 =	vadd.s32 v9, v19  }
0x49f: {  	v16 =	vadd.f32 v17, v16;
	v17 =	vld.idx.msk [tilespmem:v21+s16+$0x0], $0xffff  }
0x4a0: {  	v21 =	vadd.s32 v10, v19  }
0x4a1: {  	v16 =	vadd.f32 v18, v16;
	v18 =	vld.idx.msk [tilespmem:v22+s16+$0x0], $0xffff  }
0x4a2: {  	v22 =	vadd.s32 v11, v19  }
0x4a3: {  	v16 =	vadd.f32 v20, v16;
	v20 =	vld.idx.msk [tilespmem:v23+s16+$0x0], $0xffff  }
0x4a4: {  	v23 =	vadd.s32 v12, v19  }
0x4a5: {  	v16 =	vadd.f32 v17, v16;
	v17 =	vld.idx.msk [tilespmem:v21+s16+$0x0], $0xffff  }
0x4a6: {  	v21 =	vadd.s32 v13, v19  }
0x4a7: {  	v16 =	vadd.f32 v18, v16;
	v18 =	vld.idx.msk [tilespmem:v22+s16+$0x0], $0xffff  }
0x4a8: {  	v22 =	vadd.s32 v14, v19  }
0x4a9: {  	v16 =	vadd.f32 v20, v16;
	v20 =	vld.idx.msk [tilespmem:v23+s16+$0x0], $0xffff  }
0x4aa: {  	v23 =	vadd.s32 v15, v19  }
.Ltmp5:
0x4ab: {  	v17 =	vadd.f32 v17, v16;
	v16 =	vld.idx.msk [tilespmem:v21+s16+$0x0], $0xffff;
	(pc) =	sbr.rel @p0 .LBB2_9-.Ltmp5, $4  }
0x4ac: {  	_ = 	snop  }
0x4ad: {  	v18 =	vadd.f32 v18, v17;
	v17 =	vld.idx.msk [tilespmem:v22+s16+$0x0], $0xffff  }
0x4ae: {  	v19 =	vmov s7  }
0x4af: {  	s7 =	sadd.s32 $0x10, s7;
	v19 =	vmul.u32 $0x18, v19;
	v20 =	vadd.f32 v20, v18;
	v18 =	vld.idx.msk [tilespmem:v23+s16+$0x0], $0xffff  }
0x4b0: {  	_ = 	snop  }
0x4b1: {  	v19 =	vbroadcast v19, $0x0;
	v16 =	vadd.f32 v16, v20;
	_ =	sdelay $0x1  }
0x4b2: {  	v46 =	vadd.s32 v1, v19;
	v16 =	vadd.f32 v17, v16  }
0x4b3: {  	v17 =	vadd.s32 v0, v19  }
0x4b4: {  	v16 =	vadd.f32 v18, v16  }
0x4b5: {  	s6 =	sadd.s32 $0x10, s6;
	v47 =	vadd.s32 v2, v19  }
0x4b6: {  	[tilespmem:s6+$0x0] =	vst v16  }
0x4b7: {  	v48 =	vadd.s32 v3, v19;
	v16 =	vld.idx.msk [tilespmem:v46+s16+$0x0], $0xffff  }
0x4b8: {  	v17 =	vld.idx.msk [tilespmem:v17+s16+$0x0], $0xffff  }
0x4b9: {  	v21 =	vadd.s32 v4, v19  }
0x4ba: {  	v18 =	vld.idx.msk [tilespmem:v47+s16+$0x0], $0xffff  }
0x4bb: {  	v22 =	vadd.s32 v5, v19  }
0x4bc: {  	v20 =	vld.idx.msk [tilespmem:v48+s16+$0x0], $0xffff  }
0x4bd: {  	v23 =	vadd.s32 v6, v19;
	v16 =	vadd.f32 v16, v17  }
0x4be: {  	v17 =	vld.idx.msk [tilespmem:v21+s16+$0x0], $0xffff  }
0x4bf: {  	v49 =	vadd.s32 v7, v19;
	v16 =	vadd.f32 v18, v16  }
0x4c0: {  	v50 =	vld.idx.msk [tilespmem:v22+s16+$0x0], $0xffff  }
0x4c1: {  	v51 =	vadd.s32 v8, v19;
	v16 =	vadd.f32 v20, v16  }
0x4c2: {  	v52 =	vld.idx.msk [tilespmem:v23+s16+$0x0], $0xffff  }
0x4c3: {  	v53 =	vadd.s32 v9, v19;
	v16 =	vadd.f32 v17, v16  }
0x4c4: {  	v17 =	vld.idx.msk [tilespmem:v49+s16+$0x0], $0xffff  }
0x4c5: {  	v54 =	vadd.s32 v10, v19;
	v16 =	vadd.f32 v50, v16  }
0x4c6: {  	v55 =	vld.idx.msk [tilespmem:v51+s16+$0x0], $0xffff  }
0x4c7: {  	v56 =	vadd.s32 v11, v19;
	v16 =	vadd.f32 v52, v16  }
0x4c8: {  	v57 =	vld.idx.msk [tilespmem:v53+s16+$0x0], $0xffff  }
0x4c9: {  	v58 =	vadd.s32 v12, v19;
	v16 =	vadd.f32 v17, v16  }
0x4ca: {  	v17 =	vld.idx.msk [tilespmem:v54+s16+$0x0], $0xffff  }
0x4cb: {  	v59 =	vadd.s32 v13, v19;
	v16 =	vadd.f32 v55, v16  }
0x4cc: {  	v60 =	vld.idx.msk [tilespmem:v56+s16+$0x0], $0xffff  }
0x4cd: {  	v61 =	vadd.s32 v14, v19;
	v16 =	vadd.f32 v57, v16  }
0x4ce: {  	v62 =	vld.idx.msk [tilespmem:v58+s16+$0x0], $0xffff  }
0x4cf: {  	v19 =	vadd.s32 v15, v19;
	v16 =	vadd.f32 v17, v16  }
0x4d0: {  	v17 =	vld.idx.msk [tilespmem:v59+s16+$0x0], $0xffff  }
0x4d1: {  	v16 =	vadd.f32 v60, v16  }
0x4d2: {  	v63 =	vld.idx.msk [tilespmem:v61+s16+$0x0], $0xffff  }
0x4d3: {  	v16 =	vadd.f32 v62, v16  }
0x4d4: {  	v19 =	vld.idx.msk [tilespmem:v19+s16+$0x0], $0xffff  }
0x4d5: {  	v16 =	vadd.f32 v17, v16;
	_ =	sdelay $0x1  }
0x4d6: {  	v16 =	vadd.f32 v63, v16  }
.Ltmp6:
0x4d7: {  	s1 =	sadd.s32 s9, s1;
	(pc) =	sbr.rel @p1 .LBB2_12-.Ltmp6, $4  }
0x4d8: {  	s1 =	smul.u32 $0x2A, s1;
	v16 =	vadd.f32 v19, v16  }
0x4d9: {  	s6 =	sadd.s32 $0x10, s6  }
0x4da: {  	s1 =	sadd.s32 s5, s1;
	[tilespmem:s6+$0x0] =	vst v16  }
0x4db: {  	[hbm4b:s1+s2] =	stream.linear.scatter [tilespmem:s20], [sflag:$0x4], $0x150, $0x38;
	[tilespmem:$0xFE20] =	vst v63  }
0x4dc: {  	s1 =	sadd.s32 $0x3, s30  }
0x4dd: {  	s6 =	sshll.u32 s1, $0x4;
	s1 =	smul.u32 $0x500, s1  }
0x4de: {  	[tilespmem:s24], [sflag:$0x2] =	stream.indirect.gather [hbm4b:s3+s14], $0x40, s6, s14, $0xb8;
	[tilespmem:$0xFE20] =	vst v63  }
0x4df: {  	s6 =	sadd.s32 $0x200, s6;
	s1 =	sshra.s32 s1, $0x2  }
0x4e0: {  	[tilespmem:s26], [sflag:$0x2] =	stream.indirect.gather [hbm4b:s4+s14], $0x40, s6, s14, $0xb8;
	[tilespmem:$0xFE20] =	vst v63  }
0x4e1: {  	s22 =	sadd.s32 $0x400, s1  }
0x4e2: {  	[tilespmem:s29], [sflag:$0x2] =	stream.indirect.gather [hbm4b:s4+s17], $0x40, s22, s17, $0xb8;
	[tilespmem:$0xFE20] =	vst v63  }
.Ltmp7:
0x4e3: {  	_ = 	snop;
	(pc) =	sbr.rel .LBB2_2-.Ltmp7, $4  }
0x4e4: {  	s30 =	sadd.s32 $0x480, s1  }
0x4e5: {  	[tilespmem:s31], [sflag:$0x2] =	stream.indirect.gather [hbm4b:s4+s17], $0x40, s30, s17, $0xb8;
	[tilespmem:$0xFE20] =	vst v63  }
0x4e6: {  	s28 =	sadd.s32 $0x1, s28;
	s1 =	sadd.s32 $0x500, s1  }
0x4e7: {  	[tilespmem:s0], [sflag:$0x2] =	stream.indirect.gather [hbm4b:s4+s21], $0x40, s1, s21, $0xb8;
	[tilespmem:$0xFE20] =	vst v63  }
.LBB2_13:
0x4e8: {  	_ =	sfence.sel $0x180000  }
0x4e9: {  	[bflag:$0x0] =	sbarrier.arrive $0xFFFF  }
0x4ea: {  	_ =	strace $0x90000047  }
0x4eb: {  	s0 =	stileid.u32;
	[bflag:$0x2] =	sbarrier.arrive $0xFFFF  }
0x4ec: {  	p0 =	sne.s32 s0, $0x0;
	s0 =	rddreg [dreg:$0x3]  }
0x4ed: {  	s0 =	sadd.s32 @!p0 $0x100000, s0  }
0x4ee: {  	[sflag:s0] =	ssyncadd.tile.s32 @!p0 $0x1;
	_ =	shalt  }
.Lfunc_end2:
_tile_overlayer_lowered:
.L_overlay_start_2:
0x4ef: {  	(tag) =	ssettag $0x2  }
0x4f0: {  	s0 =	rddreg [dreg:$0x0];
	s2 =	stileid.u32  }
0x4f1: {  	s1 =	rddreg [dreg:$0x1];
	p0 =	sne.s32 s2, $0x0  }
0x4f2: {  	s3 =	rddreg [dreg:$0x2];
	[bflag:$0x3] =	sbarrier.arrive $0xFFFF;
	s2 =	simm.s32 @!p0 $0x1C05  }
0x4f3: {  	[timem:s3], [sflag:s2] =	dma.local @!p0 [hbm:s0], s1  }
0x4f4: {  	s0 =	simm.s32 @!p0 $0x5  }
0x4f5: {  	_ =	swait.ge @!p0 [sflag:s0], s1  }
0x4f6: {  	s1 =	ssub.s32 @!p0 $0x0, s1;
	[sflag:s0] =	ssyncset.done @!p0 $0x0  }
0x4f7: {  	[sflag:s0] =	ssyncadd.s32 @!p0 s1  }
0x4f8: {  	[bflag:$0x3] =	sbarrier.arrive $0xFFFF  }
0x4f9: {  	_ =	shalt  }

</sc_bundles>
